<compile_context>
chip_gen: v7x
topology: tpu7x:2x2x1
jax: 0.10.2.dev20260603
libtpu: 0.0.44.dev20260713+nightly
codegen_flags: <defaults>
</compile_context>

<pallas_src>
import functools

import jax
import jax.numpy as jnp
from jax.experimental import pallas as pl
from jax.experimental.pallas import tpu as pltpu
from jax.experimental.pallas import tpu_sc as plsc

N = 8192
B = 8
K = 16
NEG_INF = float("-inf")


def _mdot(a, b):
    return jax.lax.dot_general(
        a.astype(jnp.bfloat16), b.astype(jnp.bfloat16),
        (((a.ndim - 1,), (0,)), ((), ())),
        preferred_element_type=jnp.float32)



W_WIN1 = 1280
W_WIN2 = 2560


def _extract_topk(d2_ref, idx_ref, r, width, off):
    iota = jax.lax.broadcasted_iota(jnp.int32, (r, width), 1)
    iota_k = jax.lax.broadcasted_iota(jnp.int32, (r, K), 1)

    def body(t, idxs):
        d = d2_ref[:, :width]
        m = jnp.min(d, axis=1, keepdims=True)
        cand = jnp.where(d <= m, iota, width)
        j = jnp.min(cand, axis=1, keepdims=True)
        d2_ref[:, :width] = jnp.where(iota == j, jnp.inf, d)
        return jnp.where(iota_k == t, j, idxs)

    idx_ref[...] = jax.lax.fori_loop(
        0, K, body, jnp.zeros((r, K), jnp.int32)) + off


def _topk_body(x_ref, xt_ref, bat_ref, batt_ref, idx_ref, d2_ref):
    r = x_ref.shape[0]
    n = xt_ref.shape[1]
    xb = x_ref[...]
    sqr = jnp.sum(xb * xb, axis=1, keepdims=True)
    bat = bat_ref[...]
    batt = batt_ref[...]
    iota_n = jax.lax.broadcasted_iota(jnp.int32, (1, n), 1)

    bmin = jnp.min(bat)
    bmax = jnp.max(bat)
    lo = jnp.min(jnp.where(batt == bmin, iota_n, n))
    hi = jnp.max(jnp.where(batt == bmax, iota_n, -1)) + 1

    def _windowed(width):
        lo_al = jnp.minimum((lo // 128) * 128, n - width)
        lo_al = pl.multiple_of(lo_al, 128)
        return lo_al, (hi - lo_al) <= width

    lo1, fits1 = _windowed(W_WIN1)
    lo2, fits2 = _windowed(W_WIN2)

    def _run(width, lo_al):
        xt = xt_ref[:, pl.ds(lo_al, width)]
        sqc = jnp.sum(xt * xt, axis=0, keepdims=True)
        dot = _mdot(xb, xt)
        d2 = sqr + sqc - 2.0 * dot
        mask = bat != batt_ref[:, pl.ds(lo_al, width)]
        d2_ref[:, :width] = jnp.where(mask, jnp.inf, d2)
        _extract_topk(d2_ref, idx_ref, r, width, lo_al)

    @pl.when(fits1)
    def _():
        _run(W_WIN1, lo1)

    @pl.when(jnp.logical_not(fits1) & fits2)
    def _():
        _run(W_WIN2, lo2)

    @pl.when(jnp.logical_not(fits2))
    def _():
        xt = xt_ref[...]
        sqc = jnp.sum(xt * xt, axis=0, keepdims=True)
        dot = _mdot(xb, xt)
        d2 = sqr + sqc - 2.0 * dot
        d2_ref[...] = jnp.where(bat != batt, jnp.inf, d2)
        _extract_topk(d2_ref, idx_ref, r, n, 0)


def _topk_rt_body(x_ref, xr_ref, sq_ref, bat_ref, batt_ref, idx_ref, d2_ref):
    r = x_ref.shape[0]
    n = xr_ref.shape[0]
    xb = x_ref[...]
    sqr = jnp.sum(xb * xb, axis=1, keepdims=True)
    bat = bat_ref[...]
    batt = batt_ref[...]
    iota_n = jax.lax.broadcasted_iota(jnp.int32, (1, n), 1)

    bmin = jnp.min(bat)
    bmax = jnp.max(bat)
    lo = jnp.min(jnp.where(batt == bmin, iota_n, n))
    hi = jnp.max(jnp.where(batt == bmax, iota_n, -1)) + 1

    def _windowed(width):
        lo_al = jnp.minimum((lo // 128) * 128, n - width)
        lo_al = pl.multiple_of(lo_al, 128)
        return lo_al, (hi - lo_al) <= width

    lo1, fits1 = _windowed(W_WIN1)
    lo2, fits2 = _windowed(W_WIN2)

    def _run(width, lo_al):
        xw = xr_ref[pl.ds(lo_al, width), :]
        dot = jax.lax.dot_general(
            xb.astype(jnp.bfloat16), xw.astype(jnp.bfloat16),
            (((1,), (1,)), ((), ())),
            preferred_element_type=jnp.float32)
        d2 = sqr + sq_ref[:, pl.ds(lo_al, width)] - 2.0 * dot
        mask = bat != batt_ref[:, pl.ds(lo_al, width)]
        d2_ref[:, :width] = jnp.where(mask, jnp.inf, d2)
        _extract_topk(d2_ref, idx_ref, r, width, lo_al)

    @pl.when(fits1)
    def _():
        _run(W_WIN1, lo1)

    @pl.when(jnp.logical_not(fits1) & fits2)
    def _():
        _run(W_WIN2, lo2)

    @pl.when(jnp.logical_not(fits2))
    def _():
        xw = xr_ref[...]
        dot = jax.lax.dot_general(
            xb.astype(jnp.bfloat16), xw.astype(jnp.bfloat16),
            (((1,), (1,)), ((), ())),
            preferred_element_type=jnp.float32)
        d2 = sqr + sq_ref[...] - 2.0 * dot
        d2_ref[...] = jnp.where(bat != batt, jnp.inf, d2)
        _extract_topk(d2_ref, idx_ref, r, n, 0)


def _topk_rt(x, sq_row, bat, batt, block_rows, interpret=False):
    n, d = x.shape
    grid = n // block_rows
    return pl.pallas_call(
        _topk_rt_body,
        grid=(grid,),
        in_specs=[
            pl.BlockSpec((block_rows, d), lambda b: (b, 0)),
            pl.BlockSpec((n, d), lambda b: (0, 0)),
            pl.BlockSpec((1, n), lambda b: (0, 0)),
            pl.BlockSpec((block_rows, 1), lambda b: (b, 0)),
            pl.BlockSpec((1, n), lambda b: (0, 0)),
        ],
        out_specs=pl.BlockSpec((block_rows, K), lambda b: (b, 0)),
        out_shape=jax.ShapeDtypeStruct((n, K), jnp.int32),
        scratch_shapes=[pltpu.VMEM((block_rows, n), jnp.float32)],
        interpret=interpret,
    )(x, x, sq_row, bat, batt)


def _topk(x, xt, bat, batt, block_rows, interpret=False):
    n, d = x.shape
    grid = n // block_rows
    return pl.pallas_call(
        _topk_body,
        grid=(grid,),
        in_specs=[
            pl.BlockSpec((block_rows, d), lambda b: (b, 0)),
            pl.BlockSpec((d, n), lambda b: (0, 0)),
            pl.BlockSpec((block_rows, 1), lambda b: (b, 0)),
            pl.BlockSpec((1, n), lambda b: (0, 0)),
        ],
        out_specs=pl.BlockSpec((block_rows, K), lambda b: (b, 0)),
        out_shape=jax.ShapeDtypeStruct((n, K), jnp.int32),
        scratch_shapes=[pltpu.VMEM((block_rows, n), jnp.float32)],
        interpret=interpret,
    )(x, xt, bat, batt)



def _sc_gather(src, idx_flat, window=128, interpret=False):
    m = idx_flat.shape[1]
    dim = src.shape[1]
    mesh = plsc.VectorSubcoreMesh(
        core_axis_name="core", subcore_axis_name="subcore")

    @functools.partial(
        pl.kernel,
        out_type=jax.ShapeDtypeStruct((m, dim), src.dtype),
        mesh=mesh,
        compiler_params=pltpu.CompilerParams(use_tc_tiling_on_sc=False))
    def _k(x_hbm, i_hbm, o_hbm):
        def body(i_vmem, o_vmem):
            pltpu.sync_copy(x_hbm.at[i_vmem.at[0]], o_vmem)

        pltpu.emit_pipeline(
            body,
            grid=(m // window,),
            in_specs=[pl.BlockSpec((1, window), index_map=lambda i: (0, i))],
            out_specs=[pl.BlockSpec((window, dim), index_map=lambda i: (i, 0))],
            core_axis_name=("core", "subcore"),
            dimension_semantics=(pltpu.PARALLEL,),
        )(i_hbm, o_hbm)

    return _k(src, idx_flat)



def _edge_body(x_ref, g_ref, w1_ref, b1_ref, w2_ref, b2_ref, out_ref, *, d):
    r = x_ref.shape[0]
    f2 = w2_ref.shape[1]
    xi = x_ref[...][:, :d]
    xj = g_ref[...].reshape(r, K, g_ref.shape[1])[:, :, :d]
    xi3 = jnp.broadcast_to(xi[:, None, :], (r, K, d))
    e = jnp.concatenate([xi3, xj - xi3], axis=-1)
    e = e.reshape(r * K, 2 * d)
    h = jnp.maximum(_mdot(e, w1_ref[...]) + b1_ref[...], 0.0)
    h = jnp.maximum(_mdot(h, w2_ref[...]) + b2_ref[...], 0.0)
    out = jnp.max(h.reshape(r, K, f2), axis=1)
    out_ref[...] = jnp.maximum(out, 0.0)


def _edge_sq_body(x_ref, g_ref, w1_ref, b1_ref, w2_ref, b2_ref, bat_ref,
                  out_ref, sq_ref, *, d):
    _edge_body(x_ref, g_ref, w1_ref, b1_ref, w2_ref, b2_ref, out_ref, d=d)
    out = out_ref[...]
    sq_ref[...] = jnp.sum(out * out, axis=1, keepdims=True)


def _edge_seg_body(x_ref, g_ref, w1_ref, b1_ref, w2_ref, b2_ref, bat_ref,
                   out_ref, seg_ref, *, d):
    _edge_body(x_ref, g_ref, w1_ref, b1_ref, w2_ref, b2_ref, out_ref, d=d)

    @pl.when(pl.program_id(0) == 0)
    def _():
        seg_ref[...] = jnp.full_like(seg_ref, NEG_INF)

    x2 = out_ref[...]
    bat = bat_ref[...]
    for s in range(B):
        v = jnp.max(jnp.where(bat == s, x2, NEG_INF), axis=0,
                    keepdims=True)
        seg_ref[s:s + 1, :] = jnp.maximum(seg_ref[s:s + 1, :], v)


def _edge_mlp(x, g, w1, b1, w2, b2, bat, d, block_rows, with_seg=True,
              interpret=False):
    n = x.shape[0]
    f1 = w1.shape[1]
    f2 = w2.shape[1]
    grid = n // block_rows
    b1r = b1.reshape(1, f1)
    b2r = b2.reshape(1, f2)
    if with_seg:
        body = functools.partial(_edge_seg_body, d=d)
        out2_spec = pl.BlockSpec((B, f2), lambda b: (0, 0))
        out2_shape = jax.ShapeDtypeStruct((B, f2), jnp.float32)
    else:
        body = functools.partial(_edge_sq_body, d=d)
        out2_spec = pl.BlockSpec((block_rows, 1), lambda b: (b, 0))
        out2_shape = jax.ShapeDtypeStruct((n, 1), jnp.float32)
    return pl.pallas_call(
        body,
        grid=(grid,),
        in_specs=[
            pl.BlockSpec((block_rows, x.shape[1]), lambda b: (b, 0)),
            pl.BlockSpec((block_rows * K, g.shape[1]), lambda b: (b, 0)),
            pl.BlockSpec(w1.shape, lambda b: (0, 0)),
            pl.BlockSpec(b1r.shape, lambda b: (0, 0)),
            pl.BlockSpec(w2.shape, lambda b: (0, 0)),
            pl.BlockSpec(b2r.shape, lambda b: (0, 0)),
            pl.BlockSpec((block_rows, 1), lambda b: (b, 0)),
        ],
        out_specs=[
            pl.BlockSpec((block_rows, f2), lambda b: (b, 0)),
            out2_spec,
        ],
        out_shape=[
            jax.ShapeDtypeStruct((n, f2), jnp.float32),
            out2_shape,
        ],
        interpret=interpret,
    )(x, g, w1, b1r, w2, b2r, bat)



def _head_body(x1_ref, x2_ref, g_ref, w1_ref, b1_ref, w2_ref, b2_ref,
               w3_ref, b3_ref, x4_ref, score_ref):
    r = x1_ref.shape[0]
    g = jnp.broadcast_to(g_ref[0], (r, g_ref.shape[2]))
    x4 = jnp.concatenate([x1_ref[...], x2_ref[...], g], axis=-1)
    x4_ref[...] = x4
    h = jnp.maximum(_mdot(x4, w1_ref[...]) + b1_ref[...], 0.0)
    h = _mdot(h, w2_ref[...]) + b2_ref[...]
    fea = _mdot(h, w3_ref[...]) + b3_ref[...]
    score_ref[...] = jax.nn.sigmoid(fea)


def _head(x1, x2, gseg3, wh1, bh1, wh2, bh2, wh3, bh3, block_rows,
          interpret=False):
    n = x1.shape[0]
    seg_rep = 1024
    b1r = bh1.reshape(1, -1)
    b2r = bh2.reshape(1, -1)
    b3r = bh3.reshape(1, -1)
    grid = n // block_rows
    return pl.pallas_call(
        _head_body,
        grid=(grid,),
        in_specs=[
            pl.BlockSpec((block_rows, x1.shape[1]), lambda b: (b, 0)),
            pl.BlockSpec((block_rows, x2.shape[1]), lambda b: (b, 0)),
            pl.BlockSpec((1, 1, gseg3.shape[2]),
                         lambda b: (b * block_rows // seg_rep, 0, 0)),
            pl.BlockSpec(wh1.shape, lambda b: (0, 0)),
            pl.BlockSpec(b1r.shape, lambda b: (0, 0)),
            pl.BlockSpec(wh2.shape, lambda b: (0, 0)),
            pl.BlockSpec(b2r.shape, lambda b: (0, 0)),
            pl.BlockSpec(wh3.shape, lambda b: (0, 0)),
            pl.BlockSpec(b3r.shape, lambda b: (0, 0)),
        ],
        out_specs=[
            pl.BlockSpec((block_rows, x1.shape[1] + x2.shape[1]
                          + gseg3.shape[2]), lambda b: (b, 0)),
            pl.BlockSpec((block_rows, 1), lambda b: (b, 0)),
        ],
        out_shape=[
            jax.ShapeDtypeStruct(
                (n, x1.shape[1] + x2.shape[1] + gseg3.shape[2]), jnp.float32),
            jax.ShapeDtypeStruct((n, 1), jnp.float32),
        ],
        interpret=interpret,
    )(x1, x2, gseg3, wh1, b1r, wh2, b2r, wh3, b3r)



def kernel(x, pos, batch, W1a, b1a, W2a, b2a, W1b, b1b, W2b, b2b,
           Wh1, bh1, Wh2, bh2, Wh3, bh3):
    del pos
    n = x.shape[0]
    bat = batch.astype(jnp.int32).reshape(n, 1)
    batt = batch.astype(jnp.int32).reshape(1, n)

    xpad = jnp.pad(x, ((0, 0), (0, 16 - x.shape[1])))
    idx_a = _topk(x, x.T, bat, batt, block_rows=256)
    ga = _sc_gather(xpad, idx_a.reshape(1, n * K))
    x1, sq1 = _edge_mlp(xpad, ga, W1a, b1a, W2a, b2a, bat, d=3,
                        block_rows=256, with_seg=False)

    idx_b = _topk_rt(x1, sq1.reshape(1, n), bat, batt, block_rows=256)
    gb = _sc_gather(x1, idx_b.reshape(1, n * K), window=256)
    x2, gseg = _edge_mlp(x1, gb, W1b, b1b, W2b, b2b, bat, d=64,
                         block_rows=256)

    x4, score = _head(x1, x2, gseg.reshape(B, 1, -1),
                      Wh1, bh1, Wh2, bh2, Wh3, bh3, block_rows=512)
    return (x4, score)

# --- scband reference (transcript-rebuilt; emitter-appended) ---
"""Pipeline reference for scband-autoencoder-54700703482033 (READ-ONLY COPY).

The authoritative reference and input builder live on the scoring server;
editing this copy changes nothing except your own understanding.
"""

import jax, jax.numpy as jnp
import numpy as np

N = 8192
B = 8
K = 16


def _dgcnn_layer(x, batch, W1, b1, W2, b2, k=K):
    # dynamic knn graph in feature space, restricted to same point cloud (batch)
    sq = jnp.sum(x * x, axis=-1)
    d2 = sq[:, None] + sq[None, :] - 2.0 * (x @ x.T)
    mask = batch[:, None] != batch[None, :]
    d2 = jnp.where(mask, jnp.inf, d2)
    _, idx = jax.lax.top_k(-d2, k)  # [N, K] nearest neighbors (includes self)
    xj = x[idx]                     # gather neighbor features [N, K, d]
    xi = jnp.broadcast_to(x[:, None, :], xj.shape)
    e = jnp.concatenate([xi, xj - xi], axis=-1)  # EdgeConv message [N, K, 2d]
    h = jax.nn.relu(e @ W1 + b1)
    h = jax.nn.relu(h @ W2 + b2)
    out = jnp.max(h, axis=1)        # max aggregation over neighbors
    return jax.nn.relu(out)         # DGCNN.activ


def setup_inputs(seed: int = 0):
    key = jax.random.key(seed)
    ks = jax.random.split(key, 12)
    x = jax.random.normal(ks[0], (N, 3), jnp.float32)
    pos = jax.random.normal(ks[1], (N, 3), jnp.float32)
    batch = jnp.sort(jax.random.randint(ks[2], (N,), 0, B)).astype(jnp.int64)

    def lin(k, fi, fo):
        w = jax.random.normal(k, (fi, fo), jnp.float32) * (1.0 / np.sqrt(fi))
        b = jnp.zeros((fo,), jnp.float32)
        return w, b

    W1a, b1a = lin(ks[3], 6, 32)
    W2a, b2a = lin(ks[4], 32, 64)
    W1b, b1b = lin(ks[5], 128, 128)
    W2b, b2b = lin(ks[6], 128, 256)
    Wh1, bh1 = lin(ks[7], 576, 256)
    Wh2, bh2 = lin(ks[8], 256, 64)
    Wh3, bh3 = lin(ks[9], 64, 1)
    return {
        'x': x, 'pos': pos, 'batch': batch,
        'W1a': W1a, 'b1a': b1a, 'W2a': W2a, 'b2a': b2a,
        'W1b': W1b, 'b1b': b1b, 'W2b': W2b, 'b2b': b2b,
        'Wh1': Wh1, 'bh1': bh1, 'Wh2': Wh2, 'bh2': bh2, 'Wh3': Wh3, 'bh3': bh3,
    }


def reference(x, pos, batch, W1a, b1a, W2a, b2a, W1b, b1b, W2b, b2b, Wh1, bh1, Wh2, bh2, Wh3, bh3):
    # NoiseScoreNet.forward (pos is unused by DGCNN layers, matching original)
    x1 = _dgcnn_layer(x, batch, W1a, b1a, W2a, b2a)          # [N, 64]
    x2 = _dgcnn_layer(x1, batch, W1b, b1b, W2b, b2b)         # [N, 256]
    global_fea = jax.ops.segment_max(x2, batch, num_segments=B)  # [B, 256]
    global_fea = jnp.repeat(global_fea, 1024, axis=0)        # [N, 256]
    x4 = jnp.concatenate([x1, x2, global_fea], axis=-1)      # [N, 576]
    h = jax.nn.relu(x4 @ Wh1 + bh1)
    h = h @ Wh2 + bh2
    fea = h @ Wh3 + bh3
    score = jax.nn.sigmoid(fea)
    return (x4, score)

if __name__ == "__main__":
    import jax
    _d = setup_inputs()
    print(jax.jit(kernel)(*tuple(_d.values())))

</pallas_src>

<mosaic_0001>
#map = affine_map<(d0, d1) -> (0, 0)>
module attributes {stable_mosaic.version = 14 : i64} {
  func.func @_k(%arg0: i32, %arg1: i32, %arg2: memref<8192x16xf32, #tpu.memory_space<hbm>>, %arg3: memref<1x131072xi32, #tpu.memory_space<hbm>>, %arg4: memref<131072x16xf32, #tpu.memory_space<hbm>>) attributes {dimension_semantics = [#tpu.dimension_semantics<core_parallel>, #tpu.dimension_semantics<subcore_parallel>], iteration_bounds = array<i64: 2, 16>, scalar_prefetch = 0 : i64, scratch_operands = 0 : i64, tpu.core_type = #tpu.core_type<sc_vector_subcore>, window_params = [{transform_indices = #map}, {transform_indices = #map}, {transform_indices = #map}]} {
    %mul3A = arith.constant 1 : i32
    %mul3A_0 = arith.muli %arg1, %mul3A : i32
    %add3A = arith.constant 0 : i32
    %add3A_1 = arith.addi %add3A, %mul3A_0 : i32
    %mul3A_2 = arith.constant 16 : i32
    %mul3A_3 = arith.muli %arg0, %mul3A_2 : i32
    %add3A_4 = arith.addi %add3A_1, %mul3A_3 : i32
    %mul3A_5 = arith.constant 32 : i32
    %mul3A_6 = arith.muli %add3A_4, %mul3A_5 : i32
    "tpu.region"() ({
      %run_scoped3A = memref.alloca() : memref<2x1x128xi32, #tpu.memory_space<vmem>>
      %run_scoped3A_7 = tpu.sem_alloc : memref<2x!tpu.dma_semaphore, #tpu.memory_space<semaphore_mem>>
      %run_scoped3A_8 = memref.alloca() : memref<2x128x16xf32, #tpu.memory_space<vmem>>
      %run_scoped3A_9 = tpu.sem_alloc : memref<2x!tpu.dma_semaphore, #tpu.memory_space<semaphore_mem>>
      %add3A_10 = arith.constant 0 : i32
      %add3A_11 = arith.addi %add3A_10, %mul3A_6 : i32
      %select_n3A = arith.constant true
      %select_n3A_12 = arith.constant 0 : i32
      %select_n3A_13 = arith.constant -1 : i32
      %select_n3A_14 = arith.select %select_n3A, %select_n3A_13, %select_n3A_12 : i32
      %eq3A = arith.constant -1 : i32
      %eq3A_15 = arith.cmpi eq, %select_n3A_14, %eq3A : i32
      %select_n3A_16 = arith.constant 31 : i32
      %select_n3A_17 = arith.select %eq3A_15, %select_n3A_16, %select_n3A_14 : i32
      %add3A_18 = arith.addi %select_n3A_17, %mul3A_6 : i32
      %select_n3A_19 = arith.constant true
      %select_n3A_20 = arith.constant 0 : i32
      %select_n3A_21 = arith.constant 1 : i32
      %select_n3A_22 = arith.select %select_n3A_19, %select_n3A_21, %select_n3A_20 : i32
      %eq3A_23 = arith.constant 32 : i32
      %eq3A_24 = arith.cmpi eq, %select_n3A_22, %eq3A_23 : i32
      %select_n3A_25 = arith.constant 0 : i32
      %select_n3A_26 = arith.select %eq3A_24, %select_n3A_25, %select_n3A_22 : i32
      %add3A_27 = arith.addi %select_n3A_26, %mul3A_6 : i32
      %add3A_28 = arith.constant 1 : i32
      %add3A_29 = arith.addi %select_n3A_26, %add3A_28 : i32
      %select_n3A_30 = arith.constant true
      %select_n3A_31 = arith.select %select_n3A_30, %add3A_29, %select_n3A_26 : i32
      %eq3A_32 = arith.constant 32 : i32
      %eq3A_33 = arith.cmpi eq, %select_n3A_31, %eq3A_32 : i32
      %select_n3A_34 = arith.constant 0 : i32
      %select_n3A_35 = arith.select %eq3A_33, %select_n3A_34, %select_n3A_31 : i32
      %add3A_36 = arith.addi %select_n3A_35, %mul3A_6 : i32
      "tpu.trace_start"() <{level = 10 : i32, message = "ep_initialize_0"}> : () -> ()
      %rem3A = arith.constant 0 : i32
      %rem3A_37 = arith.constant 2 : i32
      %rem3A_38 = arith.remui %rem3A, %rem3A_37 : i32
      %mul3A_39 = arith.constant 128 : i32
      %mul3A_40 = arith.muli %mul3A_39, %add3A_11 : i32
      %dma_start3A = arith.constant 0 : i32
      %dma_start3A_41 = arith.constant 0 : i32
      %dma_start3A_42 = tpu.memref_slice %run_scoped3A[%rem3A_38, %dma_start3A, %dma_start3A_41] : memref<2x1x128xi32, #tpu.memory_space<vmem>> -> memref<1x1x128xi32, #tpu.memory_space<vmem>>
      %dma_start3A_43 = tpu.memref_squeeze %dma_start3A_42 : memref<1x1x128xi32, #tpu.memory_space<vmem>> -> memref<1x128xi32, #tpu.memory_space<vmem>>
      %dma_start3A_44 = arith.constant 0 : i32
      %dma_start3A_45 = tpu.memref_slice %arg3[%dma_start3A_44, %mul3A_40] : memref<1x131072xi32, #tpu.memory_space<hbm>> -> memref<1x128xi32, #tpu.memory_space<hbm>>
      %dma_start3A_46 = tpu.memref_slice %run_scoped3A_7[%rem3A_38] : memref<2x!tpu.dma_semaphore, #tpu.memory_space<semaphore_mem>> -> memref<1x!tpu.dma_semaphore, #tpu.memory_space<semaphore_mem>>
      %dma_start3A_47 = tpu.memref_squeeze %dma_start3A_46 : memref<1x!tpu.dma_semaphore, #tpu.memory_space<semaphore_mem>> -> memref<!tpu.dma_semaphore, #tpu.memory_space<semaphore_mem>>
      %dma_start3A_48 = arith.constant 0 : i32
      %dma_start3A_49 = arith.constant 0 : i32
      %dma_start3A_50 = tpu.memref_slice %run_scoped3A[%rem3A_38, %dma_start3A_48, %dma_start3A_49] : memref<2x1x128xi32, #tpu.memory_space<vmem>> -> memref<1x1x128xi32, #tpu.memory_space<vmem>>
      %dma_start3A_51 = tpu.memref_squeeze %dma_start3A_50 : memref<1x1x128xi32, #tpu.memory_space<vmem>> -> memref<1x128xi32, #tpu.memory_space<vmem>>
      %dma_start3A_52 = arith.constant 0 : i32
      %dma_start3A_53 = tpu.memref_slice %arg3[%dma_start3A_52, %mul3A_40] : memref<1x131072xi32, #tpu.memory_space<hbm>> -> memref<1x128xi32, #tpu.memory_space<hbm>>
      tpu.enqueue_dma source(%dma_start3A_53 : memref<1x128xi32, #tpu.memory_space<hbm>>) target(%dma_start3A_51 : memref<1x128xi32, #tpu.memory_space<vmem>>) target_semaphore(%dma_start3A_47 : memref<!tpu.dma_semaphore, #tpu.memory_space<semaphore_mem>>)
      %add3A_54 = arith.constant 0 : i32
      %add3A_55 = arith.constant 1 : i32
      %add3A_56 = arith.addi %add3A_54, %add3A_55 : i32
      %select_n3A_57 = arith.constant true
      %select_n3A_58 = arith.constant 0 : i32
      %select_n3A_59 = arith.select %select_n3A_57, %add3A_56, %select_n3A_58 : i32
      "tpu.trace_stop"() : () -> ()
      %scan3A = arith.constant 0 : i32
      %scan3A_60 = arith.constant 0 : i32
      %scan3A_61 = arith.constant 0 : i32
      %scan3A_62 = arith.constant 0 : i32
      %scan3A_63 = arith.constant 0 : i32
      %scan3A_64 = arith.constant 32 : i32
      %scan3A_65 = arith.addi %scan3A_63, %scan3A_64 : i32
      %scan3A_66 = arith.constant 1 : i32
      %scan3A_67:5 = scf.for %scan3A_121 = %scan3A_63 to %scan3A_65 step %scan3A_66 iter_args(%scan3A_122 = %select_n3A_59, %scan3A_123 = %scan3A, %scan3A_124 = %scan3A_60, %scan3A_125 = %scan3A_61, %scan3A_126 = %scan3A_62) -> (i32, i32, i32, i32, i32)  : i32 {
        %eq3A_127 = arith.constant 0 : i32
        %eq3A_128 = arith.cmpi eq, %scan3A_121, %eq3A_127 : i32
        %eq3A_129 = arith.constant 31 : i32
        %eq3A_130 = arith.cmpi eq, %scan3A_121, %eq3A_129 : i32
        %add3A_131 = arith.addi %scan3A_126, %mul3A_6 : i32
        %sub3A_132 = arith.constant 1 : i32
        %sub3A_133 = arith.subi %scan3A_126, %sub3A_132 : i32
        %select_n3A_134 = arith.constant true
        %select_n3A_135 = arith.select %select_n3A_134, %sub3A_133, %scan3A_126 : i32
        %eq3A_136 = arith.constant -1 : i32
        %eq3A_137 = arith.cmpi eq, %select_n3A_135, %eq3A_136 : i32
        %select_n3A_138 = arith.constant 31 : i32
        %select_n3A_139 = arith.select %eq3A_137, %select_n3A_138, %select_n3A_135 : i32
        %add3A_140 = arith.addi %select_n3A_139, %mul3A_6 : i32
        %add3A_141 = arith.constant 1 : i32
        %add3A_142 = arith.addi %scan3A_126, %add3A_141 : i32
        %select_n3A_143 = arith.constant true
        %select_n3A_144 = arith.select %select_n3A_143, %add3A_142, %scan3A_126 : i32
        %eq3A_145 = arith.constant 32 : i32
        %eq3A_146 = arith.cmpi eq, %select_n3A_144, %eq3A_145 : i32
        %select_n3A_147 = arith.constant 0 : i32
        %select_n3A_148 = arith.select %eq3A_146, %select_n3A_147, %select_n3A_144 : i32
        %add3A_149 = arith.addi %select_n3A_148, %mul3A_6 : i32
        %add3A_150 = arith.constant 1 : i32
        %add3A_151 = arith.addi %select_n3A_148, %add3A_150 : i32
        %select_n3A_152 = arith.constant true
        %select_n3A_153 = arith.select %select_n3A_152, %add3A_151, %select_n3A_148 : i32
        %eq3A_154 = arith.constant 32 : i32
        %eq3A_155 = arith.cmpi eq, %select_n3A_153, %eq3A_154 : i32
        %select_n3A_156 = arith.constant 0 : i32
        %select_n3A_157 = arith.select %eq3A_155, %select_n3A_156, %select_n3A_153 : i32
        %add3A_158 = arith.addi %select_n3A_157, %mul3A_6 : i32
        %ne3A = arith.cmpi ne, %add3A_131, %add3A_149 : i32
        %or3A = arith.constant false
        %or3A_159 = arith.ori %or3A, %ne3A : i1
        %ge3A = arith.constant 31 : i32
        %ge3A_160 = arith.cmpi sge, %scan3A_121, %ge3A : i32
        %not3A = arith.constant true
        %not3A_161 = arith.xori %ge3A_160, %not3A : i1
        %and3A = arith.andi %or3A_159, %not3A_161 : i1
        %convert_element_type3A = arith.extui %and3A : i1 to i32
        %cond3A = arith.constant 0 : i32
        %cond3A_162 = arith.cmpi ne, %convert_element_type3A, %cond3A : i32
        scf.if %cond3A_162 {
          "tpu.trace_start"() <{level = 10 : i32, message = "ep_copy_in"}> : () -> ()
          %rem3A_264 = arith.constant 2 : i32
          %rem3A_265 = arith.remui %scan3A_122, %rem3A_264 : i32
          %mul3A_266 = arith.constant 128 : i32
          %mul3A_267 = arith.muli %mul3A_266, %add3A_149 : i32
          %dma_start3A_268 = arith.constant 0 : i32
          %dma_start3A_269 = arith.constant 0 : i32
          %dma_start3A_270 = tpu.memref_slice %run_scoped3A[%rem3A_265, %dma_start3A_268, %dma_start3A_269] : memref<2x1x128xi32, #tpu.memory_space<vmem>> -> memref<1x1x128xi32, #tpu.memory_space<vmem>>
          %dma_start3A_271 = tpu.memref_squeeze %dma_start3A_270 : memref<1x1x128xi32, #tpu.memory_space<vmem>> -> memref<1x128xi32, #tpu.memory_space<vmem>>
          %dma_start3A_272 = arith.constant 0 : i32
          %dma_start3A_273 = tpu.memref_slice %arg3[%dma_start3A_272, %mul3A_267] : memref<1x131072xi32, #tpu.memory_space<hbm>> -> memref<1x128xi32, #tpu.memory_space<hbm>>
          %dma_start3A_274 = tpu.memref_slice %run_scoped3A_7[%rem3A_265] : memref<2x!tpu.dma_semaphore, #tpu.memory_space<semaphore_mem>> -> memref<1x!tpu.dma_semaphore, #tpu.memory_space<semaphore_mem>>
          %dma_start3A_275 = tpu.memref_squeeze %dma_start3A_274 : memref<1x!tpu.dma_semaphore, #tpu.memory_space<semaphore_mem>> -> memref<!tpu.dma_semaphore, #tpu.memory_space<semaphore_mem>>
          %dma_start3A_276 = arith.constant 0 : i32
          %dma_start3A_277 = arith.constant 0 : i32
          %dma_start3A_278 = tpu.memref_slice %run_scoped3A[%rem3A_265, %dma_start3A_276, %dma_start3A_277] : memref<2x1x128xi32, #tpu.memory_space<vmem>> -> memref<1x1x128xi32, #tpu.memory_space<vmem>>
          %dma_start3A_279 = tpu.memref_squeeze %dma_start3A_278 : memref<1x1x128xi32, #tpu.memory_space<vmem>> -> memref<1x128xi32, #tpu.memory_space<vmem>>
          %dma_start3A_280 = arith.constant 0 : i32
          %dma_start3A_281 = tpu.memref_slice %arg3[%dma_start3A_280, %mul3A_267] : memref<1x131072xi32, #tpu.memory_space<hbm>> -> memref<1x128xi32, #tpu.memory_space<hbm>>
          tpu.enqueue_dma source(%dma_start3A_281 : memref<1x128xi32, #tpu.memory_space<hbm>>) target(%dma_start3A_279 : memref<1x128xi32, #tpu.memory_space<vmem>>) target_semaphore(%dma_start3A_275 : memref<!tpu.dma_semaphore, #tpu.memory_space<semaphore_mem>>)
          "tpu.trace_stop"() : () -> ()
        } else {
        }
        %and3A_163 = arith.constant true
        %and3A_164 = arith.andi %and3A, %and3A_163 : i1
        %add3A_165 = arith.constant 1 : i32
        %add3A_166 = arith.addi %scan3A_122, %add3A_165 : i32
        %select_n3A_167 = arith.select %and3A_164, %add3A_166, %scan3A_122 : i32
        %ne3A_168 = arith.cmpi ne, %add3A_131, %add3A_149 : i32
        %or3A_169 = arith.constant false
        %or3A_170 = arith.ori %or3A_169, %ne3A_168 : i1
        %or3A_171 = arith.constant false
        %or3A_172 = arith.ori %or3A_170, %or3A_171 : i1
        %ge3A_173 = arith.constant 31 : i32
        %ge3A_174 = arith.cmpi sge, %scan3A_121, %ge3A_173 : i32
        %not3A_175 = arith.constant true
        %not3A_176 = arith.xori %ge3A_174, %not3A_175 : i1
        %and3A_177 = arith.andi %or3A_172, %not3A_176 : i1
        %ne3A_178 = arith.cmpi ne, %add3A_131, %add3A_140 : i32
        %or3A_179 = arith.constant false
        %or3A_180 = arith.ori %or3A_179, %ne3A_178 : i1
        %or3A_181 = arith.ori %or3A_180, %eq3A_128 : i1
        %convert_element_type3A_182 = arith.extui %or3A_181 : i1 to i32
        %cond3A_183 = arith.constant 0 : i32
        %cond3A_184 = arith.cmpi ne, %convert_element_type3A_182, %cond3A_183 : i32
        scf.if %cond3A_184 {
          "tpu.trace_start"() <{level = 10 : i32, message = "ep_wait_in"}> : () -> ()
          %mul3A_264 = arith.constant 128 : i32
          %mul3A_265 = arith.muli %mul3A_264, %add3A_131 : i32
          %rem3A_266 = arith.constant 2 : i32
          %rem3A_267 = arith.remui %scan3A_123, %rem3A_266 : i32
          %dma_wait3A_268 = arith.constant 0 : i32
          %dma_wait3A_269 = arith.constant 0 : i32
          %dma_wait3A_270 = tpu.memref_slice %run_scoped3A[%rem3A_267, %dma_wait3A_268, %dma_wait3A_269] : memref<2x1x128xi32, #tpu.memory_space<vmem>> -> memref<1x1x128xi32, #tpu.memory_space<vmem>>
          %dma_wait3A_271 = tpu.memref_squeeze %dma_wait3A_270 : memref<1x1x128xi32, #tpu.memory_space<vmem>> -> memref<1x128xi32, #tpu.memory_space<vmem>>
          %dma_wait3A_272 = arith.constant 0 : i32
          %dma_wait3A_273 = tpu.memref_slice %arg3[%dma_wait3A_272, %mul3A_265] : memref<1x131072xi32, #tpu.memory_space<hbm>> -> memref<1x128xi32, #tpu.memory_space<hbm>>
          %dma_wait3A_274 = tpu.memref_slice %run_scoped3A_7[%rem3A_267] : memref<2x!tpu.dma_semaphore, #tpu.memory_space<semaphore_mem>> -> memref<1x!tpu.dma_semaphore, #tpu.memory_space<semaphore_mem>>
          %dma_wait3A_275 = tpu.memref_squeeze %dma_wait3A_274 : memref<1x!tpu.dma_semaphore, #tpu.memory_space<semaphore_mem>> -> memref<!tpu.dma_semaphore, #tpu.memory_space<semaphore_mem>>
          %dma_wait3A_276 = arith.constant 0 : i32
          %dma_wait3A_277 = arith.constant 0 : i32
          %dma_wait3A_278 = tpu.memref_slice %run_scoped3A[%rem3A_267, %dma_wait3A_276, %dma_wait3A_277] : memref<2x1x128xi32, #tpu.memory_space<vmem>> -> memref<1x1x128xi32, #tpu.memory_space<vmem>>
          %dma_wait3A_279 = tpu.memref_squeeze %dma_wait3A_278 : memref<1x1x128xi32, #tpu.memory_space<vmem>> -> memref<1x128xi32, #tpu.memory_space<vmem>>
          %dma_wait3A_280 = arith.constant 0 : i32
          %dma_wait3A_281 = tpu.memref_slice %arg3[%dma_wait3A_280, %mul3A_265] : memref<1x131072xi32, #tpu.memory_space<hbm>> -> memref<1x128xi32, #tpu.memory_space<hbm>>
          tpu.wait_dma2 semaphore(%dma_wait3A_275 : memref<!tpu.dma_semaphore, #tpu.memory_space<semaphore_mem>>) src(%dma_wait3A_281 : memref<1x128xi32, #tpu.memory_space<hbm>>) dst(%dma_wait3A_279 : memref<1x128xi32, #tpu.memory_space<vmem>>)
          "tpu.trace_stop"() : () -> ()
        } else {
        }
        %ne3A_185 = arith.cmpi ne, %add3A_131, %add3A_140 : i32
        %or3A_186 = arith.constant false
        %or3A_187 = arith.ori %or3A_186, %ne3A_185 : i1
        %or3A_188 = arith.constant false
        %or3A_189 = arith.ori %or3A_187, %or3A_188 : i1
        %or3A_190 = arith.ori %or3A_189, %eq3A_128 : i1
        %convert_element_type3A_191 = arith.extui %or3A_190 : i1 to i32
        %cond3A_192 = arith.constant 0 : i32
        %cond3A_193 = arith.cmpi ne, %convert_element_type3A_191, %cond3A_192 : i32
        scf.if %cond3A_193 {
        } else {
        }
        %rem3A_194 = arith.constant 2 : i32
        %rem3A_195 = arith.remui %scan3A_123, %rem3A_194 : i32
        %rem3A_196 = arith.constant 2 : i32
        %rem3A_197 = arith.remui %scan3A_124, %rem3A_196 : i32
        %run_scoped3A_198 = arith.constant 0 : i32
        "tpu.trace_start"() <{level = 10 : i32, message = "ep_run_kernel"}> : () -> ()
        "tpu.region"() ({
          %run_scoped3A_264 = tpu.sem_alloc : memref<!tpu.dma_semaphore, #tpu.memory_space<semaphore_mem>>
          %dma_start3A_265 = arith.constant 0 : i32
          %dma_start3A_266 = arith.constant 0 : i32
          %dma_start3A_267 = tpu.memref_slice %run_scoped3A_8[%rem3A_197, %dma_start3A_265, %dma_start3A_266] : memref<2x128x16xf32, #tpu.memory_space<vmem>> -> memref<1x128x16xf32, #tpu.memory_space<vmem>>
          %dma_start3A_268 = tpu.memref_squeeze %dma_start3A_267 : memref<1x128x16xf32, #tpu.memory_space<vmem>> -> memref<128x16xf32, #tpu.memory_space<vmem>>
          %dma_start3A_269 = arith.constant 0 : i32
          %dma_start3A_270 = arith.constant 0 : i32
          %dma_start3A_271 = tpu.memref_slice %run_scoped3A[%rem3A_195, %dma_start3A_269, %dma_start3A_270] : memref<2x1x128xi32, #tpu.memory_space<vmem>> -> memref<1x1x128xi32, #tpu.memory_space<vmem>>
          %dma_start3A_272 = tpu.memref_squeeze %dma_start3A_271 : memref<1x1x128xi32, #tpu.memory_space<vmem>> -> memref<1x128xi32, #tpu.memory_space<vmem>>
          %dma_start3A_273 = arith.constant 0 : i32
          %dma_start3A_274 = tpu.memref_slice %dma_start3A_272[%run_scoped3A_198, %dma_start3A_273] : memref<1x128xi32, #tpu.memory_space<vmem>> -> memref<1x128xi32, #tpu.memory_space<vmem>>
          %dma_start3A_275 = tpu.memref_squeeze %dma_start3A_274 : memref<1x128xi32, #tpu.memory_space<vmem>> -> memref<128xi32, #tpu.memory_space<vmem>>
          %dma_start3A_276 = arith.constant 0 : i32
          %dma_start3A_277 = arith.constant 0 : i32
          %dma_start3A_278 = tpu.memref_slice %arg2[%dma_start3A_276, %dma_start3A_277] : memref<8192x16xf32, #tpu.memory_space<hbm>> -> memref<8192x16xf32, #tpu.memory_space<hbm>>
          tpu.enqueue_indirect_dma source(%dma_start3A_278 : memref<8192x16xf32, #tpu.memory_space<hbm>>) target(%dma_start3A_268 : memref<128x16xf32, #tpu.memory_space<vmem>>) offsets(%dma_start3A_275 : memref<128xi32, #tpu.memory_space<vmem>>) semaphore(%run_scoped3A_264 : memref<!tpu.dma_semaphore, #tpu.memory_space<semaphore_mem>>)
          %dma_wait3A_279 = arith.constant 0 : i32
          %dma_wait3A_280 = arith.constant 0 : i32
          %dma_wait3A_281 = tpu.memref_slice %run_scoped3A_8[%rem3A_197, %dma_wait3A_279, %dma_wait3A_280] : memref<2x128x16xf32, #tpu.memory_space<vmem>> -> memref<1x128x16xf32, #tpu.memory_space<vmem>>
          %dma_wait3A_282 = tpu.memref_squeeze %dma_wait3A_281 : memref<1x128x16xf32, #tpu.memory_space<vmem>> -> memref<128x16xf32, #tpu.memory_space<vmem>>
          %dma_wait3A_283 = arith.constant 0 : i32
          %dma_wait3A_284 = arith.constant 0 : i32
          %dma_wait3A_285 = tpu.memref_slice %run_scoped3A[%rem3A_195, %dma_wait3A_283, %dma_wait3A_284] : memref<2x1x128xi32, #tpu.memory_space<vmem>> -> memref<1x1x128xi32, #tpu.memory_space<vmem>>
          %dma_wait3A_286 = tpu.memref_squeeze %dma_wait3A_285 : memref<1x1x128xi32, #tpu.memory_space<vmem>> -> memref<1x128xi32, #tpu.memory_space<vmem>>
          %dma_wait3A_287 = arith.constant 0 : i32
          %dma_wait3A_288 = tpu.memref_slice %dma_wait3A_286[%run_scoped3A_198, %dma_wait3A_287] : memref<1x128xi32, #tpu.memory_space<vmem>> -> memref<1x128xi32, #tpu.memory_space<vmem>>
          %dma_wait3A_289 = tpu.memref_squeeze %dma_wait3A_288 : memref<1x128xi32, #tpu.memory_space<vmem>> -> memref<128xi32, #tpu.memory_space<vmem>>
          %dma_wait3A_290 = arith.constant 0 : i32
          %dma_wait3A_291 = arith.constant 0 : i32
          %dma_wait3A_292 = tpu.memref_slice %arg2[%dma_wait3A_290, %dma_wait3A_291] : memref<8192x16xf32, #tpu.memory_space<hbm>> -> memref<8192x16xf32, #tpu.memory_space<hbm>>
          tpu.wait_indirect_dma semaphore(%run_scoped3A_264 : memref<!tpu.dma_semaphore, #tpu.memory_space<semaphore_mem>>) src(%dma_wait3A_292 : memref<8192x16xf32, #tpu.memory_space<hbm>>) dst(%dma_wait3A_282 : memref<128x16xf32, #tpu.memory_space<vmem>>)
          tpu.yield
        }) : () -> ()
        "tpu.trace_stop"() : () -> ()
        %ne3A_199 = arith.cmpi ne, %add3A_131, %add3A_149 : i32
        %or3A_200 = arith.constant false
        %or3A_201 = arith.ori %or3A_200, %ne3A_199 : i1
        %or3A_202 = arith.ori %or3A_201, %eq3A_130 : i1
        %convert_element_type3A_203 = arith.extui %or3A_202 : i1 to i32
        %cond3A_204 = arith.constant 0 : i32
        %cond3A_205 = arith.cmpi ne, %convert_element_type3A_203, %cond3A_204 : i32
        scf.if %cond3A_205 {
        } else {
        }
        %and3A_206 = arith.constant false
        %and3A_207 = arith.andi %or3A_202, %and3A_206 : i1
        %ne3A_208 = arith.cmpi ne, %add3A_131, %add3A_149 : i32
        %or3A_209 = arith.constant false
        %or3A_210 = arith.ori %or3A_209, %ne3A_208 : i1
        %or3A_211 = arith.constant false
        %or3A_212 = arith.ori %or3A_210, %or3A_211 : i1
        %or3A_213 = arith.ori %or3A_212, %eq3A_130 : i1
        %convert_element_type3A_214 = arith.extui %or3A_213 : i1 to i32
        %cond3A_215 = arith.constant 0 : i32
        %cond3A_216 = arith.cmpi ne, %convert_element_type3A_214, %cond3A_215 : i32
        scf.if %cond3A_216 {
          "tpu.trace_start"() <{level = 10 : i32, message = "ep_copy_out"}> : () -> ()
          %rem3A_264 = arith.constant 2 : i32
          %rem3A_265 = arith.remui %scan3A_124, %rem3A_264 : i32
          %mul3A_266 = arith.constant 128 : i32
          %mul3A_267 = arith.muli %mul3A_266, %add3A_131 : i32
          %dma_start3A_268 = arith.constant 0 : i32
          %dma_start3A_269 = arith.constant 0 : i32
          %dma_start3A_270 = tpu.memref_slice %run_scoped3A_8[%rem3A_265, %dma_start3A_268, %dma_start3A_269] : memref<2x128x16xf32, #tpu.memory_space<vmem>> -> memref<1x128x16xf32, #tpu.memory_space<vmem>>
          %dma_start3A_271 = tpu.memref_squeeze %dma_start3A_270 : memref<1x128x16xf32, #tpu.memory_space<vmem>> -> memref<128x16xf32, #tpu.memory_space<vmem>>
          %dma_start3A_272 = arith.constant 0 : i32
          %dma_start3A_273 = tpu.memref_slice %arg4[%mul3A_267, %dma_start3A_272] : memref<131072x16xf32, #tpu.memory_space<hbm>> -> memref<128x16xf32, #tpu.memory_space<hbm>>
          %dma_start3A_274 = tpu.memref_slice %run_scoped3A_9[%rem3A_265] : memref<2x!tpu.dma_semaphore, #tpu.memory_space<semaphore_mem>> -> memref<1x!tpu.dma_semaphore, #tpu.memory_space<semaphore_mem>>
          %dma_start3A_275 = tpu.memref_squeeze %dma_start3A_274 : memref<1x!tpu.dma_semaphore, #tpu.memory_space<semaphore_mem>> -> memref<!tpu.dma_semaphore, #tpu.memory_space<semaphore_mem>>
          %dma_start3A_276 = arith.constant 0 : i32
          %dma_start3A_277 = tpu.memref_slice %arg4[%mul3A_267, %dma_start3A_276] : memref<131072x16xf32, #tpu.memory_space<hbm>> -> memref<128x16xf32, #tpu.memory_space<hbm>>
          %dma_start3A_278 = arith.constant 0 : i32
          %dma_start3A_279 = arith.constant 0 : i32
          %dma_start3A_280 = tpu.memref_slice %run_scoped3A_8[%rem3A_265, %dma_start3A_278, %dma_start3A_279] : memref<2x128x16xf32, #tpu.memory_space<vmem>> -> memref<1x128x16xf32, #tpu.memory_space<vmem>>
          %dma_start3A_281 = tpu.memref_squeeze %dma_start3A_280 : memref<1x128x16xf32, #tpu.memory_space<vmem>> -> memref<128x16xf32, #tpu.memory_space<vmem>>
          tpu.enqueue_dma source(%dma_start3A_281 : memref<128x16xf32, #tpu.memory_space<vmem>>) target(%dma_start3A_277 : memref<128x16xf32, #tpu.memory_space<hbm>>) target_semaphore(%dma_start3A_275 : memref<!tpu.dma_semaphore, #tpu.memory_space<semaphore_mem>>)
          "tpu.trace_stop"() : () -> ()
        } else {
        }
        %and3A_217 = arith.constant true
        %and3A_218 = arith.andi %or3A_213, %and3A_217 : i1
        %add3A_219 = arith.constant 1 : i32
        %add3A_220 = arith.addi %scan3A_124, %add3A_219 : i32
        %select_n3A_221 = arith.select %and3A_218, %add3A_220, %scan3A_124 : i32
        %ne3A_222 = arith.cmpi ne, %add3A_131, %add3A_140 : i32
        %or3A_223 = arith.constant false
        %or3A_224 = arith.ori %or3A_223, %ne3A_222 : i1
        %not3A_225 = arith.constant true
        %not3A_226 = arith.xori %eq3A_128, %not3A_225 : i1
        %and3A_227 = arith.andi %or3A_224, %not3A_226 : i1
        %convert_element_type3A_228 = arith.extui %and3A_227 : i1 to i32
        %cond3A_229 = arith.constant 0 : i32
        %cond3A_230 = arith.cmpi ne, %convert_element_type3A_228, %cond3A_229 : i32
        scf.if %cond3A_230 {
        } else {
        }
        %and3A_231 = arith.constant false
        %and3A_232 = arith.andi %and3A_227, %and3A_231 : i1
        %ne3A_233 = arith.cmpi ne, %add3A_131, %add3A_140 : i32
        %or3A_234 = arith.constant false
        %or3A_235 = arith.ori %or3A_234, %ne3A_233 : i1
        %or3A_236 = arith.constant false
        %or3A_237 = arith.ori %or3A_235, %or3A_236 : i1
        %not3A_238 = arith.constant true
        %not3A_239 = arith.xori %eq3A_128, %not3A_238 : i1
        %and3A_240 = arith.andi %or3A_237, %not3A_239 : i1
        %convert_element_type3A_241 = arith.extui %and3A_240 : i1 to i32
        %cond3A_242 = arith.constant 0 : i32
        %cond3A_243 = arith.cmpi ne, %convert_element_type3A_241, %cond3A_242 : i32
        scf.if %cond3A_243 {
          "tpu.trace_start"() <{level = 10 : i32, message = "ep_wait_out"}> : () -> ()
          %rem3A_264 = arith.constant 2 : i32
          %rem3A_265 = arith.remui %scan3A_125, %rem3A_264 : i32
          %mul3A_266 = arith.constant 128 : i32
          %mul3A_267 = arith.muli %mul3A_266, %add3A_140 : i32
          %dma_wait3A_268 = arith.constant 0 : i32
          %dma_wait3A_269 = arith.constant 0 : i32
          %dma_wait3A_270 = tpu.memref_slice %run_scoped3A_8[%rem3A_265, %dma_wait3A_268, %dma_wait3A_269] : memref<2x128x16xf32, #tpu.memory_space<vmem>> -> memref<1x128x16xf32, #tpu.memory_space<vmem>>
          %dma_wait3A_271 = tpu.memref_squeeze %dma_wait3A_270 : memref<1x128x16xf32, #tpu.memory_space<vmem>> -> memref<128x16xf32, #tpu.memory_space<vmem>>
          %dma_wait3A_272 = arith.constant 0 : i32
          %dma_wait3A_273 = tpu.memref_slice %arg4[%mul3A_267, %dma_wait3A_272] : memref<131072x16xf32, #tpu.memory_space<hbm>> -> memref<128x16xf32, #tpu.memory_space<hbm>>
          %dma_wait3A_274 = tpu.memref_slice %run_scoped3A_9[%rem3A_265] : memref<2x!tpu.dma_semaphore, #tpu.memory_space<semaphore_mem>> -> memref<1x!tpu.dma_semaphore, #tpu.memory_space<semaphore_mem>>
          %dma_wait3A_275 = tpu.memref_squeeze %dma_wait3A_274 : memref<1x!tpu.dma_semaphore, #tpu.memory_space<semaphore_mem>> -> memref<!tpu.dma_semaphore, #tpu.memory_space<semaphore_mem>>
          %dma_wait3A_276 = arith.constant 0 : i32
          %dma_wait3A_277 = tpu.memref_slice %arg4[%mul3A_267, %dma_wait3A_276] : memref<131072x16xf32, #tpu.memory_space<hbm>> -> memref<128x16xf32, #tpu.memory_space<hbm>>
          %dma_wait3A_278 = arith.constant 0 : i32
          %dma_wait3A_279 = arith.constant 0 : i32
          %dma_wait3A_280 = tpu.memref_slice %run_scoped3A_8[%rem3A_265, %dma_wait3A_278, %dma_wait3A_279] : memref<2x128x16xf32, #tpu.memory_space<vmem>> -> memref<1x128x16xf32, #tpu.memory_space<vmem>>
          %dma_wait3A_281 = tpu.memref_squeeze %dma_wait3A_280 : memref<1x128x16xf32, #tpu.memory_space<vmem>> -> memref<128x16xf32, #tpu.memory_space<vmem>>
          tpu.wait_dma2 semaphore(%dma_wait3A_275 : memref<!tpu.dma_semaphore, #tpu.memory_space<semaphore_mem>>) src(%dma_wait3A_281 : memref<128x16xf32, #tpu.memory_space<vmem>>) dst(%dma_wait3A_277 : memref<128x16xf32, #tpu.memory_space<hbm>>)
          "tpu.trace_stop"() : () -> ()
        } else {
        }
        %and3A_244 = arith.constant true
        %and3A_245 = arith.andi %and3A_240, %and3A_244 : i1
        %add3A_246 = arith.constant 1 : i32
        %add3A_247 = arith.addi %scan3A_125, %add3A_246 : i32
        %select_n3A_248 = arith.select %and3A_245, %add3A_247, %scan3A_125 : i32
        %ne3A_249 = arith.cmpi ne, %add3A_131, %add3A_149 : i32
        %or3A_250 = arith.constant false
        %or3A_251 = arith.ori %or3A_250, %ne3A_249 : i1
        %or3A_252 = arith.ori %or3A_251, %eq3A_130 : i1
        %add3A_253 = arith.constant 1 : i32
        %add3A_254 = arith.addi %scan3A_123, %add3A_253 : i32
        %select_n3A_255 = arith.select %or3A_252, %add3A_254, %scan3A_123 : i32
        %add3A_256 = arith.constant 1 : i32
        %add3A_257 = arith.addi %scan3A_126, %add3A_256 : i32
        %select_n3A_258 = arith.constant true
        %select_n3A_259 = arith.select %select_n3A_258, %add3A_257, %scan3A_126 : i32
        %eq3A_260 = arith.constant 32 : i32
        %eq3A_261 = arith.cmpi eq, %select_n3A_259, %eq3A_260 : i32
        %select_n3A_262 = arith.constant 0 : i32
        %select_n3A_263 = arith.select %eq3A_261, %select_n3A_262, %select_n3A_259 : i32
        scf.yield %select_n3A_167, %select_n3A_255, %select_n3A_221, %select_n3A_248, %select_n3A_263 : i32, i32, i32, i32, i32
      }
      %scan3A_68 = arith.constant 32 : i32
      %sub3A = arith.constant 1 : i32
      %sub3A_69 = arith.subi %scan3A_67#4, %sub3A : i32
      %select_n3A_70 = arith.constant true
      %select_n3A_71 = arith.select %select_n3A_70, %sub3A_69, %scan3A_67#4 : i32
      %eq3A_72 = arith.constant -1 : i32
      %eq3A_73 = arith.cmpi eq, %select_n3A_71, %eq3A_72 : i32
      %select_n3A_74 = arith.constant 31 : i32
      %select_n3A_75 = arith.select %eq3A_73, %select_n3A_74, %select_n3A_71 : i32
      %add3A_76 = arith.addi %select_n3A_75, %mul3A_6 : i32
      %sub3A_77 = arith.constant 1 : i32
      %sub3A_78 = arith.subi %select_n3A_75, %sub3A_77 : i32
      %select_n3A_79 = arith.constant true
      %select_n3A_80 = arith.select %select_n3A_79, %sub3A_78, %select_n3A_75 : i32
      %eq3A_81 = arith.constant -1 : i32
      %eq3A_82 = arith.cmpi eq, %select_n3A_80, %eq3A_81 : i32
      %select_n3A_83 = arith.constant 31 : i32
      %select_n3A_84 = arith.select %eq3A_82, %select_n3A_83, %select_n3A_80 : i32
      %add3A_85 = arith.addi %select_n3A_84, %mul3A_6 : i32
      %add3A_86 = arith.constant 1 : i32
      %add3A_87 = arith.addi %select_n3A_75, %add3A_86 : i32
      %select_n3A_88 = arith.constant true
      %select_n3A_89 = arith.select %select_n3A_88, %add3A_87, %select_n3A_75 : i32
      %eq3A_90 = arith.constant 32 : i32
      %eq3A_91 = arith.cmpi eq, %select_n3A_89, %eq3A_90 : i32
      %select_n3A_92 = arith.constant 0 : i32
      %select_n3A_93 = arith.select %eq3A_91, %select_n3A_92, %select_n3A_89 : i32
      %add3A_94 = arith.addi %select_n3A_93, %mul3A_6 : i32
      %add3A_95 = arith.constant 1 : i32
      %add3A_96 = arith.addi %select_n3A_93, %add3A_95 : i32
      %select_n3A_97 = arith.constant true
      %select_n3A_98 = arith.select %select_n3A_97, %add3A_96, %select_n3A_93 : i32
      %eq3A_99 = arith.constant 32 : i32
      %eq3A_100 = arith.cmpi eq, %select_n3A_98, %eq3A_99 : i32
      %select_n3A_101 = arith.constant 0 : i32
      %select_n3A_102 = arith.select %eq3A_100, %select_n3A_101, %select_n3A_98 : i32
      %add3A_103 = arith.addi %select_n3A_102, %mul3A_6 : i32
      "tpu.trace_start"() <{level = 10 : i32, message = "ep_finalize"}> : () -> ()
      %rem3A_104 = arith.constant 2 : i32
      %rem3A_105 = arith.remui %scan3A_67#3, %rem3A_104 : i32
      %mul3A_106 = arith.constant 128 : i32
      %mul3A_107 = arith.muli %mul3A_106, %add3A_76 : i32
      %dma_wait3A = arith.constant 0 : i32
      %dma_wait3A_108 = arith.constant 0 : i32
      %dma_wait3A_109 = tpu.memref_slice %run_scoped3A_8[%rem3A_105, %dma_wait3A, %dma_wait3A_108] : memref<2x128x16xf32, #tpu.memory_space<vmem>> -> memref<1x128x16xf32, #tpu.memory_space<vmem>>
      %dma_wait3A_110 = tpu.memref_squeeze %dma_wait3A_109 : memref<1x128x16xf32, #tpu.memory_space<vmem>> -> memref<128x16xf32, #tpu.memory_space<vmem>>
      %dma_wait3A_111 = arith.constant 0 : i32
      %dma_wait3A_112 = tpu.memref_slice %arg4[%mul3A_107, %dma_wait3A_111] : memref<131072x16xf32, #tpu.memory_space<hbm>> -> memref<128x16xf32, #tpu.memory_space<hbm>>
      %dma_wait3A_113 = tpu.memref_slice %run_scoped3A_9[%rem3A_105] : memref<2x!tpu.dma_semaphore, #tpu.memory_space<semaphore_mem>> -> memref<1x!tpu.dma_semaphore, #tpu.memory_space<semaphore_mem>>
      %dma_wait3A_114 = tpu.memref_squeeze %dma_wait3A_113 : memref<1x!tpu.dma_semaphore, #tpu.memory_space<semaphore_mem>> -> memref<!tpu.dma_semaphore, #tpu.memory_space<semaphore_mem>>
      %dma_wait3A_115 = arith.constant 0 : i32
      %dma_wait3A_116 = tpu.memref_slice %arg4[%mul3A_107, %dma_wait3A_115] : memref<131072x16xf32, #tpu.memory_space<hbm>> -> memref<128x16xf32, #tpu.memory_space<hbm>>
      %dma_wait3A_117 = arith.constant 0 : i32
      %dma_wait3A_118 = arith.constant 0 : i32
      %dma_wait3A_119 = tpu.memref_slice %run_scoped3A_8[%rem3A_105, %dma_wait3A_117, %dma_wait3A_118] : memref<2x128x16xf32, #tpu.memory_space<vmem>> -> memref<1x128x16xf32, #tpu.memory_space<vmem>>
      %dma_wait3A_120 = tpu.memref_squeeze %dma_wait3A_119 : memref<1x128x16xf32, #tpu.memory_space<vmem>> -> memref<128x16xf32, #tpu.memory_space<vmem>>
      tpu.wait_dma2 semaphore(%dma_wait3A_114 : memref<!tpu.dma_semaphore, #tpu.memory_space<semaphore_mem>>) src(%dma_wait3A_120 : memref<128x16xf32, #tpu.memory_space<vmem>>) dst(%dma_wait3A_116 : memref<128x16xf32, #tpu.memory_space<hbm>>)
      "tpu.trace_stop"() : () -> ()
      tpu.yield
    }) : () -> ()
    return
  }
}

#map = affine_map<(d0, d1) -> (0, 0)>
module attributes {stable_mosaic.version = 14 : i64} {
  func.func @_k(%arg0: i32, %arg1: i32, %arg2: memref<8192x64xf32, #tpu.memory_space<hbm>>, %arg3: memref<1x131072xi32, #tpu.memory_space<hbm>>, %arg4: memref<131072x64xf32, #tpu.memory_space<hbm>>) attributes {dimension_semantics = [#tpu.dimension_semantics<core_parallel>, #tpu.dimension_semantics<subcore_parallel>], iteration_bounds = array<i64: 2, 16>, scalar_prefetch = 0 : i64, scratch_operands = 0 : i64, tpu.core_type = #tpu.core_type<sc_vector_subcore>, window_params = [{transform_indices = #map}, {transform_indices = #map}, {transform_indices = #map}]} {
    %mul3A = arith.constant 1 : i32
    %mul3A_0 = arith.muli %arg1, %mul3A : i32
    %add3A = arith.constant 0 : i32
    %add3A_1 = arith.addi %add3A, %mul3A_0 : i32
    %mul3A_2 = arith.constant 16 : i32
    %mul3A_3 = arith.muli %arg0, %mul3A_2 : i32
    %add3A_4 = arith.addi %add3A_1, %mul3A_3 : i32
    %mul3A_5 = arith.constant 16 : i32
    %mul3A_6 = arith.muli %add3A_4, %mul3A_5 : i32
    "tpu.region"() ({
      %run_scoped3A = memref.alloca() : memref<2x1x256xi32, #tpu.memory_space<vmem>>
      %run_scoped3A_7 = tpu.sem_alloc : memref<2x!tpu.dma_semaphore, #tpu.memory_space<semaphore_mem>>
      %run_scoped3A_8 = memref.alloca() : memref<2x256x64xf32, #tpu.memory_space<vmem>>
      %run_scoped3A_9 = tpu.sem_alloc : memref<2x!tpu.dma_semaphore, #tpu.memory_space<semaphore_mem>>
      %add3A_10 = arith.constant 0 : i32
      %add3A_11 = arith.addi %add3A_10, %mul3A_6 : i32
      %select_n3A = arith.constant true
      %select_n3A_12 = arith.constant 0 : i32
      %select_n3A_13 = arith.constant -1 : i32
      %select_n3A_14 = arith.select %select_n3A, %select_n3A_13, %select_n3A_12 : i32
      %eq3A = arith.constant -1 : i32
      %eq3A_15 = arith.cmpi eq, %select_n3A_14, %eq3A : i32
      %select_n3A_16 = arith.constant 15 : i32
      %select_n3A_17 = arith.select %eq3A_15, %select_n3A_16, %select_n3A_14 : i32
      %add3A_18 = arith.addi %select_n3A_17, %mul3A_6 : i32
      %select_n3A_19 = arith.constant true
      %select_n3A_20 = arith.constant 0 : i32
      %select_n3A_21 = arith.constant 1 : i32
      %select_n3A_22 = arith.select %select_n3A_19, %select_n3A_21, %select_n3A_20 : i32
      %eq3A_23 = arith.constant 16 : i32
      %eq3A_24 = arith.cmpi eq, %select_n3A_22, %eq3A_23 : i32
      %select_n3A_25 = arith.constant 0 : i32
      %select_n3A_26 = arith.select %eq3A_24, %select_n3A_25, %select_n3A_22 : i32
      %add3A_27 = arith.addi %select_n3A_26, %mul3A_6 : i32
      %add3A_28 = arith.constant 1 : i32
      %add3A_29 = arith.addi %select_n3A_26, %add3A_28 : i32
      %select_n3A_30 = arith.constant true
      %select_n3A_31 = arith.select %select_n3A_30, %add3A_29, %select_n3A_26 : i32
      %eq3A_32 = arith.constant 16 : i32
      %eq3A_33 = arith.cmpi eq, %select_n3A_31, %eq3A_32 : i32
      %select_n3A_34 = arith.constant 0 : i32
      %select_n3A_35 = arith.select %eq3A_33, %select_n3A_34, %select_n3A_31 : i32
      %add3A_36 = arith.addi %select_n3A_35, %mul3A_6 : i32
      "tpu.trace_start"() <{level = 10 : i32, message = "ep_initialize_0"}> : () -> ()
      %rem3A = arith.constant 0 : i32
      %rem3A_37 = arith.constant 2 : i32
      %rem3A_38 = arith.remui %rem3A, %rem3A_37 : i32
      %mul3A_39 = arith.constant 256 : i32
      %mul3A_40 = arith.muli %mul3A_39, %add3A_11 : i32
      %dma_start3A = arith.constant 0 : i32
      %dma_start3A_41 = arith.constant 0 : i32
      %dma_start3A_42 = tpu.memref_slice %run_scoped3A[%rem3A_38, %dma_start3A, %dma_start3A_41] : memref<2x1x256xi32, #tpu.memory_space<vmem>> -> memref<1x1x256xi32, #tpu.memory_space<vmem>>
      %dma_start3A_43 = tpu.memref_squeeze %dma_start3A_42 : memref<1x1x256xi32, #tpu.memory_space<vmem>> -> memref<1x256xi32, #tpu.memory_space<vmem>>
      %dma_start3A_44 = arith.constant 0 : i32
      %dma_start3A_45 = tpu.memref_slice %arg3[%dma_start3A_44, %mul3A_40] : memref<1x131072xi32, #tpu.memory_space<hbm>> -> memref<1x256xi32, #tpu.memory_space<hbm>>
      %dma_start3A_46 = tpu.memref_slice %run_scoped3A_7[%rem3A_38] : memref<2x!tpu.dma_semaphore, #tpu.memory_space<semaphore_mem>> -> memref<1x!tpu.dma_semaphore, #tpu.memory_space<semaphore_mem>>
      %dma_start3A_47 = tpu.memref_squeeze %dma_start3A_46 : memref<1x!tpu.dma_semaphore, #tpu.memory_space<semaphore_mem>> -> memref<!tpu.dma_semaphore, #tpu.memory_space<semaphore_mem>>
      %dma_start3A_48 = arith.constant 0 : i32
      %dma_start3A_49 = arith.constant 0 : i32
      %dma_start3A_50 = tpu.memref_slice %run_scoped3A[%rem3A_38, %dma_start3A_48, %dma_start3A_49] : memref<2x1x256xi32, #tpu.memory_space<vmem>> -> memref<1x1x256xi32, #tpu.memory_space<vmem>>
      %dma_start3A_51 = tpu.memref_squeeze %dma_start3A_50 : memref<1x1x256xi32, #tpu.memory_space<vmem>> -> memref<1x256xi32, #tpu.memory_space<vmem>>
      %dma_start3A_52 = arith.constant 0 : i32
      %dma_start3A_53 = tpu.memref_slice %arg3[%dma_start3A_52, %mul3A_40] : memref<1x131072xi32, #tpu.memory_space<hbm>> -> memref<1x256xi32, #tpu.memory_space<hbm>>
      tpu.enqueue_dma source(%dma_start3A_53 : memref<1x256xi32, #tpu.memory_space<hbm>>) target(%dma_start3A_51 : memref<1x256xi32, #tpu.memory_space<vmem>>) target_semaphore(%dma_start3A_47 : memref<!tpu.dma_semaphore, #tpu.memory_space<semaphore_mem>>)
      %add3A_54 = arith.constant 0 : i32
      %add3A_55 = arith.constant 1 : i32
      %add3A_56 = arith.addi %add3A_54, %add3A_55 : i32
      %select_n3A_57 = arith.constant true
      %select_n3A_58 = arith.constant 0 : i32
      %select_n3A_59 = arith.select %select_n3A_57, %add3A_56, %select_n3A_58 : i32
      "tpu.trace_stop"() : () -> ()
      %scan3A = arith.constant 0 : i32
      %scan3A_60 = arith.constant 0 : i32
      %scan3A_61 = arith.constant 0 : i32
      %scan3A_62 = arith.constant 0 : i32
      %scan3A_63 = arith.constant 0 : i32
      %scan3A_64 = arith.constant 16 : i32
      %scan3A_65 = arith.addi %scan3A_63, %scan3A_64 : i32
      %scan3A_66 = arith.constant 1 : i32
      %scan3A_67:5 = scf.for %scan3A_121 = %scan3A_63 to %scan3A_65 step %scan3A_66 iter_args(%scan3A_122 = %select_n3A_59, %scan3A_123 = %scan3A, %scan3A_124 = %scan3A_60, %scan3A_125 = %scan3A_61, %scan3A_126 = %scan3A_62) -> (i32, i32, i32, i32, i32)  : i32 {
        %eq3A_127 = arith.constant 0 : i32
        %eq3A_128 = arith.cmpi eq, %scan3A_121, %eq3A_127 : i32
        %eq3A_129 = arith.constant 15 : i32
        %eq3A_130 = arith.cmpi eq, %scan3A_121, %eq3A_129 : i32
        %add3A_131 = arith.addi %scan3A_126, %mul3A_6 : i32
        %sub3A_132 = arith.constant 1 : i32
        %sub3A_133 = arith.subi %scan3A_126, %sub3A_132 : i32
        %select_n3A_134 = arith.constant true
        %select_n3A_135 = arith.select %select_n3A_134, %sub3A_133, %scan3A_126 : i32
        %eq3A_136 = arith.constant -1 : i32
        %eq3A_137 = arith.cmpi eq, %select_n3A_135, %eq3A_136 : i32
        %select_n3A_138 = arith.constant 15 : i32
        %select_n3A_139 = arith.select %eq3A_137, %select_n3A_138, %select_n3A_135 : i32
        %add3A_140 = arith.addi %select_n3A_139, %mul3A_6 : i32
        %add3A_141 = arith.constant 1 : i32
        %add3A_142 = arith.addi %scan3A_126, %add3A_141 : i32
        %select_n3A_143 = arith.constant true
        %select_n3A_144 = arith.select %select_n3A_143, %add3A_142, %scan3A_126 : i32
        %eq3A_145 = arith.constant 16 : i32
        %eq3A_146 = arith.cmpi eq, %select_n3A_144, %eq3A_145 : i32
        %select_n3A_147 = arith.constant 0 : i32
        %select_n3A_148 = arith.select %eq3A_146, %select_n3A_147, %select_n3A_144 : i32
        %add3A_149 = arith.addi %select_n3A_148, %mul3A_6 : i32
        %add3A_150 = arith.constant 1 : i32
        %add3A_151 = arith.addi %select_n3A_148, %add3A_150 : i32
        %select_n3A_152 = arith.constant true
        %select_n3A_153 = arith.select %select_n3A_152, %add3A_151, %select_n3A_148 : i32
        %eq3A_154 = arith.constant 16 : i32
        %eq3A_155 = arith.cmpi eq, %select_n3A_153, %eq3A_154 : i32
        %select_n3A_156 = arith.constant 0 : i32
        %select_n3A_157 = arith.select %eq3A_155, %select_n3A_156, %select_n3A_153 : i32
        %add3A_158 = arith.addi %select_n3A_157, %mul3A_6 : i32
        %ne3A = arith.cmpi ne, %add3A_131, %add3A_149 : i32
        %or3A = arith.constant false
        %or3A_159 = arith.ori %or3A, %ne3A : i1
        %ge3A = arith.constant 15 : i32
        %ge3A_160 = arith.cmpi sge, %scan3A_121, %ge3A : i32
        %not3A = arith.constant true
        %not3A_161 = arith.xori %ge3A_160, %not3A : i1
        %and3A = arith.andi %or3A_159, %not3A_161 : i1
        %convert_element_type3A = arith.extui %and3A : i1 to i32
        %cond3A = arith.constant 0 : i32
        %cond3A_162 = arith.cmpi ne, %convert_element_type3A, %cond3A : i32
        scf.if %cond3A_162 {
          "tpu.trace_start"() <{level = 10 : i32, message = "ep_copy_in"}> : () -> ()
          %rem3A_264 = arith.constant 2 : i32
          %rem3A_265 = arith.remui %scan3A_122, %rem3A_264 : i32
          %mul3A_266 = arith.constant 256 : i32
          %mul3A_267 = arith.muli %mul3A_266, %add3A_149 : i32
          %dma_start3A_268 = arith.constant 0 : i32
          %dma_start3A_269 = arith.constant 0 : i32
          %dma_start3A_270 = tpu.memref_slice %run_scoped3A[%rem3A_265, %dma_start3A_268, %dma_start3A_269] : memref<2x1x256xi32, #tpu.memory_space<vmem>> -> memref<1x1x256xi32, #tpu.memory_space<vmem>>
          %dma_start3A_271 = tpu.memref_squeeze %dma_start3A_270 : memref<1x1x256xi32, #tpu.memory_space<vmem>> -> memref<1x256xi32, #tpu.memory_space<vmem>>
          %dma_start3A_272 = arith.constant 0 : i32
          %dma_start3A_273 = tpu.memref_slice %arg3[%dma_start3A_272, %mul3A_267] : memref<1x131072xi32, #tpu.memory_space<hbm>> -> memref<1x256xi32, #tpu.memory_space<hbm>>
          %dma_start3A_274 = tpu.memref_slice %run_scoped3A_7[%rem3A_265] : memref<2x!tpu.dma_semaphore, #tpu.memory_space<semaphore_mem>> -> memref<1x!tpu.dma_semaphore, #tpu.memory_space<semaphore_mem>>
          %dma_start3A_275 = tpu.memref_squeeze %dma_start3A_274 : memref<1x!tpu.dma_semaphore, #tpu.memory_space<semaphore_mem>> -> memref<!tpu.dma_semaphore, #tpu.memory_space<semaphore_mem>>
          %dma_start3A_276 = arith.constant 0 : i32
          %dma_start3A_277 = arith.constant 0 : i32
          %dma_start3A_278 = tpu.memref_slice %run_scoped3A[%rem3A_265, %dma_start3A_276, %dma_start3A_277] : memref<2x1x256xi32, #tpu.memory_space<vmem>> -> memref<1x1x256xi32, #tpu.memory_space<vmem>>
          %dma_start3A_279 = tpu.memref_squeeze %dma_start3A_278 : memref<1x1x256xi32, #tpu.memory_space<vmem>> -> memref<1x256xi32, #tpu.memory_space<vmem>>
          %dma_start3A_280 = arith.constant 0 : i32
          %dma_start3A_281 = tpu.memref_slice %arg3[%dma_start3A_280, %mul3A_267] : memref<1x131072xi32, #tpu.memory_space<hbm>> -> memref<1x256xi32, #tpu.memory_space<hbm>>
          tpu.enqueue_dma source(%dma_start3A_281 : memref<1x256xi32, #tpu.memory_space<hbm>>) target(%dma_start3A_279 : memref<1x256xi32, #tpu.memory_space<vmem>>) target_semaphore(%dma_start3A_275 : memref<!tpu.dma_semaphore, #tpu.memory_space<semaphore_mem>>)
          "tpu.trace_stop"() : () -> ()
        } else {
        }
        %and3A_163 = arith.constant true
        %and3A_164 = arith.andi %and3A, %and3A_163 : i1
        %add3A_165 = arith.constant 1 : i32
        %add3A_166 = arith.addi %scan3A_122, %add3A_165 : i32
        %select_n3A_167 = arith.select %and3A_164, %add3A_166, %scan3A_122 : i32
        %ne3A_168 = arith.cmpi ne, %add3A_131, %add3A_149 : i32
        %or3A_169 = arith.constant false
        %or3A_170 = arith.ori %or3A_169, %ne3A_168 : i1
        %or3A_171 = arith.constant false
        %or3A_172 = arith.ori %or3A_170, %or3A_171 : i1
        %ge3A_173 = arith.constant 15 : i32
        %ge3A_174 = arith.cmpi sge, %scan3A_121, %ge3A_173 : i32
        %not3A_175 = arith.constant true
        %not3A_176 = arith.xori %ge3A_174, %not3A_175 : i1
        %and3A_177 = arith.andi %or3A_172, %not3A_176 : i1
        %ne3A_178 = arith.cmpi ne, %add3A_131, %add3A_140 : i32
        %or3A_179 = arith.constant false
        %or3A_180 = arith.ori %or3A_179, %ne3A_178 : i1
        %or3A_181 = arith.ori %or3A_180, %eq3A_128 : i1
        %convert_element_type3A_182 = arith.extui %or3A_181 : i1 to i32
        %cond3A_183 = arith.constant 0 : i32
        %cond3A_184 = arith.cmpi ne, %convert_element_type3A_182, %cond3A_183 : i32
        scf.if %cond3A_184 {
          "tpu.trace_start"() <{level = 10 : i32, message = "ep_wait_in"}> : () -> ()
          %mul3A_264 = arith.constant 256 : i32
          %mul3A_265 = arith.muli %mul3A_264, %add3A_131 : i32
          %rem3A_266 = arith.constant 2 : i32
          %rem3A_267 = arith.remui %scan3A_123, %rem3A_266 : i32
          %dma_wait3A_268 = arith.constant 0 : i32
          %dma_wait3A_269 = arith.constant 0 : i32
          %dma_wait3A_270 = tpu.memref_slice %run_scoped3A[%rem3A_267, %dma_wait3A_268, %dma_wait3A_269] : memref<2x1x256xi32, #tpu.memory_space<vmem>> -> memref<1x1x256xi32, #tpu.memory_space<vmem>>
          %dma_wait3A_271 = tpu.memref_squeeze %dma_wait3A_270 : memref<1x1x256xi32, #tpu.memory_space<vmem>> -> memref<1x256xi32, #tpu.memory_space<vmem>>
          %dma_wait3A_272 = arith.constant 0 : i32
          %dma_wait3A_273 = tpu.memref_slice %arg3[%dma_wait3A_272, %mul3A_265] : memref<1x131072xi32, #tpu.memory_space<hbm>> -> memref<1x256xi32, #tpu.memory_space<hbm>>
          %dma_wait3A_274 = tpu.memref_slice %run_scoped3A_7[%rem3A_267] : memref<2x!tpu.dma_semaphore, #tpu.memory_space<semaphore_mem>> -> memref<1x!tpu.dma_semaphore, #tpu.memory_space<semaphore_mem>>
          %dma_wait3A_275 = tpu.memref_squeeze %dma_wait3A_274 : memref<1x!tpu.dma_semaphore, #tpu.memory_space<semaphore_mem>> -> memref<!tpu.dma_semaphore, #tpu.memory_space<semaphore_mem>>
          %dma_wait3A_276 = arith.constant 0 : i32
          %dma_wait3A_277 = arith.constant 0 : i32
          %dma_wait3A_278 = tpu.memref_slice %run_scoped3A[%rem3A_267, %dma_wait3A_276, %dma_wait3A_277] : memref<2x1x256xi32, #tpu.memory_space<vmem>> -> memref<1x1x256xi32, #tpu.memory_space<vmem>>
          %dma_wait3A_279 = tpu.memref_squeeze %dma_wait3A_278 : memref<1x1x256xi32, #tpu.memory_space<vmem>> -> memref<1x256xi32, #tpu.memory_space<vmem>>
          %dma_wait3A_280 = arith.constant 0 : i32
          %dma_wait3A_281 = tpu.memref_slice %arg3[%dma_wait3A_280, %mul3A_265] : memref<1x131072xi32, #tpu.memory_space<hbm>> -> memref<1x256xi32, #tpu.memory_space<hbm>>
          tpu.wait_dma2 semaphore(%dma_wait3A_275 : memref<!tpu.dma_semaphore, #tpu.memory_space<semaphore_mem>>) src(%dma_wait3A_281 : memref<1x256xi32, #tpu.memory_space<hbm>>) dst(%dma_wait3A_279 : memref<1x256xi32, #tpu.memory_space<vmem>>)
          "tpu.trace_stop"() : () -> ()
        } else {
        }
        %ne3A_185 = arith.cmpi ne, %add3A_131, %add3A_140 : i32
        %or3A_186 = arith.constant false
        %or3A_187 = arith.ori %or3A_186, %ne3A_185 : i1
        %or3A_188 = arith.constant false
        %or3A_189 = arith.ori %or3A_187, %or3A_188 : i1
        %or3A_190 = arith.ori %or3A_189, %eq3A_128 : i1
        %convert_element_type3A_191 = arith.extui %or3A_190 : i1 to i32
        %cond3A_192 = arith.constant 0 : i32
        %cond3A_193 = arith.cmpi ne, %convert_element_type3A_191, %cond3A_192 : i32
        scf.if %cond3A_193 {
        } else {
        }
        %rem3A_194 = arith.constant 2 : i32
        %rem3A_195 = arith.remui %scan3A_123, %rem3A_194 : i32
        %rem3A_196 = arith.constant 2 : i32
        %rem3A_197 = arith.remui %scan3A_124, %rem3A_196 : i32
        %run_scoped3A_198 = arith.constant 0 : i32
        "tpu.trace_start"() <{level = 10 : i32, message = "ep_run_kernel"}> : () -> ()
        "tpu.region"() ({
          %run_scoped3A_264 = tpu.sem_alloc : memref<!tpu.dma_semaphore, #tpu.memory_space<semaphore_mem>>
          %dma_start3A_265 = arith.constant 0 : i32
          %dma_start3A_266 = arith.constant 0 : i32
          %dma_start3A_267 = tpu.memref_slice %run_scoped3A_8[%rem3A_197, %dma_start3A_265, %dma_start3A_266] : memref<2x256x64xf32, #tpu.memory_space<vmem>> -> memref<1x256x64xf32, #tpu.memory_space<vmem>>
          %dma_start3A_268 = tpu.memref_squeeze %dma_start3A_267 : memref<1x256x64xf32, #tpu.memory_space<vmem>> -> memref<256x64xf32, #tpu.memory_space<vmem>>
          %dma_start3A_269 = arith.constant 0 : i32
          %dma_start3A_270 = arith.constant 0 : i32
          %dma_start3A_271 = tpu.memref_slice %run_scoped3A[%rem3A_195, %dma_start3A_269, %dma_start3A_270] : memref<2x1x256xi32, #tpu.memory_space<vmem>> -> memref<1x1x256xi32, #tpu.memory_space<vmem>>
          %dma_start3A_272 = tpu.memref_squeeze %dma_start3A_271 : memref<1x1x256xi32, #tpu.memory_space<vmem>> -> memref<1x256xi32, #tpu.memory_space<vmem>>
          %dma_start3A_273 = arith.constant 0 : i32
          %dma_start3A_274 = tpu.memref_slice %dma_start3A_272[%run_scoped3A_198, %dma_start3A_273] : memref<1x256xi32, #tpu.memory_space<vmem>> -> memref<1x256xi32, #tpu.memory_space<vmem>>
          %dma_start3A_275 = tpu.memref_squeeze %dma_start3A_274 : memref<1x256xi32, #tpu.memory_space<vmem>> -> memref<256xi32, #tpu.memory_space<vmem>>
          %dma_start3A_276 = arith.constant 0 : i32
          %dma_start3A_277 = arith.constant 0 : i32
          %dma_start3A_278 = tpu.memref_slice %arg2[%dma_start3A_276, %dma_start3A_277] : memref<8192x64xf32, #tpu.memory_space<hbm>> -> memref<8192x64xf32, #tpu.memory_space<hbm>>
          tpu.enqueue_indirect_dma source(%dma_start3A_278 : memref<8192x64xf32, #tpu.memory_space<hbm>>) target(%dma_start3A_268 : memref<256x64xf32, #tpu.memory_space<vmem>>) offsets(%dma_start3A_275 : memref<256xi32, #tpu.memory_space<vmem>>) semaphore(%run_scoped3A_264 : memref<!tpu.dma_semaphore, #tpu.memory_space<semaphore_mem>>)
          %dma_wait3A_279 = arith.constant 0 : i32
          %dma_wait3A_280 = arith.constant 0 : i32
          %dma_wait3A_281 = tpu.memref_slice %run_scoped3A_8[%rem3A_197, %dma_wait3A_279, %dma_wait3A_280] : memref<2x256x64xf32, #tpu.memory_space<vmem>> -> memref<1x256x64xf32, #tpu.memory_space<vmem>>
          %dma_wait3A_282 = tpu.memref_squeeze %dma_wait3A_281 : memref<1x256x64xf32, #tpu.memory_space<vmem>> -> memref<256x64xf32, #tpu.memory_space<vmem>>
          %dma_wait3A_283 = arith.constant 0 : i32
          %dma_wait3A_284 = arith.constant 0 : i32
          %dma_wait3A_285 = tpu.memref_slice %run_scoped3A[%rem3A_195, %dma_wait3A_283, %dma_wait3A_284] : memref<2x1x256xi32, #tpu.memory_space<vmem>> -> memref<1x1x256xi32, #tpu.memory_space<vmem>>
          %dma_wait3A_286 = tpu.memref_squeeze %dma_wait3A_285 : memref<1x1x256xi32, #tpu.memory_space<vmem>> -> memref<1x256xi32, #tpu.memory_space<vmem>>
          %dma_wait3A_287 = arith.constant 0 : i32
          %dma_wait3A_288 = tpu.memref_slice %dma_wait3A_286[%run_scoped3A_198, %dma_wait3A_287] : memref<1x256xi32, #tpu.memory_space<vmem>> -> memref<1x256xi32, #tpu.memory_space<vmem>>
          %dma_wait3A_289 = tpu.memref_squeeze %dma_wait3A_288 : memref<1x256xi32, #tpu.memory_space<vmem>> -> memref<256xi32, #tpu.memory_space<vmem>>
          %dma_wait3A_290 = arith.constant 0 : i32
          %dma_wait3A_291 = arith.constant 0 : i32
          %dma_wait3A_292 = tpu.memref_slice %arg2[%dma_wait3A_290, %dma_wait3A_291] : memref<8192x64xf32, #tpu.memory_space<hbm>> -> memref<8192x64xf32, #tpu.memory_space<hbm>>
          tpu.wait_indirect_dma semaphore(%run_scoped3A_264 : memref<!tpu.dma_semaphore, #tpu.memory_space<semaphore_mem>>) src(%dma_wait3A_292 : memref<8192x64xf32, #tpu.memory_space<hbm>>) dst(%dma_wait3A_282 : memref<256x64xf32, #tpu.memory_space<vmem>>)
          tpu.yield
        }) : () -> ()
        "tpu.trace_stop"() : () -> ()
        %ne3A_199 = arith.cmpi ne, %add3A_131, %add3A_149 : i32
        %or3A_200 = arith.constant false
        %or3A_201 = arith.ori %or3A_200, %ne3A_199 : i1
        %or3A_202 = arith.ori %or3A_201, %eq3A_130 : i1
        %convert_element_type3A_203 = arith.extui %or3A_202 : i1 to i32
        %cond3A_204 = arith.constant 0 : i32
        %cond3A_205 = arith.cmpi ne, %convert_element_type3A_203, %cond3A_204 : i32
        scf.if %cond3A_205 {
        } else {
        }
        %and3A_206 = arith.constant false
        %and3A_207 = arith.andi %or3A_202, %and3A_206 : i1
        %ne3A_208 = arith.cmpi ne, %add3A_131, %add3A_149 : i32
        %or3A_209 = arith.constant false
        %or3A_210 = arith.ori %or3A_209, %ne3A_208 : i1
        %or3A_211 = arith.constant false
        %or3A_212 = arith.ori %or3A_210, %or3A_211 : i1
        %or3A_213 = arith.ori %or3A_212, %eq3A_130 : i1
        %convert_element_type3A_214 = arith.extui %or3A_213 : i1 to i32
        %cond3A_215 = arith.constant 0 : i32
        %cond3A_216 = arith.cmpi ne, %convert_element_type3A_214, %cond3A_215 : i32
        scf.if %cond3A_216 {
          "tpu.trace_start"() <{level = 10 : i32, message = "ep_copy_out"}> : () -> ()
          %rem3A_264 = arith.constant 2 : i32
          %rem3A_265 = arith.remui %scan3A_124, %rem3A_264 : i32
          %mul3A_266 = arith.constant 256 : i32
          %mul3A_267 = arith.muli %mul3A_266, %add3A_131 : i32
          %dma_start3A_268 = arith.constant 0 : i32
          %dma_start3A_269 = arith.constant 0 : i32
          %dma_start3A_270 = tpu.memref_slice %run_scoped3A_8[%rem3A_265, %dma_start3A_268, %dma_start3A_269] : memref<2x256x64xf32, #tpu.memory_space<vmem>> -> memref<1x256x64xf32, #tpu.memory_space<vmem>>
          %dma_start3A_271 = tpu.memref_squeeze %dma_start3A_270 : memref<1x256x64xf32, #tpu.memory_space<vmem>> -> memref<256x64xf32, #tpu.memory_space<vmem>>
          %dma_start3A_272 = arith.constant 0 : i32
          %dma_start3A_273 = tpu.memref_slice %arg4[%mul3A_267, %dma_start3A_272] : memref<131072x64xf32, #tpu.memory_space<hbm>> -> memref<256x64xf32, #tpu.memory_space<hbm>>
          %dma_start3A_274 = tpu.memref_slice %run_scoped3A_9[%rem3A_265] : memref<2x!tpu.dma_semaphore, #tpu.memory_space<semaphore_mem>> -> memref<1x!tpu.dma_semaphore, #tpu.memory_space<semaphore_mem>>
          %dma_start3A_275 = tpu.memref_squeeze %dma_start3A_274 : memref<1x!tpu.dma_semaphore, #tpu.memory_space<semaphore_mem>> -> memref<!tpu.dma_semaphore, #tpu.memory_space<semaphore_mem>>
          %dma_start3A_276 = arith.constant 0 : i32
          %dma_start3A_277 = tpu.memref_slice %arg4[%mul3A_267, %dma_start3A_276] : memref<131072x64xf32, #tpu.memory_space<hbm>> -> memref<256x64xf32, #tpu.memory_space<hbm>>
          %dma_start3A_278 = arith.constant 0 : i32
          %dma_start3A_279 = arith.constant 0 : i32
          %dma_start3A_280 = tpu.memref_slice %run_scoped3A_8[%rem3A_265, %dma_start3A_278, %dma_start3A_279] : memref<2x256x64xf32, #tpu.memory_space<vmem>> -> memref<1x256x64xf32, #tpu.memory_space<vmem>>
          %dma_start3A_281 = tpu.memref_squeeze %dma_start3A_280 : memref<1x256x64xf32, #tpu.memory_space<vmem>> -> memref<256x64xf32, #tpu.memory_space<vmem>>
          tpu.enqueue_dma source(%dma_start3A_281 : memref<256x64xf32, #tpu.memory_space<vmem>>) target(%dma_start3A_277 : memref<256x64xf32, #tpu.memory_space<hbm>>) target_semaphore(%dma_start3A_275 : memref<!tpu.dma_semaphore, #tpu.memory_space<semaphore_mem>>)
          "tpu.trace_stop"() : () -> ()
        } else {
        }
        %and3A_217 = arith.constant true
        %and3A_218 = arith.andi %or3A_213, %and3A_217 : i1
        %add3A_219 = arith.constant 1 : i32
        %add3A_220 = arith.addi %scan3A_124, %add3A_219 : i32
        %select_n3A_221 = arith.select %and3A_218, %add3A_220, %scan3A_124 : i32
        %ne3A_222 = arith.cmpi ne, %add3A_131, %add3A_140 : i32
        %or3A_223 = arith.constant false
        %or3A_224 = arith.ori %or3A_223, %ne3A_222 : i1
        %not3A_225 = arith.constant true
        %not3A_226 = arith.xori %eq3A_128, %not3A_225 : i1
        %and3A_227 = arith.andi %or3A_224, %not3A_226 : i1
        %convert_element_type3A_228 = arith.extui %and3A_227 : i1 to i32
        %cond3A_229 = arith.constant 0 : i32
        %cond3A_230 = arith.cmpi ne, %convert_element_type3A_228, %cond3A_229 : i32
        scf.if %cond3A_230 {
        } else {
        }
        %and3A_231 = arith.constant false
        %and3A_232 = arith.andi %and3A_227, %and3A_231 : i1
        %ne3A_233 = arith.cmpi ne, %add3A_131, %add3A_140 : i32
        %or3A_234 = arith.constant false
        %or3A_235 = arith.ori %or3A_234, %ne3A_233 : i1
        %or3A_236 = arith.constant false
        %or3A_237 = arith.ori %or3A_235, %or3A_236 : i1
        %not3A_238 = arith.constant true
        %not3A_239 = arith.xori %eq3A_128, %not3A_238 : i1
        %and3A_240 = arith.andi %or3A_237, %not3A_239 : i1
        %convert_element_type3A_241 = arith.extui %and3A_240 : i1 to i32
        %cond3A_242 = arith.constant 0 : i32
        %cond3A_243 = arith.cmpi ne, %convert_element_type3A_241, %cond3A_242 : i32
        scf.if %cond3A_243 {
          "tpu.trace_start"() <{level = 10 : i32, message = "ep_wait_out"}> : () -> ()
          %rem3A_264 = arith.constant 2 : i32
          %rem3A_265 = arith.remui %scan3A_125, %rem3A_264 : i32
          %mul3A_266 = arith.constant 256 : i32
          %mul3A_267 = arith.muli %mul3A_266, %add3A_140 : i32
          %dma_wait3A_268 = arith.constant 0 : i32
          %dma_wait3A_269 = arith.constant 0 : i32
          %dma_wait3A_270 = tpu.memref_slice %run_scoped3A_8[%rem3A_265, %dma_wait3A_268, %dma_wait3A_269] : memref<2x256x64xf32, #tpu.memory_space<vmem>> -> memref<1x256x64xf32, #tpu.memory_space<vmem>>
          %dma_wait3A_271 = tpu.memref_squeeze %dma_wait3A_270 : memref<1x256x64xf32, #tpu.memory_space<vmem>> -> memref<256x64xf32, #tpu.memory_space<vmem>>
          %dma_wait3A_272 = arith.constant 0 : i32
          %dma_wait3A_273 = tpu.memref_slice %arg4[%mul3A_267, %dma_wait3A_272] : memref<131072x64xf32, #tpu.memory_space<hbm>> -> memref<256x64xf32, #tpu.memory_space<hbm>>
          %dma_wait3A_274 = tpu.memref_slice %run_scoped3A_9[%rem3A_265] : memref<2x!tpu.dma_semaphore, #tpu.memory_space<semaphore_mem>> -> memref<1x!tpu.dma_semaphore, #tpu.memory_space<semaphore_mem>>
          %dma_wait3A_275 = tpu.memref_squeeze %dma_wait3A_274 : memref<1x!tpu.dma_semaphore, #tpu.memory_space<semaphore_mem>> -> memref<!tpu.dma_semaphore, #tpu.memory_space<semaphore_mem>>
          %dma_wait3A_276 = arith.constant 0 : i32
          %dma_wait3A_277 = tpu.memref_slice %arg4[%mul3A_267, %dma_wait3A_276] : memref<131072x64xf32, #tpu.memory_space<hbm>> -> memref<256x64xf32, #tpu.memory_space<hbm>>
          %dma_wait3A_278 = arith.constant 0 : i32
          %dma_wait3A_279 = arith.constant 0 : i32
          %dma_wait3A_280 = tpu.memref_slice %run_scoped3A_8[%rem3A_265, %dma_wait3A_278, %dma_wait3A_279] : memref<2x256x64xf32, #tpu.memory_space<vmem>> -> memref<1x256x64xf32, #tpu.memory_space<vmem>>
          %dma_wait3A_281 = tpu.memref_squeeze %dma_wait3A_280 : memref<1x256x64xf32, #tpu.memory_space<vmem>> -> memref<256x64xf32, #tpu.memory_space<vmem>>
          tpu.wait_dma2 semaphore(%dma_wait3A_275 : memref<!tpu.dma_semaphore, #tpu.memory_space<semaphore_mem>>) src(%dma_wait3A_281 : memref<256x64xf32, #tpu.memory_space<vmem>>) dst(%dma_wait3A_277 : memref<256x64xf32, #tpu.memory_space<hbm>>)
          "tpu.trace_stop"() : () -> ()
        } else {
        }
        %and3A_244 = arith.constant true
        %and3A_245 = arith.andi %and3A_240, %and3A_244 : i1
        %add3A_246 = arith.constant 1 : i32
        %add3A_247 = arith.addi %scan3A_125, %add3A_246 : i32
        %select_n3A_248 = arith.select %and3A_245, %add3A_247, %scan3A_125 : i32
        %ne3A_249 = arith.cmpi ne, %add3A_131, %add3A_149 : i32
        %or3A_250 = arith.constant false
        %or3A_251 = arith.ori %or3A_250, %ne3A_249 : i1
        %or3A_252 = arith.ori %or3A_251, %eq3A_130 : i1
        %add3A_253 = arith.constant 1 : i32
        %add3A_254 = arith.addi %scan3A_123, %add3A_253 : i32
        %select_n3A_255 = arith.select %or3A_252, %add3A_254, %scan3A_123 : i32
        %add3A_256 = arith.constant 1 : i32
        %add3A_257 = arith.addi %scan3A_126, %add3A_256 : i32
        %select_n3A_258 = arith.constant true
        %select_n3A_259 = arith.select %select_n3A_258, %add3A_257, %scan3A_126 : i32
        %eq3A_260 = arith.constant 16 : i32
        %eq3A_261 = arith.cmpi eq, %select_n3A_259, %eq3A_260 : i32
        %select_n3A_262 = arith.constant 0 : i32
        %select_n3A_263 = arith.select %eq3A_261, %select_n3A_262, %select_n3A_259 : i32
        scf.yield %select_n3A_167, %select_n3A_255, %select_n3A_221, %select_n3A_248, %select_n3A_263 : i32, i32, i32, i32, i32
      }
      %scan3A_68 = arith.constant 16 : i32
      %sub3A = arith.constant 1 : i32
      %sub3A_69 = arith.subi %scan3A_67#4, %sub3A : i32
      %select_n3A_70 = arith.constant true
      %select_n3A_71 = arith.select %select_n3A_70, %sub3A_69, %scan3A_67#4 : i32
      %eq3A_72 = arith.constant -1 : i32
      %eq3A_73 = arith.cmpi eq, %select_n3A_71, %eq3A_72 : i32
      %select_n3A_74 = arith.constant 15 : i32
      %select_n3A_75 = arith.select %eq3A_73, %select_n3A_74, %select_n3A_71 : i32
      %add3A_76 = arith.addi %select_n3A_75, %mul3A_6 : i32
      %sub3A_77 = arith.constant 1 : i32
      %sub3A_78 = arith.subi %select_n3A_75, %sub3A_77 : i32
      %select_n3A_79 = arith.constant true
      %select_n3A_80 = arith.select %select_n3A_79, %sub3A_78, %select_n3A_75 : i32
      %eq3A_81 = arith.constant -1 : i32
      %eq3A_82 = arith.cmpi eq, %select_n3A_80, %eq3A_81 : i32
      %select_n3A_83 = arith.constant 15 : i32
      %select_n3A_84 = arith.select %eq3A_82, %select_n3A_83, %select_n3A_80 : i32
      %add3A_85 = arith.addi %select_n3A_84, %mul3A_6 : i32
      %add3A_86 = arith.constant 1 : i32
      %add3A_87 = arith.addi %select_n3A_75, %add3A_86 : i32
      %select_n3A_88 = arith.constant true
      %select_n3A_89 = arith.select %select_n3A_88, %add3A_87, %select_n3A_75 : i32
      %eq3A_90 = arith.constant 16 : i32
      %eq3A_91 = arith.cmpi eq, %select_n3A_89, %eq3A_90 : i32
      %select_n3A_92 = arith.constant 0 : i32
      %select_n3A_93 = arith.select %eq3A_91, %select_n3A_92, %select_n3A_89 : i32
      %add3A_94 = arith.addi %select_n3A_93, %mul3A_6 : i32
      %add3A_95 = arith.constant 1 : i32
      %add3A_96 = arith.addi %select_n3A_93, %add3A_95 : i32
      %select_n3A_97 = arith.constant true
      %select_n3A_98 = arith.select %select_n3A_97, %add3A_96, %select_n3A_93 : i32
      %eq3A_99 = arith.constant 16 : i32
      %eq3A_100 = arith.cmpi eq, %select_n3A_98, %eq3A_99 : i32
      %select_n3A_101 = arith.constant 0 : i32
      %select_n3A_102 = arith.select %eq3A_100, %select_n3A_101, %select_n3A_98 : i32
      %add3A_103 = arith.addi %select_n3A_102, %mul3A_6 : i32
      "tpu.trace_start"() <{level = 10 : i32, message = "ep_finalize"}> : () -> ()
      %rem3A_104 = arith.constant 2 : i32
      %rem3A_105 = arith.remui %scan3A_67#3, %rem3A_104 : i32
      %mul3A_106 = arith.constant 256 : i32
      %mul3A_107 = arith.muli %mul3A_106, %add3A_76 : i32
      %dma_wait3A = arith.constant 0 : i32
      %dma_wait3A_108 = arith.constant 0 : i32
      %dma_wait3A_109 = tpu.memref_slice %run_scoped3A_8[%rem3A_105, %dma_wait3A, %dma_wait3A_108] : memref<2x256x64xf32, #tpu.memory_space<vmem>> -> memref<1x256x64xf32, #tpu.memory_space<vmem>>
      %dma_wait3A_110 = tpu.memref_squeeze %dma_wait3A_109 : memref<1x256x64xf32, #tpu.memory_space<vmem>> -> memref<256x64xf32, #tpu.memory_space<vmem>>
      %dma_wait3A_111 = arith.constant 0 : i32
      %dma_wait3A_112 = tpu.memref_slice %arg4[%mul3A_107, %dma_wait3A_111] : memref<131072x64xf32, #tpu.memory_space<hbm>> -> memref<256x64xf32, #tpu.memory_space<hbm>>
      %dma_wait3A_113 = tpu.memref_slice %run_scoped3A_9[%rem3A_105] : memref<2x!tpu.dma_semaphore, #tpu.memory_space<semaphore_mem>> -> memref<1x!tpu.dma_semaphore, #tpu.memory_space<semaphore_mem>>
      %dma_wait3A_114 = tpu.memref_squeeze %dma_wait3A_113 : memref<1x!tpu.dma_semaphore, #tpu.memory_space<semaphore_mem>> -> memref<!tpu.dma_semaphore, #tpu.memory_space<semaphore_mem>>
      %dma_wait3A_115 = arith.constant 0 : i32
      %dma_wait3A_116 = tpu.memref_slice %arg4[%mul3A_107, %dma_wait3A_115] : memref<131072x64xf32, #tpu.memory_space<hbm>> -> memref<256x64xf32, #tpu.memory_space<hbm>>
      %dma_wait3A_117 = arith.constant 0 : i32
      %dma_wait3A_118 = arith.constant 0 : i32
      %dma_wait3A_119 = tpu.memref_slice %run_scoped3A_8[%rem3A_105, %dma_wait3A_117, %dma_wait3A_118] : memref<2x256x64xf32, #tpu.memory_space<vmem>> -> memref<1x256x64xf32, #tpu.memory_space<vmem>>
      %dma_wait3A_120 = tpu.memref_squeeze %dma_wait3A_119 : memref<1x256x64xf32, #tpu.memory_space<vmem>> -> memref<256x64xf32, #tpu.memory_space<vmem>>
      tpu.wait_dma2 semaphore(%dma_wait3A_114 : memref<!tpu.dma_semaphore, #tpu.memory_space<semaphore_mem>>) src(%dma_wait3A_120 : memref<256x64xf32, #tpu.memory_space<vmem>>) dst(%dma_wait3A_116 : memref<256x64xf32, #tpu.memory_space<hbm>>)
      "tpu.trace_stop"() : () -> ()
      tpu.yield
    }) : () -> ()
    return
  }
}

module attributes {stable_mosaic.version = 14 : i64} {
  func.func @_topk_body(%arg0: i32, %arg1: memref<256x3xf32, #tpu.memory_space<vmem>>, %arg2: memref<3x8192xf32, #tpu.memory_space<vmem>>, %arg3: memref<256x1xi32, #tpu.memory_space<vmem>>, %arg4: memref<1x8192xi32, #tpu.memory_space<vmem>>, %arg5: memref<256x16xi32, #tpu.memory_space<vmem>>, %arg6: memref<256x8192xf32, #tpu.memory_space<vmem>>) attributes {dimension_semantics = [#tpu.dimension_semantics<arbitrary>], iteration_bounds = array<i64: 32>, scalar_prefetch = 0 : i64, scratch_operands = 1 : i64, tpu.core_type = #tpu.core_type<tc>, window_params = [{transform_indices = @transform_0, window_bounds = array<i64: 256, 3>}, {pipeline_mode = #tpu.pipeline_mode<synchronous>, transform_indices = @transform_1, window_bounds = array<i64: 3, 8192>}, {transform_indices = @transform_2, window_bounds = array<i64: 256, 1>}, {pipeline_mode = #tpu.pipeline_mode<synchronous>, transform_indices = @transform_3, window_bounds = array<i64: 1, 8192>}, {transform_indices = @transform_4, window_bounds = array<i64: 256, 16>}]} {
    %get3A = arith.constant 0 : index
    %get3A_0 = arith.constant 0 : index
    %get3A_1 = vector.load %arg1[%get3A, %get3A_0] : memref<256x3xf32, #tpu.memory_space<vmem>>, vector<256x3xf32>
    %mul3A = arith.mulf %get3A_1, %get3A_1 : vector<256x3xf32>
    %reduce_sum3A = arith.constant dense<0.000000e+00> : vector<256xf32>
    %reduce_sum3A_2 = vector.multi_reduction <add>, %mul3A, %reduce_sum3A [1] : vector<256x3xf32> to vector<256xf32>
    %broadcast_in_dim3A = vector.shape_cast %reduce_sum3A_2 : vector<256xf32> to vector<256x1xf32>
    %get3A_3 = arith.constant 0 : index
    %get3A_4 = arith.constant 0 : index
    %get3A_5 = vector.load %arg3[%get3A_3, %get3A_4] : memref<256x1xi32, #tpu.memory_space<vmem>>, vector<256x1xi32>
    %get3A_6 = arith.constant 0 : index
    %get3A_7 = arith.constant 0 : index
    %get3A_8 = vector.load %arg4[%get3A_6, %get3A_7] : memref<1x8192xi32, #tpu.memory_space<vmem>>, vector<1x8192xi32>
    %iota3A = tpu.iota {dimensions = array<i32: 1>} : vector<1x8192xi32>
    %reduce_min3A = vector.shape_cast %get3A_5 : vector<256x1xi32> to vector<1x256x1xi32>
    %reduce_min3A_9 = arith.constant dense<2147483647> : vector<1xi32>
    %reduce_min3A_10 = vector.multi_reduction <minsi>, %reduce_min3A, %reduce_min3A_9 [1, 2] : vector<1x256x1xi32> to vector<1xi32>
    %reduce_min3A_11 = vector.shape_cast %reduce_min3A_10 : vector<1xi32> to vector<1x1x1xi32>
    %reduce_min3A_12 = vector.extract %reduce_min3A_11[0, 0, 0] : i32 from vector<1x1x1xi32>
    %reduce_max3A = vector.shape_cast %get3A_5 : vector<256x1xi32> to vector<1x256x1xi32>
    %reduce_max3A_13 = arith.constant dense<-2147483648> : vector<1xi32>
    %reduce_max3A_14 = vector.multi_reduction <maxsi>, %reduce_max3A, %reduce_max3A_13 [1, 2] : vector<1x256x1xi32> to vector<1xi32>
    %reduce_max3A_15 = vector.shape_cast %reduce_max3A_14 : vector<1xi32> to vector<1x1x1xi32>
    %reduce_max3A_16 = vector.extract %reduce_max3A_15[0, 0, 0] : i32 from vector<1x1x1xi32>
    %eq3A = vector.broadcast %reduce_min3A_12 : i32 to vector<1x8192xi32>
    %eq3A_17 = arith.cmpi eq, %get3A_8, %eq3A : vector<1x8192xi32>
    %jit3A = arith.constant 8192 : i32
    %broadcast_in_dim3A_18 = vector.broadcast %jit3A : i32 to vector<1x8192xi32>
    %select_n3A = arith.select %eq3A_17, %iota3A, %broadcast_in_dim3A_18 : vector<1x8192xi1>, vector<1x8192xi32>
    %reduce_min3A_19 = vector.shape_cast %select_n3A : vector<1x8192xi32> to vector<1x1x8192xi32>
    %reduce_min3A_20 = arith.constant dense<2147483647> : vector<1xi32>
    %reduce_min3A_21 = vector.multi_reduction <minsi>, %reduce_min3A_19, %reduce_min3A_20 [1, 2] : vector<1x1x8192xi32> to vector<1xi32>
    %reduce_min3A_22 = vector.shape_cast %reduce_min3A_21 : vector<1xi32> to vector<1x1x1xi32>
    %reduce_min3A_23 = vector.extract %reduce_min3A_22[0, 0, 0] : i32 from vector<1x1x1xi32>
    %eq3A_24 = vector.broadcast %reduce_max3A_16 : i32 to vector<1x8192xi32>
    %eq3A_25 = arith.cmpi eq, %get3A_8, %eq3A_24 : vector<1x8192xi32>
    %jit3A_26 = arith.constant -1 : i32
    %broadcast_in_dim3A_27 = vector.broadcast %jit3A_26 : i32 to vector<1x8192xi32>
    %select_n3A_28 = arith.select %eq3A_25, %iota3A, %broadcast_in_dim3A_27 : vector<1x8192xi1>, vector<1x8192xi32>
    %reduce_max3A_29 = vector.shape_cast %select_n3A_28 : vector<1x8192xi32> to vector<1x1x8192xi32>
    %reduce_max3A_30 = arith.constant dense<-2147483648> : vector<1xi32>
    %reduce_max3A_31 = vector.multi_reduction <maxsi>, %reduce_max3A_29, %reduce_max3A_30 [1, 2] : vector<1x1x8192xi32> to vector<1xi32>
    %reduce_max3A_32 = vector.shape_cast %reduce_max3A_31 : vector<1xi32> to vector<1x1x1xi32>
    %reduce_max3A_33 = vector.extract %reduce_max3A_32[0, 0, 0] : i32 from vector<1x1x1xi32>
    %add3A = arith.constant 1 : i32
    %add3A_34 = arith.addi %reduce_max3A_33, %add3A : i32
    %jit3A_35 = arith.constant 128 : i32
    %div3A = arith.divsi %reduce_min3A_23, %jit3A_35 : i32
    %sign3A = arith.constant 0 : i32
    %sign3A_36 = arith.cmpi sgt, %reduce_min3A_23, %sign3A : i32
    %sign3A_37 = arith.extui %sign3A_36 : i1 to i32
    %sign3A_38 = arith.constant 0 : i32
    %sign3A_39 = arith.cmpi slt, %reduce_min3A_23, %sign3A_38 : i32
    %sign3A_40 = arith.extui %sign3A_39 : i1 to i32
    %sign3A_41 = arith.subi %sign3A_37, %sign3A_40 : i32
    %sign3A_42 = arith.constant 0 : i32
    %sign3A_43 = arith.cmpi sgt, %jit3A_35, %sign3A_42 : i32
    %sign3A_44 = arith.extui %sign3A_43 : i1 to i32
    %sign3A_45 = arith.constant 0 : i32
    %sign3A_46 = arith.cmpi slt, %jit3A_35, %sign3A_45 : i32
    %sign3A_47 = arith.extui %sign3A_46 : i1 to i32
    %sign3A_48 = arith.subi %sign3A_44, %sign3A_47 : i32
    %ne3A = arith.cmpi ne, %sign3A_41, %sign3A_48 : i32
    %rem3A = arith.remsi %reduce_min3A_23, %jit3A_35 : i32
    %ne3A_49 = arith.constant 0 : i32
    %ne3A_50 = arith.cmpi ne, %rem3A, %ne3A_49 : i32
    %and3A = arith.andi %ne3A, %ne3A_50 : i1
    %sub3A = arith.constant 1 : i32
    %sub3A_51 = arith.subi %div3A, %sub3A : i32
    %select_n3A_52 = arith.select %and3A, %sub3A_51, %div3A : i32
    %mul3A_53 = arith.constant 128 : i32
    %mul3A_54 = arith.muli %select_n3A_52, %mul3A_53 : i32
    %min3A = arith.constant 6912 : i32
    %min3A_55 = arith.minsi %mul3A_54, %min3A : i32
    %multiple_of3A = tpu.assume_multiple %min3A_55, 128 : i32
    %sub3A_56 = arith.subi %add3A_34, %multiple_of3A : i32
    %le3A = arith.constant 1280 : i32
    %le3A_57 = arith.cmpi sle, %sub3A_56, %le3A : i32
    %jit3A_58 = arith.constant 128 : i32
    %div3A_59 = arith.divsi %reduce_min3A_23, %jit3A_58 : i32
    %sign3A_60 = arith.constant 0 : i32
    %sign3A_61 = arith.cmpi sgt, %reduce_min3A_23, %sign3A_60 : i32
    %sign3A_62 = arith.extui %sign3A_61 : i1 to i32
    %sign3A_63 = arith.constant 0 : i32
    %sign3A_64 = arith.cmpi slt, %reduce_min3A_23, %sign3A_63 : i32
    %sign3A_65 = arith.extui %sign3A_64 : i1 to i32
    %sign3A_66 = arith.subi %sign3A_62, %sign3A_65 : i32
    %sign3A_67 = arith.constant 0 : i32
    %sign3A_68 = arith.cmpi sgt, %jit3A_58, %sign3A_67 : i32
    %sign3A_69 = arith.extui %sign3A_68 : i1 to i32
    %sign3A_70 = arith.constant 0 : i32
    %sign3A_71 = arith.cmpi slt, %jit3A_58, %sign3A_70 : i32
    %sign3A_72 = arith.extui %sign3A_71 : i1 to i32
    %sign3A_73 = arith.subi %sign3A_69, %sign3A_72 : i32
    %ne3A_74 = arith.cmpi ne, %sign3A_66, %sign3A_73 : i32
    %rem3A_75 = arith.remsi %reduce_min3A_23, %jit3A_58 : i32
    %ne3A_76 = arith.constant 0 : i32
    %ne3A_77 = arith.cmpi ne, %rem3A_75, %ne3A_76 : i32
    %and3A_78 = arith.andi %ne3A_74, %ne3A_77 : i1
    %sub3A_79 = arith.constant 1 : i32
    %sub3A_80 = arith.subi %div3A_59, %sub3A_79 : i32
    %select_n3A_81 = arith.select %and3A_78, %sub3A_80, %div3A_59 : i32
    %mul3A_82 = arith.constant 128 : i32
    %mul3A_83 = arith.muli %select_n3A_81, %mul3A_82 : i32
    %min3A_84 = arith.constant 5632 : i32
    %min3A_85 = arith.minsi %mul3A_83, %min3A_84 : i32
    %multiple_of3A_86 = tpu.assume_multiple %min3A_85, 128 : i32
    %sub3A_87 = arith.subi %add3A_34, %multiple_of3A_86 : i32
    %le3A_88 = arith.constant 2560 : i32
    %le3A_89 = arith.cmpi sle, %sub3A_87, %le3A_88 : i32
    %convert_element_type3A = arith.extui %le3A_57 : i1 to i32
    %cond3A = arith.constant 0 : i32
    %cond3A_90 = arith.cmpi ne, %convert_element_type3A, %cond3A : i32
    scf.if %cond3A_90 {
      %get3A_101 = arith.constant 0 : index
      %get3A_102 = arith.index_cast %multiple_of3A : i32 to index
      %get3A_103 = vector.load %arg2[%get3A_101, %get3A_102] : memref<3x8192xf32, #tpu.memory_space<vmem>>, vector<3x1280xf32>
      %mul3A_104 = arith.mulf %get3A_103, %get3A_103 : vector<3x1280xf32>
      %reduce_sum3A_105 = arith.constant dense<0.000000e+00> : vector<1280xf32>
      %reduce_sum3A_106 = vector.multi_reduction <add>, %mul3A_104, %reduce_sum3A_105 [0] : vector<3x1280xf32> to vector<1280xf32>
      %broadcast_in_dim3A_107 = vector.shape_cast %reduce_sum3A_106 : vector<1280xf32> to vector<1x1280xf32>
      %convert_element_type3A_108 = arith.truncf %get3A_1 : vector<256x3xf32> to vector<256x3xbf16>
      %convert_element_type3A_109 = arith.truncf %get3A_103 : vector<3x1280xf32> to vector<3x1280xbf16>
      %dot_general3A = arith.constant dense<0.000000e+00> : vector<256x1280xf32>
      %dot_general3A_110 = tpu.matmul %convert_element_type3A_108, %convert_element_type3A_109, %dot_general3A {dimension_numbers = #tpu.dot_dimension_numbers<[1], [0], [0], [1], [0, 0, 1, 1], [], []>, transpose_lhs_hint = false} : vector<256x3xbf16>, vector<3x1280xbf16>, vector<256x1280xf32> -> vector<256x1280xf32>
      %add3A_111 = vector.broadcast %broadcast_in_dim3A : vector<256x1xf32> to vector<256x1280xf32>
      %add3A_112 = vector.broadcast %broadcast_in_dim3A_107 : vector<1x1280xf32> to vector<256x1280xf32>
      %add3A_113 = arith.addf %add3A_111, %add3A_112 : vector<256x1280xf32>
      %mul3A_114 = arith.constant 2.000000e+00 : f32
      %mul3A_115 = vector.broadcast %mul3A_114 : f32 to vector<256x1280xf32>
      %mul3A_116 = arith.mulf %mul3A_115, %dot_general3A_110 : vector<256x1280xf32>
      %sub3A_117 = arith.subf %add3A_113, %mul3A_116 : vector<256x1280xf32>
      %get3A_118 = arith.constant 0 : index
      %get3A_119 = arith.index_cast %multiple_of3A : i32 to index
      %get3A_120 = vector.load %arg4[%get3A_118, %get3A_119] : memref<1x8192xi32, #tpu.memory_space<vmem>>, vector<1x1280xi32>
      %ne3A_121 = vector.broadcast %get3A_5 : vector<256x1xi32> to vector<256x1280xi32>
      %ne3A_122 = vector.broadcast %get3A_120 : vector<1x1280xi32> to vector<256x1280xi32>
      %ne3A_123 = arith.cmpi ne, %ne3A_121, %ne3A_122 : vector<256x1280xi32>
      %jit3A_124 = arith.constant 0x7F800000 : f32
      %broadcast_in_dim3A_125 = vector.broadcast %jit3A_124 : f32 to vector<256x1280xf32>
      %select_n3A_126 = arith.select %ne3A_123, %broadcast_in_dim3A_125, %sub3A_117 : vector<256x1280xi1>, vector<256x1280xf32>
      %swap3A = arith.constant 0 : index
      %swap3A_127 = arith.constant 0 : index
      %swap3A_128 = vector.load %arg6[%swap3A, %swap3A_127] : memref<256x8192xf32, #tpu.memory_space<vmem>>, vector<256x1280xf32>
      tpu.vector_store %arg6[%swap3A, %swap3A_127], %select_n3A_126 {strides = array<i32>} : memref<256x8192xf32, #tpu.memory_space<vmem>>, vector<256x1280xf32>,
      %iota3A_129 = tpu.iota {dimensions = array<i32: 1>} : vector<256x1280xi32>
      %iota3A_130 = tpu.iota {dimensions = array<i32: 1>} : vector<256x16xi32>
      %broadcast_in_dim3A_131 = arith.constant 0 : i32
      %broadcast_in_dim3A_132 = vector.broadcast %broadcast_in_dim3A_131 : i32 to vector<256x16xi32>
      %scan3A = arith.constant 0 : i32
      %scan3A_133 = arith.constant 16 : i32
      %scan3A_134 = arith.addi %scan3A, %scan3A_133 : i32
      %scan3A_135 = arith.constant 1 : i32
      %scan3A_136 = scf.for %scan3A_143 = %scan3A to %scan3A_134 step %scan3A_135 iter_args(%scan3A_144 = %broadcast_in_dim3A_132) -> (vector<256x16xi32>)  : i32 {
        %get3A_145 = arith.constant 0 : index
        %get3A_146 = arith.constant 0 : index
        %get3A_147 = vector.load %arg6[%get3A_145, %get3A_146] : memref<256x8192xf32, #tpu.memory_space<vmem>>, vector<256x1280xf32>
        %reduce_min3A_148 = arith.constant dense<0x7F800000> : vector<256xf32>
        %reduce_min3A_149 = vector.multi_reduction <minimumf>, %get3A_147, %reduce_min3A_148 [1] : vector<256x1280xf32> to vector<256xf32>
        %broadcast_in_dim3A_150 = vector.shape_cast %reduce_min3A_149 : vector<256xf32> to vector<256x1xf32>
        %le3A_151 = vector.broadcast %broadcast_in_dim3A_150 : vector<256x1xf32> to vector<256x1280xf32>
        %le3A_152 = arith.cmpf ole, %get3A_147, %le3A_151 : vector<256x1280xf32>
        %jit3A_153 = arith.constant 1280 : i32
        %broadcast_in_dim3A_154 = vector.broadcast %jit3A_153 : i32 to vector<256x1280xi32>
        %select_n3A_155 = arith.select %le3A_152, %iota3A_129, %broadcast_in_dim3A_154 : vector<256x1280xi1>, vector<256x1280xi32>
        %reduce_min3A_156 = arith.constant dense<2147483647> : vector<256xi32>
        %reduce_min3A_157 = vector.multi_reduction <minsi>, %select_n3A_155, %reduce_min3A_156 [1] : vector<256x1280xi32> to vector<256xi32>
        %broadcast_in_dim3A_158 = vector.shape_cast %reduce_min3A_157 : vector<256xi32> to vector<256x1xi32>
        %eq3A_159 = vector.broadcast %broadcast_in_dim3A_158 : vector<256x1xi32> to vector<256x1280xi32>
        %eq3A_160 = arith.cmpi eq, %iota3A_129, %eq3A_159 : vector<256x1280xi32>
        %jit3A_161 = arith.constant 0x7F800000 : f32
        %broadcast_in_dim3A_162 = vector.broadcast %jit3A_161 : f32 to vector<256x1280xf32>
        %select_n3A_163 = arith.select %eq3A_160, %broadcast_in_dim3A_162, %get3A_147 : vector<256x1280xi1>, vector<256x1280xf32>
        %swap3A_164 = arith.constant 0 : index
        %swap3A_165 = arith.constant 0 : index
        %swap3A_166 = vector.load %arg6[%swap3A_164, %swap3A_165] : memref<256x8192xf32, #tpu.memory_space<vmem>>, vector<256x1280xf32>
        tpu.vector_store %arg6[%swap3A_164, %swap3A_165], %select_n3A_163 {strides = array<i32>} : memref<256x8192xf32, #tpu.memory_space<vmem>>, vector<256x1280xf32>,
        %eq3A_167 = vector.broadcast %scan3A_143 : i32 to vector<256x16xi32>
        %eq3A_168 = arith.cmpi eq, %iota3A_130, %eq3A_167 : vector<256x16xi32>
        %broadcast_in_dim3A_169 = vector.shape_cast %broadcast_in_dim3A_158 : vector<256x1xi32> to vector<256x1xi32>
        %broadcast_in_dim3A_170 = vector.broadcast %broadcast_in_dim3A_169 : vector<256x1xi32> to vector<256x16xi32>
        %select_n3A_171 = arith.select %eq3A_168, %broadcast_in_dim3A_170, %scan3A_144 : vector<256x16xi1>, vector<256x16xi32>
        scf.yield %select_n3A_171 : vector<256x16xi32>
      }
      %scan3A_137 = arith.constant 16 : i32
      %add3A_138 = vector.broadcast %multiple_of3A : i32 to vector<256x16xi32>
      %add3A_139 = arith.addi %scan3A_136, %add3A_138 : vector<256x16xi32>
      %swap3A_140 = arith.constant 0 : index
      %swap3A_141 = arith.constant 0 : index
      %swap3A_142 = vector.load %arg5[%swap3A_140, %swap3A_141] : memref<256x16xi32, #tpu.memory_space<vmem>>, vector<256x16xi32>
      tpu.vector_store %arg5[%swap3A_140, %swap3A_141], %add3A_139 {strides = array<i32>} : memref<256x16xi32, #tpu.memory_space<vmem>>, vector<256x16xi32>,
    } else {
    }
    %not3A = arith.constant true
    %not3A_91 = arith.xori %le3A_57, %not3A : i1
    %and3A_92 = arith.andi %not3A_91, %le3A_89 : i1
    %convert_element_type3A_93 = arith.extui %and3A_92 : i1 to i32
    %cond3A_94 = arith.constant 0 : i32
    %cond3A_95 = arith.cmpi ne, %convert_element_type3A_93, %cond3A_94 : i32
    scf.if %cond3A_95 {
      %get3A_101 = arith.constant 0 : index
      %get3A_102 = arith.index_cast %multiple_of3A_86 : i32 to index
      %get3A_103 = vector.load %arg2[%get3A_101, %get3A_102] : memref<3x8192xf32, #tpu.memory_space<vmem>>, vector<3x2560xf32>
      %mul3A_104 = arith.mulf %get3A_103, %get3A_103 : vector<3x2560xf32>
      %reduce_sum3A_105 = arith.constant dense<0.000000e+00> : vector<2560xf32>
      %reduce_sum3A_106 = vector.multi_reduction <add>, %mul3A_104, %reduce_sum3A_105 [0] : vector<3x2560xf32> to vector<2560xf32>
      %broadcast_in_dim3A_107 = vector.shape_cast %reduce_sum3A_106 : vector<2560xf32> to vector<1x2560xf32>
      %convert_element_type3A_108 = arith.truncf %get3A_1 : vector<256x3xf32> to vector<256x3xbf16>
      %convert_element_type3A_109 = arith.truncf %get3A_103 : vector<3x2560xf32> to vector<3x2560xbf16>
      %dot_general3A = arith.constant dense<0.000000e+00> : vector<256x2560xf32>
      %dot_general3A_110 = tpu.matmul %convert_element_type3A_108, %convert_element_type3A_109, %dot_general3A {dimension_numbers = #tpu.dot_dimension_numbers<[1], [0], [0], [1], [0, 0, 1, 1], [], []>, transpose_lhs_hint = false} : vector<256x3xbf16>, vector<3x2560xbf16>, vector<256x2560xf32> -> vector<256x2560xf32>
      %add3A_111 = vector.broadcast %broadcast_in_dim3A : vector<256x1xf32> to vector<256x2560xf32>
      %add3A_112 = vector.broadcast %broadcast_in_dim3A_107 : vector<1x2560xf32> to vector<256x2560xf32>
      %add3A_113 = arith.addf %add3A_111, %add3A_112 : vector<256x2560xf32>
      %mul3A_114 = arith.constant 2.000000e+00 : f32
      %mul3A_115 = vector.broadcast %mul3A_114 : f32 to vector<256x2560xf32>
      %mul3A_116 = arith.mulf %mul3A_115, %dot_general3A_110 : vector<256x2560xf32>
      %sub3A_117 = arith.subf %add3A_113, %mul3A_116 : vector<256x2560xf32>
      %get3A_118 = arith.constant 0 : index
      %get3A_119 = arith.index_cast %multiple_of3A_86 : i32 to index
      %get3A_120 = vector.load %arg4[%get3A_118, %get3A_119] : memref<1x8192xi32, #tpu.memory_space<vmem>>, vector<1x2560xi32>
      %ne3A_121 = vector.broadcast %get3A_5 : vector<256x1xi32> to vector<256x2560xi32>
      %ne3A_122 = vector.broadcast %get3A_120 : vector<1x2560xi32> to vector<256x2560xi32>
      %ne3A_123 = arith.cmpi ne, %ne3A_121, %ne3A_122 : vector<256x2560xi32>
      %jit3A_124 = arith.constant 0x7F800000 : f32
      %broadcast_in_dim3A_125 = vector.broadcast %jit3A_124 : f32 to vector<256x2560xf32>
      %select_n3A_126 = arith.select %ne3A_123, %broadcast_in_dim3A_125, %sub3A_117 : vector<256x2560xi1>, vector<256x2560xf32>
      %swap3A = arith.constant 0 : index
      %swap3A_127 = arith.constant 0 : index
      %swap3A_128 = vector.load %arg6[%swap3A, %swap3A_127] : memref<256x8192xf32, #tpu.memory_space<vmem>>, vector<256x2560xf32>
      tpu.vector_store %arg6[%swap3A, %swap3A_127], %select_n3A_126 {strides = array<i32>} : memref<256x8192xf32, #tpu.memory_space<vmem>>, vector<256x2560xf32>,
      %iota3A_129 = tpu.iota {dimensions = array<i32: 1>} : vector<256x2560xi32>
      %iota3A_130 = tpu.iota {dimensions = array<i32: 1>} : vector<256x16xi32>
      %broadcast_in_dim3A_131 = arith.constant 0 : i32
      %broadcast_in_dim3A_132 = vector.broadcast %broadcast_in_dim3A_131 : i32 to vector<256x16xi32>
      %scan3A = arith.constant 0 : i32
      %scan3A_133 = arith.constant 16 : i32
      %scan3A_134 = arith.addi %scan3A, %scan3A_133 : i32
      %scan3A_135 = arith.constant 1 : i32
      %scan3A_136 = scf.for %scan3A_143 = %scan3A to %scan3A_134 step %scan3A_135 iter_args(%scan3A_144 = %broadcast_in_dim3A_132) -> (vector<256x16xi32>)  : i32 {
        %get3A_145 = arith.constant 0 : index
        %get3A_146 = arith.constant 0 : index
        %get3A_147 = vector.load %arg6[%get3A_145, %get3A_146] : memref<256x8192xf32, #tpu.memory_space<vmem>>, vector<256x2560xf32>
        %reduce_min3A_148 = arith.constant dense<0x7F800000> : vector<256xf32>
        %reduce_min3A_149 = vector.multi_reduction <minimumf>, %get3A_147, %reduce_min3A_148 [1] : vector<256x2560xf32> to vector<256xf32>
        %broadcast_in_dim3A_150 = vector.shape_cast %reduce_min3A_149 : vector<256xf32> to vector<256x1xf32>
        %le3A_151 = vector.broadcast %broadcast_in_dim3A_150 : vector<256x1xf32> to vector<256x2560xf32>
        %le3A_152 = arith.cmpf ole, %get3A_147, %le3A_151 : vector<256x2560xf32>
        %jit3A_153 = arith.constant 2560 : i32
        %broadcast_in_dim3A_154 = vector.broadcast %jit3A_153 : i32 to vector<256x2560xi32>
        %select_n3A_155 = arith.select %le3A_152, %iota3A_129, %broadcast_in_dim3A_154 : vector<256x2560xi1>, vector<256x2560xi32>
        %reduce_min3A_156 = arith.constant dense<2147483647> : vector<256xi32>
        %reduce_min3A_157 = vector.multi_reduction <minsi>, %select_n3A_155, %reduce_min3A_156 [1] : vector<256x2560xi32> to vector<256xi32>
        %broadcast_in_dim3A_158 = vector.shape_cast %reduce_min3A_157 : vector<256xi32> to vector<256x1xi32>
        %eq3A_159 = vector.broadcast %broadcast_in_dim3A_158 : vector<256x1xi32> to vector<256x2560xi32>
        %eq3A_160 = arith.cmpi eq, %iota3A_129, %eq3A_159 : vector<256x2560xi32>
        %jit3A_161 = arith.constant 0x7F800000 : f32
        %broadcast_in_dim3A_162 = vector.broadcast %jit3A_161 : f32 to vector<256x2560xf32>
        %select_n3A_163 = arith.select %eq3A_160, %broadcast_in_dim3A_162, %get3A_147 : vector<256x2560xi1>, vector<256x2560xf32>
        %swap3A_164 = arith.constant 0 : index
        %swap3A_165 = arith.constant 0 : index
        %swap3A_166 = vector.load %arg6[%swap3A_164, %swap3A_165] : memref<256x8192xf32, #tpu.memory_space<vmem>>, vector<256x2560xf32>
        tpu.vector_store %arg6[%swap3A_164, %swap3A_165], %select_n3A_163 {strides = array<i32>} : memref<256x8192xf32, #tpu.memory_space<vmem>>, vector<256x2560xf32>,
        %eq3A_167 = vector.broadcast %scan3A_143 : i32 to vector<256x16xi32>
        %eq3A_168 = arith.cmpi eq, %iota3A_130, %eq3A_167 : vector<256x16xi32>
        %broadcast_in_dim3A_169 = vector.shape_cast %broadcast_in_dim3A_158 : vector<256x1xi32> to vector<256x1xi32>
        %broadcast_in_dim3A_170 = vector.broadcast %broadcast_in_dim3A_169 : vector<256x1xi32> to vector<256x16xi32>
        %select_n3A_171 = arith.select %eq3A_168, %broadcast_in_dim3A_170, %scan3A_144 : vector<256x16xi1>, vector<256x16xi32>
        scf.yield %select_n3A_171 : vector<256x16xi32>
      }
      %scan3A_137 = arith.constant 16 : i32
      %add3A_138 = vector.broadcast %multiple_of3A_86 : i32 to vector<256x16xi32>
      %add3A_139 = arith.addi %scan3A_136, %add3A_138 : vector<256x16xi32>
      %swap3A_140 = arith.constant 0 : index
      %swap3A_141 = arith.constant 0 : index
      %swap3A_142 = vector.load %arg5[%swap3A_140, %swap3A_141] : memref<256x16xi32, #tpu.memory_space<vmem>>, vector<256x16xi32>
      tpu.vector_store %arg5[%swap3A_140, %swap3A_141], %add3A_139 {strides = array<i32>} : memref<256x16xi32, #tpu.memory_space<vmem>>, vector<256x16xi32>,
    } else {
    }
    %not3A_96 = arith.constant true
    %not3A_97 = arith.xori %le3A_89, %not3A_96 : i1
    %convert_element_type3A_98 = arith.extui %not3A_97 : i1 to i32
    %cond3A_99 = arith.constant 0 : i32
    %cond3A_100 = arith.cmpi ne, %convert_element_type3A_98, %cond3A_99 : i32
    scf.if %cond3A_100 {
      %get3A_101 = arith.constant 0 : index
      %get3A_102 = arith.constant 0 : index
      %get3A_103 = vector.load %arg2[%get3A_101, %get3A_102] : memref<3x8192xf32, #tpu.memory_space<vmem>>, vector<3x8192xf32>
      %mul3A_104 = arith.mulf %get3A_103, %get3A_103 : vector<3x8192xf32>
      %reduce_sum3A_105 = arith.constant dense<0.000000e+00> : vector<8192xf32>
      %reduce_sum3A_106 = vector.multi_reduction <add>, %mul3A_104, %reduce_sum3A_105 [0] : vector<3x8192xf32> to vector<8192xf32>
      %broadcast_in_dim3A_107 = vector.shape_cast %reduce_sum3A_106 : vector<8192xf32> to vector<1x8192xf32>
      %convert_element_type3A_108 = arith.truncf %get3A_1 : vector<256x3xf32> to vector<256x3xbf16>
      %convert_element_type3A_109 = arith.truncf %get3A_103 : vector<3x8192xf32> to vector<3x8192xbf16>
      %dot_general3A = arith.constant dense<0.000000e+00> : vector<256x8192xf32>
      %dot_general3A_110 = tpu.matmul %convert_element_type3A_108, %convert_element_type3A_109, %dot_general3A {dimension_numbers = #tpu.dot_dimension_numbers<[1], [0], [0], [1], [0, 0, 1, 1], [], []>, transpose_lhs_hint = false} : vector<256x3xbf16>, vector<3x8192xbf16>, vector<256x8192xf32> -> vector<256x8192xf32>
      %add3A_111 = vector.broadcast %broadcast_in_dim3A : vector<256x1xf32> to vector<256x8192xf32>
      %add3A_112 = vector.broadcast %broadcast_in_dim3A_107 : vector<1x8192xf32> to vector<256x8192xf32>
      %add3A_113 = arith.addf %add3A_111, %add3A_112 : vector<256x8192xf32>
      %mul3A_114 = arith.constant 2.000000e+00 : f32
      %mul3A_115 = vector.broadcast %mul3A_114 : f32 to vector<256x8192xf32>
      %mul3A_116 = arith.mulf %mul3A_115, %dot_general3A_110 : vector<256x8192xf32>
      %sub3A_117 = arith.subf %add3A_113, %mul3A_116 : vector<256x8192xf32>
      %ne3A_118 = vector.broadcast %get3A_5 : vector<256x1xi32> to vector<256x8192xi32>
      %ne3A_119 = vector.broadcast %get3A_8 : vector<1x8192xi32> to vector<256x8192xi32>
      %ne3A_120 = arith.cmpi ne, %ne3A_118, %ne3A_119 : vector<256x8192xi32>
      %jit3A_121 = arith.constant 0x7F800000 : f32
      %broadcast_in_dim3A_122 = vector.broadcast %jit3A_121 : f32 to vector<256x8192xf32>
      %select_n3A_123 = arith.select %ne3A_120, %broadcast_in_dim3A_122, %sub3A_117 : vector<256x8192xi1>, vector<256x8192xf32>
      %swap3A = arith.constant 0 : index
      %swap3A_124 = arith.constant 0 : index
      %swap3A_125 = vector.load %arg6[%swap3A, %swap3A_124] : memref<256x8192xf32, #tpu.memory_space<vmem>>, vector<256x8192xf32>
      tpu.vector_store %arg6[%swap3A, %swap3A_124], %select_n3A_123 {strides = array<i32>} : memref<256x8192xf32, #tpu.memory_space<vmem>>, vector<256x8192xf32>,
      %iota3A_126 = tpu.iota {dimensions = array<i32: 1>} : vector<256x8192xi32>
      %iota3A_127 = tpu.iota {dimensions = array<i32: 1>} : vector<256x16xi32>
      %broadcast_in_dim3A_128 = arith.constant 0 : i32
      %broadcast_in_dim3A_129 = vector.broadcast %broadcast_in_dim3A_128 : i32 to vector<256x16xi32>
      %scan3A = arith.constant 0 : i32
      %scan3A_130 = arith.constant 16 : i32
      %scan3A_131 = arith.addi %scan3A, %scan3A_130 : i32
      %scan3A_132 = arith.constant 1 : i32
      %scan3A_133 = scf.for %scan3A_141 = %scan3A to %scan3A_131 step %scan3A_132 iter_args(%scan3A_142 = %broadcast_in_dim3A_129) -> (vector<256x16xi32>)  : i32 {
        %get3A_143 = arith.constant 0 : index
        %get3A_144 = arith.constant 0 : index
        %get3A_145 = vector.load %arg6[%get3A_143, %get3A_144] : memref<256x8192xf32, #tpu.memory_space<vmem>>, vector<256x8192xf32>
        %reduce_min3A_146 = arith.constant dense<0x7F800000> : vector<256xf32>
        %reduce_min3A_147 = vector.multi_reduction <minimumf>, %get3A_145, %reduce_min3A_146 [1] : vector<256x8192xf32> to vector<256xf32>
        %broadcast_in_dim3A_148 = vector.shape_cast %reduce_min3A_147 : vector<256xf32> to vector<256x1xf32>
        %le3A_149 = vector.broadcast %broadcast_in_dim3A_148 : vector<256x1xf32> to vector<256x8192xf32>
        %le3A_150 = arith.cmpf ole, %get3A_145, %le3A_149 : vector<256x8192xf32>
        %jit3A_151 = arith.constant 8192 : i32
        %broadcast_in_dim3A_152 = vector.broadcast %jit3A_151 : i32 to vector<256x8192xi32>
        %select_n3A_153 = arith.select %le3A_150, %iota3A_126, %broadcast_in_dim3A_152 : vector<256x8192xi1>, vector<256x8192xi32>
        %reduce_min3A_154 = arith.constant dense<2147483647> : vector<256xi32>
        %reduce_min3A_155 = vector.multi_reduction <minsi>, %select_n3A_153, %reduce_min3A_154 [1] : vector<256x8192xi32> to vector<256xi32>
        %broadcast_in_dim3A_156 = vector.shape_cast %reduce_min3A_155 : vector<256xi32> to vector<256x1xi32>
        %eq3A_157 = vector.broadcast %broadcast_in_dim3A_156 : vector<256x1xi32> to vector<256x8192xi32>
        %eq3A_158 = arith.cmpi eq, %iota3A_126, %eq3A_157 : vector<256x8192xi32>
        %jit3A_159 = arith.constant 0x7F800000 : f32
        %broadcast_in_dim3A_160 = vector.broadcast %jit3A_159 : f32 to vector<256x8192xf32>
        %select_n3A_161 = arith.select %eq3A_158, %broadcast_in_dim3A_160, %get3A_145 : vector<256x8192xi1>, vector<256x8192xf32>
        %swap3A_162 = arith.constant 0 : index
        %swap3A_163 = arith.constant 0 : index
        %swap3A_164 = vector.load %arg6[%swap3A_162, %swap3A_163] : memref<256x8192xf32, #tpu.memory_space<vmem>>, vector<256x8192xf32>
        tpu.vector_store %arg6[%swap3A_162, %swap3A_163], %select_n3A_161 {strides = array<i32>} : memref<256x8192xf32, #tpu.memory_space<vmem>>, vector<256x8192xf32>,
        %eq3A_165 = vector.broadcast %scan3A_141 : i32 to vector<256x16xi32>
        %eq3A_166 = arith.cmpi eq, %iota3A_127, %eq3A_165 : vector<256x16xi32>
        %broadcast_in_dim3A_167 = vector.shape_cast %broadcast_in_dim3A_156 : vector<256x1xi32> to vector<256x1xi32>
        %broadcast_in_dim3A_168 = vector.broadcast %broadcast_in_dim3A_167 : vector<256x1xi32> to vector<256x16xi32>
        %select_n3A_169 = arith.select %eq3A_166, %broadcast_in_dim3A_168, %scan3A_142 : vector<256x16xi1>, vector<256x16xi32>
        scf.yield %select_n3A_169 : vector<256x16xi32>
      }
      %scan3A_134 = arith.constant 16 : i32
      %add3A_135 = arith.constant 0 : i32
      %add3A_136 = vector.broadcast %add3A_135 : i32 to vector<256x16xi32>
      %add3A_137 = arith.addi %scan3A_133, %add3A_136 : vector<256x16xi32>
      %swap3A_138 = arith.constant 0 : index
      %swap3A_139 = arith.constant 0 : index
      %swap3A_140 = vector.load %arg5[%swap3A_138, %swap3A_139] : memref<256x16xi32, #tpu.memory_space<vmem>>, vector<256x16xi32>
      tpu.vector_store %arg5[%swap3A_138, %swap3A_139], %add3A_137 {strides = array<i32>} : memref<256x16xi32, #tpu.memory_space<vmem>>, vector<256x16xi32>,
    } else {
    }
    return
  }
  func.func @transform_0(%arg0: i32) -> (i32, i32) {
    %c0_i32 = arith.constant 0 : i32
    %c0_i32_0 = arith.constant 0 : i32
    return %arg0, %c0_i32 : i32, i32
  }
  func.func @transform_1(%arg0: i32) -> (i32, i32) {
    %c0_i32 = arith.constant 0 : i32
    %c0_i32_0 = arith.constant 0 : i32
    %c0_i32_1 = arith.constant 0 : i32
    return %c0_i32, %c0_i32_0 : i32, i32
  }
  func.func @transform_2(%arg0: i32) -> (i32, i32) {
    %c0_i32 = arith.constant 0 : i32
    %c0_i32_0 = arith.constant 0 : i32
    return %arg0, %c0_i32 : i32, i32
  }
  func.func @transform_3(%arg0: i32) -> (i32, i32) {
    %c0_i32 = arith.constant 0 : i32
    %c0_i32_0 = arith.constant 0 : i32
    %c0_i32_1 = arith.constant 0 : i32
    return %c0_i32, %c0_i32_0 : i32, i32
  }
  func.func @transform_4(%arg0: i32) -> (i32, i32) {
    %c0_i32 = arith.constant 0 : i32
    %c0_i32_0 = arith.constant 0 : i32
    return %arg0, %c0_i32 : i32, i32
  }
}

module attributes {stable_mosaic.version = 14 : i64} {
  func.func @_edge_sq_body(%arg0: i32, %arg1: memref<256x16xf32, #tpu.memory_space<vmem>>, %arg2: memref<4096x16xf32, #tpu.memory_space<vmem>>, %arg3: memref<6x32xf32, #tpu.memory_space<vmem>>, %arg4: memref<1x32xf32, #tpu.memory_space<vmem>>, %arg5: memref<32x64xf32, #tpu.memory_space<vmem>>, %arg6: memref<1x64xf32, #tpu.memory_space<vmem>>, %arg7: memref<256x1xi32, #tpu.memory_space<vmem>>, %arg8: memref<256x64xf32, #tpu.memory_space<vmem>>, %arg9: memref<256x1xf32, #tpu.memory_space<vmem>>) attributes {dimension_semantics = [#tpu.dimension_semantics<arbitrary>], iteration_bounds = array<i64: 32>, scalar_prefetch = 0 : i64, scratch_operands = 0 : i64, tpu.core_type = #tpu.core_type<tc>, window_params = [{transform_indices = @transform_0, window_bounds = array<i64: 256, 16>}, {transform_indices = @transform_1, window_bounds = array<i64: 4096, 16>}, {pipeline_mode = #tpu.pipeline_mode<synchronous>, transform_indices = @transform_2, window_bounds = array<i64: 6, 32>}, {pipeline_mode = #tpu.pipeline_mode<synchronous>, transform_indices = @transform_3, window_bounds = array<i64: 1, 32>}, {pipeline_mode = #tpu.pipeline_mode<synchronous>, transform_indices = @transform_4, window_bounds = array<i64: 32, 64>}, {pipeline_mode = #tpu.pipeline_mode<synchronous>, transform_indices = @transform_5, window_bounds = array<i64: 1, 64>}, {transform_indices = @transform_6, window_bounds = array<i64: 256, 1>}, {transform_indices = @transform_7, window_bounds = array<i64: 256, 64>}, {transform_indices = @transform_8, window_bounds = array<i64: 256, 1>}]} {
    %get3A = arith.constant 0 : index
    %get3A_0 = arith.constant 0 : index
    %get3A_1 = vector.load %arg1[%get3A, %get3A_0] : memref<256x16xf32, #tpu.memory_space<vmem>>, vector<256x16xf32>
    %slice3A = vector.extract_strided_slice %get3A_1 {offsets = [0, 0], sizes = [256, 3], strides = [1, 1]} : vector<256x16xf32> to vector<256x3xf32>
    %get3A_2 = arith.constant 0 : index
    %get3A_3 = arith.constant 0 : index
    %get3A_4 = vector.load %arg2[%get3A_2, %get3A_3] : memref<4096x16xf32, #tpu.memory_space<vmem>>, vector<4096x16xf32>
    %reshape3A = vector.shape_cast %get3A_4 : vector<4096x16xf32> to vector<256x16x16xf32>
    %slice3A_5 = vector.extract_strided_slice %reshape3A {offsets = [0, 0, 0], sizes = [256, 16, 3], strides = [1, 1, 1]} : vector<256x16x16xf32> to vector<256x16x3xf32>
    %broadcast_in_dim3A = vector.shape_cast %slice3A : vector<256x3xf32> to vector<256x1x3xf32>
    %broadcast_in_dim3A_6 = vector.shape_cast %broadcast_in_dim3A : vector<256x1x3xf32> to vector<256x1x3xf32>
    %broadcast_in_dim3A_7 = vector.broadcast %broadcast_in_dim3A_6 : vector<256x1x3xf32> to vector<256x16x3xf32>
    %sub3A = arith.subf %slice3A_5, %broadcast_in_dim3A_7 : vector<256x16x3xf32>
    %concatenate3A = tpu.concatenate %broadcast_in_dim3A_7, %sub3A in 2 : vector<256x16x3xf32>, vector<256x16x3xf32> -> vector<256x16x6xf32>
    %reshape3A_8 = vector.shape_cast %concatenate3A : vector<256x16x6xf32> to vector<4096x6xf32>
    %get3A_9 = arith.constant 0 : index
    %get3A_10 = arith.constant 0 : index
    %get3A_11 = vector.load %arg3[%get3A_9, %get3A_10] : memref<6x32xf32, #tpu.memory_space<vmem>>, vector<6x32xf32>
    %convert_element_type3A = arith.truncf %reshape3A_8 : vector<4096x6xf32> to vector<4096x6xbf16>
    %convert_element_type3A_12 = arith.truncf %get3A_11 : vector<6x32xf32> to vector<6x32xbf16>
    %dot_general3A = arith.constant dense<0.000000e+00> : vector<4096x32xf32>
    %dot_general3A_13 = tpu.matmul %convert_element_type3A, %convert_element_type3A_12, %dot_general3A {dimension_numbers = #tpu.dot_dimension_numbers<[1], [0], [0], [1], [0, 0, 1, 1], [], []>, transpose_lhs_hint = false} : vector<4096x6xbf16>, vector<6x32xbf16>, vector<4096x32xf32> -> vector<4096x32xf32>
    %get3A_14 = arith.constant 0 : index
    %get3A_15 = arith.constant 0 : index
    %get3A_16 = vector.load %arg4[%get3A_14, %get3A_15] : memref<1x32xf32, #tpu.memory_space<vmem>>, vector<1x32xf32>
    %add3A = vector.broadcast %get3A_16 : vector<1x32xf32> to vector<4096x32xf32>
    %add3A_17 = arith.addf %dot_general3A_13, %add3A : vector<4096x32xf32>
    %max3A = arith.constant 0.000000e+00 : f32
    %max3A_18 = vector.broadcast %max3A : f32 to vector<4096x32xf32>
    %max3A_19 = arith.maximumf %add3A_17, %max3A_18 : vector<4096x32xf32>
    %get3A_20 = arith.constant 0 : index
    %get3A_21 = arith.constant 0 : index
    %get3A_22 = vector.load %arg5[%get3A_20, %get3A_21] : memref<32x64xf32, #tpu.memory_space<vmem>>, vector<32x64xf32>
    %convert_element_type3A_23 = arith.truncf %max3A_19 : vector<4096x32xf32> to vector<4096x32xbf16>
    %convert_element_type3A_24 = arith.truncf %get3A_22 : vector<32x64xf32> to vector<32x64xbf16>
    %dot_general3A_25 = arith.constant dense<0.000000e+00> : vector<4096x64xf32>
    %dot_general3A_26 = tpu.matmul %convert_element_type3A_23, %convert_element_type3A_24, %dot_general3A_25 {dimension_numbers = #tpu.dot_dimension_numbers<[1], [0], [0], [1], [0, 0, 1, 1], [], []>, transpose_lhs_hint = false} : vector<4096x32xbf16>, vector<32x64xbf16>, vector<4096x64xf32> -> vector<4096x64xf32>
    %get3A_27 = arith.constant 0 : index
    %get3A_28 = arith.constant 0 : index
    %get3A_29 = vector.load %arg6[%get3A_27, %get3A_28] : memref<1x64xf32, #tpu.memory_space<vmem>>, vector<1x64xf32>
    %add3A_30 = vector.broadcast %get3A_29 : vector<1x64xf32> to vector<4096x64xf32>
    %add3A_31 = arith.addf %dot_general3A_26, %add3A_30 : vector<4096x64xf32>
    %max3A_32 = arith.constant 0.000000e+00 : f32
    %max3A_33 = vector.broadcast %max3A_32 : f32 to vector<4096x64xf32>
    %max3A_34 = arith.maximumf %add3A_31, %max3A_33 : vector<4096x64xf32>
    %reshape3A_35 = vector.shape_cast %max3A_34 : vector<4096x64xf32> to vector<256x16x64xf32>
    %reduce_max3A = arith.constant dense<0xFF800000> : vector<256x64xf32>
    %reduce_max3A_36 = vector.multi_reduction <maximumf>, %reshape3A_35, %reduce_max3A [1] : vector<256x16x64xf32> to vector<256x64xf32>
    %max3A_37 = arith.constant 0.000000e+00 : f32
    %max3A_38 = vector.broadcast %max3A_37 : f32 to vector<256x64xf32>
    %max3A_39 = arith.maximumf %reduce_max3A_36, %max3A_38 : vector<256x64xf32>
    %swap3A = arith.constant 0 : index
    %swap3A_40 = arith.constant 0 : index
    %swap3A_41 = vector.load %arg8[%swap3A, %swap3A_40] : memref<256x64xf32, #tpu.memory_space<vmem>>, vector<256x64xf32>
    tpu.vector_store %arg8[%swap3A, %swap3A_40], %max3A_39 {strides = array<i32>} : memref<256x64xf32, #tpu.memory_space<vmem>>, vector<256x64xf32>,
    %get3A_42 = arith.constant 0 : index
    %get3A_43 = arith.constant 0 : index
    %get3A_44 = vector.load %arg8[%get3A_42, %get3A_43] : memref<256x64xf32, #tpu.memory_space<vmem>>, vector<256x64xf32>
    %mul3A = arith.mulf %get3A_44, %get3A_44 : vector<256x64xf32>
    %reduce_sum3A = arith.constant dense<0.000000e+00> : vector<256xf32>
    %reduce_sum3A_45 = vector.multi_reduction <add>, %mul3A, %reduce_sum3A [1] : vector<256x64xf32> to vector<256xf32>
    %broadcast_in_dim3A_46 = vector.shape_cast %reduce_sum3A_45 : vector<256xf32> to vector<256x1xf32>
    %swap3A_47 = arith.constant 0 : index
    %swap3A_48 = arith.constant 0 : index
    %swap3A_49 = vector.load %arg9[%swap3A_47, %swap3A_48] : memref<256x1xf32, #tpu.memory_space<vmem>>, vector<256x1xf32>
    tpu.vector_store %arg9[%swap3A_47, %swap3A_48], %broadcast_in_dim3A_46 {strides = array<i32>} : memref<256x1xf32, #tpu.memory_space<vmem>>, vector<256x1xf32>,
    return
  }
  func.func @transform_0(%arg0: i32) -> (i32, i32) {
    %c0_i32 = arith.constant 0 : i32
    %c0_i32_0 = arith.constant 0 : i32
    return %arg0, %c0_i32 : i32, i32
  }
  func.func @transform_1(%arg0: i32) -> (i32, i32) {
    %c0_i32 = arith.constant 0 : i32
    %c0_i32_0 = arith.constant 0 : i32
    return %arg0, %c0_i32 : i32, i32
  }
  func.func @transform_2(%arg0: i32) -> (i32, i32) {
    %c0_i32 = arith.constant 0 : i32
    %c0_i32_0 = arith.constant 0 : i32
    %c0_i32_1 = arith.constant 0 : i32
    return %c0_i32, %c0_i32_0 : i32, i32
  }
  func.func @transform_3(%arg0: i32) -> (i32, i32) {
    %c0_i32 = arith.constant 0 : i32
    %c0_i32_0 = arith.constant 0 : i32
    %c0_i32_1 = arith.constant 0 : i32
    return %c0_i32, %c0_i32_0 : i32, i32
  }
  func.func @transform_4(%arg0: i32) -> (i32, i32) {
    %c0_i32 = arith.constant 0 : i32
    %c0_i32_0 = arith.constant 0 : i32
    %c0_i32_1 = arith.constant 0 : i32
    return %c0_i32, %c0_i32_0 : i32, i32
  }
  func.func @transform_5(%arg0: i32) -> (i32, i32) {
    %c0_i32 = arith.constant 0 : i32
    %c0_i32_0 = arith.constant 0 : i32
    %c0_i32_1 = arith.constant 0 : i32
    return %c0_i32, %c0_i32_0 : i32, i32
  }
  func.func @transform_6(%arg0: i32) -> (i32, i32) {
    %c0_i32 = arith.constant 0 : i32
    %c0_i32_0 = arith.constant 0 : i32
    return %arg0, %c0_i32 : i32, i32
  }
  func.func @transform_7(%arg0: i32) -> (i32, i32) {
    %c0_i32 = arith.constant 0 : i32
    %c0_i32_0 = arith.constant 0 : i32
    return %arg0, %c0_i32 : i32, i32
  }
  func.func @transform_8(%arg0: i32) -> (i32, i32) {
    %c0_i32 = arith.constant 0 : i32
    %c0_i32_0 = arith.constant 0 : i32
    return %arg0, %c0_i32 : i32, i32
  }
}

module attributes {stable_mosaic.version = 14 : i64} {
  func.func @_topk_rt_body(%arg0: i32, %arg1: memref<256x64xf32, #tpu.memory_space<vmem>>, %arg2: memref<8192x64xf32, #tpu.memory_space<vmem>>, %arg3: memref<1x8192xf32, #tpu.memory_space<vmem>>, %arg4: memref<256x1xi32, #tpu.memory_space<vmem>>, %arg5: memref<1x8192xi32, #tpu.memory_space<vmem>>, %arg6: memref<256x16xi32, #tpu.memory_space<vmem>>, %arg7: memref<256x8192xf32, #tpu.memory_space<vmem>>) attributes {dimension_semantics = [#tpu.dimension_semantics<arbitrary>], iteration_bounds = array<i64: 32>, scalar_prefetch = 0 : i64, scratch_operands = 1 : i64, tpu.core_type = #tpu.core_type<tc>, window_params = [{transform_indices = @transform_0, window_bounds = array<i64: 256, 64>}, {pipeline_mode = #tpu.pipeline_mode<synchronous>, transform_indices = @transform_1, window_bounds = array<i64: 8192, 64>}, {pipeline_mode = #tpu.pipeline_mode<synchronous>, transform_indices = @transform_2, window_bounds = array<i64: 1, 8192>}, {transform_indices = @transform_3, window_bounds = array<i64: 256, 1>}, {pipeline_mode = #tpu.pipeline_mode<synchronous>, transform_indices = @transform_4, window_bounds = array<i64: 1, 8192>}, {transform_indices = @transform_5, window_bounds = array<i64: 256, 16>}]} {
    %get3A = arith.constant 0 : index
    %get3A_0 = arith.constant 0 : index
    %get3A_1 = vector.load %arg1[%get3A, %get3A_0] : memref<256x64xf32, #tpu.memory_space<vmem>>, vector<256x64xf32>
    %mul3A = arith.mulf %get3A_1, %get3A_1 : vector<256x64xf32>
    %reduce_sum3A = arith.constant dense<0.000000e+00> : vector<256xf32>
    %reduce_sum3A_2 = vector.multi_reduction <add>, %mul3A, %reduce_sum3A [1] : vector<256x64xf32> to vector<256xf32>
    %broadcast_in_dim3A = vector.shape_cast %reduce_sum3A_2 : vector<256xf32> to vector<256x1xf32>
    %get3A_3 = arith.constant 0 : index
    %get3A_4 = arith.constant 0 : index
    %get3A_5 = vector.load %arg4[%get3A_3, %get3A_4] : memref<256x1xi32, #tpu.memory_space<vmem>>, vector<256x1xi32>
    %get3A_6 = arith.constant 0 : index
    %get3A_7 = arith.constant 0 : index
    %get3A_8 = vector.load %arg5[%get3A_6, %get3A_7] : memref<1x8192xi32, #tpu.memory_space<vmem>>, vector<1x8192xi32>
    %iota3A = tpu.iota {dimensions = array<i32: 1>} : vector<1x8192xi32>
    %reduce_min3A = vector.shape_cast %get3A_5 : vector<256x1xi32> to vector<1x256x1xi32>
    %reduce_min3A_9 = arith.constant dense<2147483647> : vector<1xi32>
    %reduce_min3A_10 = vector.multi_reduction <minsi>, %reduce_min3A, %reduce_min3A_9 [1, 2] : vector<1x256x1xi32> to vector<1xi32>
    %reduce_min3A_11 = vector.shape_cast %reduce_min3A_10 : vector<1xi32> to vector<1x1x1xi32>
    %reduce_min3A_12 = vector.extract %reduce_min3A_11[0, 0, 0] : i32 from vector<1x1x1xi32>
    %reduce_max3A = vector.shape_cast %get3A_5 : vector<256x1xi32> to vector<1x256x1xi32>
    %reduce_max3A_13 = arith.constant dense<-2147483648> : vector<1xi32>
    %reduce_max3A_14 = vector.multi_reduction <maxsi>, %reduce_max3A, %reduce_max3A_13 [1, 2] : vector<1x256x1xi32> to vector<1xi32>
    %reduce_max3A_15 = vector.shape_cast %reduce_max3A_14 : vector<1xi32> to vector<1x1x1xi32>
    %reduce_max3A_16 = vector.extract %reduce_max3A_15[0, 0, 0] : i32 from vector<1x1x1xi32>
    %eq3A = vector.broadcast %reduce_min3A_12 : i32 to vector<1x8192xi32>
    %eq3A_17 = arith.cmpi eq, %get3A_8, %eq3A : vector<1x8192xi32>
    %jit3A = arith.constant 8192 : i32
    %broadcast_in_dim3A_18 = vector.broadcast %jit3A : i32 to vector<1x8192xi32>
    %select_n3A = arith.select %eq3A_17, %iota3A, %broadcast_in_dim3A_18 : vector<1x8192xi1>, vector<1x8192xi32>
    %reduce_min3A_19 = vector.shape_cast %select_n3A : vector<1x8192xi32> to vector<1x1x8192xi32>
    %reduce_min3A_20 = arith.constant dense<2147483647> : vector<1xi32>
    %reduce_min3A_21 = vector.multi_reduction <minsi>, %reduce_min3A_19, %reduce_min3A_20 [1, 2] : vector<1x1x8192xi32> to vector<1xi32>
    %reduce_min3A_22 = vector.shape_cast %reduce_min3A_21 : vector<1xi32> to vector<1x1x1xi32>
    %reduce_min3A_23 = vector.extract %reduce_min3A_22[0, 0, 0] : i32 from vector<1x1x1xi32>
    %eq3A_24 = vector.broadcast %reduce_max3A_16 : i32 to vector<1x8192xi32>
    %eq3A_25 = arith.cmpi eq, %get3A_8, %eq3A_24 : vector<1x8192xi32>
    %jit3A_26 = arith.constant -1 : i32
    %broadcast_in_dim3A_27 = vector.broadcast %jit3A_26 : i32 to vector<1x8192xi32>
    %select_n3A_28 = arith.select %eq3A_25, %iota3A, %broadcast_in_dim3A_27 : vector<1x8192xi1>, vector<1x8192xi32>
    %reduce_max3A_29 = vector.shape_cast %select_n3A_28 : vector<1x8192xi32> to vector<1x1x8192xi32>
    %reduce_max3A_30 = arith.constant dense<-2147483648> : vector<1xi32>
    %reduce_max3A_31 = vector.multi_reduction <maxsi>, %reduce_max3A_29, %reduce_max3A_30 [1, 2] : vector<1x1x8192xi32> to vector<1xi32>
    %reduce_max3A_32 = vector.shape_cast %reduce_max3A_31 : vector<1xi32> to vector<1x1x1xi32>
    %reduce_max3A_33 = vector.extract %reduce_max3A_32[0, 0, 0] : i32 from vector<1x1x1xi32>
    %add3A = arith.constant 1 : i32
    %add3A_34 = arith.addi %reduce_max3A_33, %add3A : i32
    %jit3A_35 = arith.constant 128 : i32
    %div3A = arith.divsi %reduce_min3A_23, %jit3A_35 : i32
    %sign3A = arith.constant 0 : i32
    %sign3A_36 = arith.cmpi sgt, %reduce_min3A_23, %sign3A : i32
    %sign3A_37 = arith.extui %sign3A_36 : i1 to i32
    %sign3A_38 = arith.constant 0 : i32
    %sign3A_39 = arith.cmpi slt, %reduce_min3A_23, %sign3A_38 : i32
    %sign3A_40 = arith.extui %sign3A_39 : i1 to i32
    %sign3A_41 = arith.subi %sign3A_37, %sign3A_40 : i32
    %sign3A_42 = arith.constant 0 : i32
    %sign3A_43 = arith.cmpi sgt, %jit3A_35, %sign3A_42 : i32
    %sign3A_44 = arith.extui %sign3A_43 : i1 to i32
    %sign3A_45 = arith.constant 0 : i32
    %sign3A_46 = arith.cmpi slt, %jit3A_35, %sign3A_45 : i32
    %sign3A_47 = arith.extui %sign3A_46 : i1 to i32
    %sign3A_48 = arith.subi %sign3A_44, %sign3A_47 : i32
    %ne3A = arith.cmpi ne, %sign3A_41, %sign3A_48 : i32
    %rem3A = arith.remsi %reduce_min3A_23, %jit3A_35 : i32
    %ne3A_49 = arith.constant 0 : i32
    %ne3A_50 = arith.cmpi ne, %rem3A, %ne3A_49 : i32
    %and3A = arith.andi %ne3A, %ne3A_50 : i1
    %sub3A = arith.constant 1 : i32
    %sub3A_51 = arith.subi %div3A, %sub3A : i32
    %select_n3A_52 = arith.select %and3A, %sub3A_51, %div3A : i32
    %mul3A_53 = arith.constant 128 : i32
    %mul3A_54 = arith.muli %select_n3A_52, %mul3A_53 : i32
    %min3A = arith.constant 6912 : i32
    %min3A_55 = arith.minsi %mul3A_54, %min3A : i32
    %multiple_of3A = tpu.assume_multiple %min3A_55, 128 : i32
    %sub3A_56 = arith.subi %add3A_34, %multiple_of3A : i32
    %le3A = arith.constant 1280 : i32
    %le3A_57 = arith.cmpi sle, %sub3A_56, %le3A : i32
    %jit3A_58 = arith.constant 128 : i32
    %div3A_59 = arith.divsi %reduce_min3A_23, %jit3A_58 : i32
    %sign3A_60 = arith.constant 0 : i32
    %sign3A_61 = arith.cmpi sgt, %reduce_min3A_23, %sign3A_60 : i32
    %sign3A_62 = arith.extui %sign3A_61 : i1 to i32
    %sign3A_63 = arith.constant 0 : i32
    %sign3A_64 = arith.cmpi slt, %reduce_min3A_23, %sign3A_63 : i32
    %sign3A_65 = arith.extui %sign3A_64 : i1 to i32
    %sign3A_66 = arith.subi %sign3A_62, %sign3A_65 : i32
    %sign3A_67 = arith.constant 0 : i32
    %sign3A_68 = arith.cmpi sgt, %jit3A_58, %sign3A_67 : i32
    %sign3A_69 = arith.extui %sign3A_68 : i1 to i32
    %sign3A_70 = arith.constant 0 : i32
    %sign3A_71 = arith.cmpi slt, %jit3A_58, %sign3A_70 : i32
    %sign3A_72 = arith.extui %sign3A_71 : i1 to i32
    %sign3A_73 = arith.subi %sign3A_69, %sign3A_72 : i32
    %ne3A_74 = arith.cmpi ne, %sign3A_66, %sign3A_73 : i32
    %rem3A_75 = arith.remsi %reduce_min3A_23, %jit3A_58 : i32
    %ne3A_76 = arith.constant 0 : i32
    %ne3A_77 = arith.cmpi ne, %rem3A_75, %ne3A_76 : i32
    %and3A_78 = arith.andi %ne3A_74, %ne3A_77 : i1
    %sub3A_79 = arith.constant 1 : i32
    %sub3A_80 = arith.subi %div3A_59, %sub3A_79 : i32
    %select_n3A_81 = arith.select %and3A_78, %sub3A_80, %div3A_59 : i32
    %mul3A_82 = arith.constant 128 : i32
    %mul3A_83 = arith.muli %select_n3A_81, %mul3A_82 : i32
    %min3A_84 = arith.constant 5632 : i32
    %min3A_85 = arith.minsi %mul3A_83, %min3A_84 : i32
    %multiple_of3A_86 = tpu.assume_multiple %min3A_85, 128 : i32
    %sub3A_87 = arith.subi %add3A_34, %multiple_of3A_86 : i32
    %le3A_88 = arith.constant 2560 : i32
    %le3A_89 = arith.cmpi sle, %sub3A_87, %le3A_88 : i32
    %convert_element_type3A = arith.extui %le3A_57 : i1 to i32
    %cond3A = arith.constant 0 : i32
    %cond3A_90 = arith.cmpi ne, %convert_element_type3A, %cond3A : i32
    scf.if %cond3A_90 {
      %get3A_101 = arith.index_cast %multiple_of3A : i32 to index
      %get3A_102 = arith.constant 0 : index
      %get3A_103 = vector.load %arg2[%get3A_101, %get3A_102] : memref<8192x64xf32, #tpu.memory_space<vmem>>, vector<1280x64xf32>
      %convert_element_type3A_104 = arith.truncf %get3A_1 : vector<256x64xf32> to vector<256x64xbf16>
      %convert_element_type3A_105 = arith.truncf %get3A_103 : vector<1280x64xf32> to vector<1280x64xbf16>
      %dot_general3A = arith.constant dense<0.000000e+00> : vector<256x1280xf32>
      %dot_general3A_106 = tpu.matmul %convert_element_type3A_104, %convert_element_type3A_105, %dot_general3A {dimension_numbers = #tpu.dot_dimension_numbers<[1], [1], [0], [0], [0, 0, 1, 0], [], []>, transpose_lhs_hint = false} : vector<256x64xbf16>, vector<1280x64xbf16>, vector<256x1280xf32> -> vector<256x1280xf32>
      %get3A_107 = arith.constant 0 : index
      %get3A_108 = arith.index_cast %multiple_of3A : i32 to index
      %get3A_109 = vector.load %arg3[%get3A_107, %get3A_108] : memref<1x8192xf32, #tpu.memory_space<vmem>>, vector<1x1280xf32>
      %add3A_110 = vector.broadcast %broadcast_in_dim3A : vector<256x1xf32> to vector<256x1280xf32>
      %add3A_111 = vector.broadcast %get3A_109 : vector<1x1280xf32> to vector<256x1280xf32>
      %add3A_112 = arith.addf %add3A_110, %add3A_111 : vector<256x1280xf32>
      %mul3A_113 = arith.constant 2.000000e+00 : f32
      %mul3A_114 = vector.broadcast %mul3A_113 : f32 to vector<256x1280xf32>
      %mul3A_115 = arith.mulf %mul3A_114, %dot_general3A_106 : vector<256x1280xf32>
      %sub3A_116 = arith.subf %add3A_112, %mul3A_115 : vector<256x1280xf32>
      %get3A_117 = arith.constant 0 : index
      %get3A_118 = arith.index_cast %multiple_of3A : i32 to index
      %get3A_119 = vector.load %arg5[%get3A_117, %get3A_118] : memref<1x8192xi32, #tpu.memory_space<vmem>>, vector<1x1280xi32>
      %ne3A_120 = vector.broadcast %get3A_5 : vector<256x1xi32> to vector<256x1280xi32>
      %ne3A_121 = vector.broadcast %get3A_119 : vector<1x1280xi32> to vector<256x1280xi32>
      %ne3A_122 = arith.cmpi ne, %ne3A_120, %ne3A_121 : vector<256x1280xi32>
      %jit3A_123 = arith.constant 0x7F800000 : f32
      %broadcast_in_dim3A_124 = vector.broadcast %jit3A_123 : f32 to vector<256x1280xf32>
      %select_n3A_125 = arith.select %ne3A_122, %broadcast_in_dim3A_124, %sub3A_116 : vector<256x1280xi1>, vector<256x1280xf32>
      %swap3A = arith.constant 0 : index
      %swap3A_126 = arith.constant 0 : index
      %swap3A_127 = vector.load %arg7[%swap3A, %swap3A_126] : memref<256x8192xf32, #tpu.memory_space<vmem>>, vector<256x1280xf32>
      tpu.vector_store %arg7[%swap3A, %swap3A_126], %select_n3A_125 {strides = array<i32>} : memref<256x8192xf32, #tpu.memory_space<vmem>>, vector<256x1280xf32>,
      %iota3A_128 = tpu.iota {dimensions = array<i32: 1>} : vector<256x1280xi32>
      %iota3A_129 = tpu.iota {dimensions = array<i32: 1>} : vector<256x16xi32>
      %broadcast_in_dim3A_130 = arith.constant 0 : i32
      %broadcast_in_dim3A_131 = vector.broadcast %broadcast_in_dim3A_130 : i32 to vector<256x16xi32>
      %scan3A = arith.constant 0 : i32
      %scan3A_132 = arith.constant 16 : i32
      %scan3A_133 = arith.addi %scan3A, %scan3A_132 : i32
      %scan3A_134 = arith.constant 1 : i32
      %scan3A_135 = scf.for %scan3A_142 = %scan3A to %scan3A_133 step %scan3A_134 iter_args(%scan3A_143 = %broadcast_in_dim3A_131) -> (vector<256x16xi32>)  : i32 {
        %get3A_144 = arith.constant 0 : index
        %get3A_145 = arith.constant 0 : index
        %get3A_146 = vector.load %arg7[%get3A_144, %get3A_145] : memref<256x8192xf32, #tpu.memory_space<vmem>>, vector<256x1280xf32>
        %reduce_min3A_147 = arith.constant dense<0x7F800000> : vector<256xf32>
        %reduce_min3A_148 = vector.multi_reduction <minimumf>, %get3A_146, %reduce_min3A_147 [1] : vector<256x1280xf32> to vector<256xf32>
        %broadcast_in_dim3A_149 = vector.shape_cast %reduce_min3A_148 : vector<256xf32> to vector<256x1xf32>
        %le3A_150 = vector.broadcast %broadcast_in_dim3A_149 : vector<256x1xf32> to vector<256x1280xf32>
        %le3A_151 = arith.cmpf ole, %get3A_146, %le3A_150 : vector<256x1280xf32>
        %jit3A_152 = arith.constant 1280 : i32
        %broadcast_in_dim3A_153 = vector.broadcast %jit3A_152 : i32 to vector<256x1280xi32>
        %select_n3A_154 = arith.select %le3A_151, %iota3A_128, %broadcast_in_dim3A_153 : vector<256x1280xi1>, vector<256x1280xi32>
        %reduce_min3A_155 = arith.constant dense<2147483647> : vector<256xi32>
        %reduce_min3A_156 = vector.multi_reduction <minsi>, %select_n3A_154, %reduce_min3A_155 [1] : vector<256x1280xi32> to vector<256xi32>
        %broadcast_in_dim3A_157 = vector.shape_cast %reduce_min3A_156 : vector<256xi32> to vector<256x1xi32>
        %eq3A_158 = vector.broadcast %broadcast_in_dim3A_157 : vector<256x1xi32> to vector<256x1280xi32>
        %eq3A_159 = arith.cmpi eq, %iota3A_128, %eq3A_158 : vector<256x1280xi32>
        %jit3A_160 = arith.constant 0x7F800000 : f32
        %broadcast_in_dim3A_161 = vector.broadcast %jit3A_160 : f32 to vector<256x1280xf32>
        %select_n3A_162 = arith.select %eq3A_159, %broadcast_in_dim3A_161, %get3A_146 : vector<256x1280xi1>, vector<256x1280xf32>
        %swap3A_163 = arith.constant 0 : index
        %swap3A_164 = arith.constant 0 : index
        %swap3A_165 = vector.load %arg7[%swap3A_163, %swap3A_164] : memref<256x8192xf32, #tpu.memory_space<vmem>>, vector<256x1280xf32>
        tpu.vector_store %arg7[%swap3A_163, %swap3A_164], %select_n3A_162 {strides = array<i32>} : memref<256x8192xf32, #tpu.memory_space<vmem>>, vector<256x1280xf32>,
        %eq3A_166 = vector.broadcast %scan3A_142 : i32 to vector<256x16xi32>
        %eq3A_167 = arith.cmpi eq, %iota3A_129, %eq3A_166 : vector<256x16xi32>
        %broadcast_in_dim3A_168 = vector.shape_cast %broadcast_in_dim3A_157 : vector<256x1xi32> to vector<256x1xi32>
        %broadcast_in_dim3A_169 = vector.broadcast %broadcast_in_dim3A_168 : vector<256x1xi32> to vector<256x16xi32>
        %select_n3A_170 = arith.select %eq3A_167, %broadcast_in_dim3A_169, %scan3A_143 : vector<256x16xi1>, vector<256x16xi32>
        scf.yield %select_n3A_170 : vector<256x16xi32>
      }
      %scan3A_136 = arith.constant 16 : i32
      %add3A_137 = vector.broadcast %multiple_of3A : i32 to vector<256x16xi32>
      %add3A_138 = arith.addi %scan3A_135, %add3A_137 : vector<256x16xi32>
      %swap3A_139 = arith.constant 0 : index
      %swap3A_140 = arith.constant 0 : index
      %swap3A_141 = vector.load %arg6[%swap3A_139, %swap3A_140] : memref<256x16xi32, #tpu.memory_space<vmem>>, vector<256x16xi32>
      tpu.vector_store %arg6[%swap3A_139, %swap3A_140], %add3A_138 {strides = array<i32>} : memref<256x16xi32, #tpu.memory_space<vmem>>, vector<256x16xi32>,
    } else {
    }
    %not3A = arith.constant true
    %not3A_91 = arith.xori %le3A_57, %not3A : i1
    %and3A_92 = arith.andi %not3A_91, %le3A_89 : i1
    %convert_element_type3A_93 = arith.extui %and3A_92 : i1 to i32
    %cond3A_94 = arith.constant 0 : i32
    %cond3A_95 = arith.cmpi ne, %convert_element_type3A_93, %cond3A_94 : i32
    scf.if %cond3A_95 {
      %get3A_101 = arith.index_cast %multiple_of3A_86 : i32 to index
      %get3A_102 = arith.constant 0 : index
      %get3A_103 = vector.load %arg2[%get3A_101, %get3A_102] : memref<8192x64xf32, #tpu.memory_space<vmem>>, vector<2560x64xf32>
      %convert_element_type3A_104 = arith.truncf %get3A_1 : vector<256x64xf32> to vector<256x64xbf16>
      %convert_element_type3A_105 = arith.truncf %get3A_103 : vector<2560x64xf32> to vector<2560x64xbf16>
      %dot_general3A = arith.constant dense<0.000000e+00> : vector<256x2560xf32>
      %dot_general3A_106 = tpu.matmul %convert_element_type3A_104, %convert_element_type3A_105, %dot_general3A {dimension_numbers = #tpu.dot_dimension_numbers<[1], [1], [0], [0], [0, 0, 1, 0], [], []>, transpose_lhs_hint = false} : vector<256x64xbf16>, vector<2560x64xbf16>, vector<256x2560xf32> -> vector<256x2560xf32>
      %get3A_107 = arith.constant 0 : index
      %get3A_108 = arith.index_cast %multiple_of3A_86 : i32 to index
      %get3A_109 = vector.load %arg3[%get3A_107, %get3A_108] : memref<1x8192xf32, #tpu.memory_space<vmem>>, vector<1x2560xf32>
      %add3A_110 = vector.broadcast %broadcast_in_dim3A : vector<256x1xf32> to vector<256x2560xf32>
      %add3A_111 = vector.broadcast %get3A_109 : vector<1x2560xf32> to vector<256x2560xf32>
      %add3A_112 = arith.addf %add3A_110, %add3A_111 : vector<256x2560xf32>
      %mul3A_113 = arith.constant 2.000000e+00 : f32
      %mul3A_114 = vector.broadcast %mul3A_113 : f32 to vector<256x2560xf32>
      %mul3A_115 = arith.mulf %mul3A_114, %dot_general3A_106 : vector<256x2560xf32>
      %sub3A_116 = arith.subf %add3A_112, %mul3A_115 : vector<256x2560xf32>
      %get3A_117 = arith.constant 0 : index
      %get3A_118 = arith.index_cast %multiple_of3A_86 : i32 to index
      %get3A_119 = vector.load %arg5[%get3A_117, %get3A_118] : memref<1x8192xi32, #tpu.memory_space<vmem>>, vector<1x2560xi32>
      %ne3A_120 = vector.broadcast %get3A_5 : vector<256x1xi32> to vector<256x2560xi32>
      %ne3A_121 = vector.broadcast %get3A_119 : vector<1x2560xi32> to vector<256x2560xi32>
      %ne3A_122 = arith.cmpi ne, %ne3A_120, %ne3A_121 : vector<256x2560xi32>
      %jit3A_123 = arith.constant 0x7F800000 : f32
      %broadcast_in_dim3A_124 = vector.broadcast %jit3A_123 : f32 to vector<256x2560xf32>
      %select_n3A_125 = arith.select %ne3A_122, %broadcast_in_dim3A_124, %sub3A_116 : vector<256x2560xi1>, vector<256x2560xf32>
      %swap3A = arith.constant 0 : index
      %swap3A_126 = arith.constant 0 : index
      %swap3A_127 = vector.load %arg7[%swap3A, %swap3A_126] : memref<256x8192xf32, #tpu.memory_space<vmem>>, vector<256x2560xf32>
      tpu.vector_store %arg7[%swap3A, %swap3A_126], %select_n3A_125 {strides = array<i32>} : memref<256x8192xf32, #tpu.memory_space<vmem>>, vector<256x2560xf32>,
      %iota3A_128 = tpu.iota {dimensions = array<i32: 1>} : vector<256x2560xi32>
      %iota3A_129 = tpu.iota {dimensions = array<i32: 1>} : vector<256x16xi32>
      %broadcast_in_dim3A_130 = arith.constant 0 : i32
      %broadcast_in_dim3A_131 = vector.broadcast %broadcast_in_dim3A_130 : i32 to vector<256x16xi32>
      %scan3A = arith.constant 0 : i32
      %scan3A_132 = arith.constant 16 : i32
      %scan3A_133 = arith.addi %scan3A, %scan3A_132 : i32
      %scan3A_134 = arith.constant 1 : i32
      %scan3A_135 = scf.for %scan3A_142 = %scan3A to %scan3A_133 step %scan3A_134 iter_args(%scan3A_143 = %broadcast_in_dim3A_131) -> (vector<256x16xi32>)  : i32 {
        %get3A_144 = arith.constant 0 : index
        %get3A_145 = arith.constant 0 : index
        %get3A_146 = vector.load %arg7[%get3A_144, %get3A_145] : memref<256x8192xf32, #tpu.memory_space<vmem>>, vector<256x2560xf32>
        %reduce_min3A_147 = arith.constant dense<0x7F800000> : vector<256xf32>
        %reduce_min3A_148 = vector.multi_reduction <minimumf>, %get3A_146, %reduce_min3A_147 [1] : vector<256x2560xf32> to vector<256xf32>
        %broadcast_in_dim3A_149 = vector.shape_cast %reduce_min3A_148 : vector<256xf32> to vector<256x1xf32>
        %le3A_150 = vector.broadcast %broadcast_in_dim3A_149 : vector<256x1xf32> to vector<256x2560xf32>
        %le3A_151 = arith.cmpf ole, %get3A_146, %le3A_150 : vector<256x2560xf32>
        %jit3A_152 = arith.constant 2560 : i32
        %broadcast_in_dim3A_153 = vector.broadcast %jit3A_152 : i32 to vector<256x2560xi32>
        %select_n3A_154 = arith.select %le3A_151, %iota3A_128, %broadcast_in_dim3A_153 : vector<256x2560xi1>, vector<256x2560xi32>
        %reduce_min3A_155 = arith.constant dense<2147483647> : vector<256xi32>
        %reduce_min3A_156 = vector.multi_reduction <minsi>, %select_n3A_154, %reduce_min3A_155 [1] : vector<256x2560xi32> to vector<256xi32>
        %broadcast_in_dim3A_157 = vector.shape_cast %reduce_min3A_156 : vector<256xi32> to vector<256x1xi32>
        %eq3A_158 = vector.broadcast %broadcast_in_dim3A_157 : vector<256x1xi32> to vector<256x2560xi32>
        %eq3A_159 = arith.cmpi eq, %iota3A_128, %eq3A_158 : vector<256x2560xi32>
        %jit3A_160 = arith.constant 0x7F800000 : f32
        %broadcast_in_dim3A_161 = vector.broadcast %jit3A_160 : f32 to vector<256x2560xf32>
        %select_n3A_162 = arith.select %eq3A_159, %broadcast_in_dim3A_161, %get3A_146 : vector<256x2560xi1>, vector<256x2560xf32>
        %swap3A_163 = arith.constant 0 : index
        %swap3A_164 = arith.constant 0 : index
        %swap3A_165 = vector.load %arg7[%swap3A_163, %swap3A_164] : memref<256x8192xf32, #tpu.memory_space<vmem>>, vector<256x2560xf32>
        tpu.vector_store %arg7[%swap3A_163, %swap3A_164], %select_n3A_162 {strides = array<i32>} : memref<256x8192xf32, #tpu.memory_space<vmem>>, vector<256x2560xf32>,
        %eq3A_166 = vector.broadcast %scan3A_142 : i32 to vector<256x16xi32>
        %eq3A_167 = arith.cmpi eq, %iota3A_129, %eq3A_166 : vector<256x16xi32>
        %broadcast_in_dim3A_168 = vector.shape_cast %broadcast_in_dim3A_157 : vector<256x1xi32> to vector<256x1xi32>
        %broadcast_in_dim3A_169 = vector.broadcast %broadcast_in_dim3A_168 : vector<256x1xi32> to vector<256x16xi32>
        %select_n3A_170 = arith.select %eq3A_167, %broadcast_in_dim3A_169, %scan3A_143 : vector<256x16xi1>, vector<256x16xi32>
        scf.yield %select_n3A_170 : vector<256x16xi32>
      }
      %scan3A_136 = arith.constant 16 : i32
      %add3A_137 = vector.broadcast %multiple_of3A_86 : i32 to vector<256x16xi32>
      %add3A_138 = arith.addi %scan3A_135, %add3A_137 : vector<256x16xi32>
      %swap3A_139 = arith.constant 0 : index
      %swap3A_140 = arith.constant 0 : index
      %swap3A_141 = vector.load %arg6[%swap3A_139, %swap3A_140] : memref<256x16xi32, #tpu.memory_space<vmem>>, vector<256x16xi32>
      tpu.vector_store %arg6[%swap3A_139, %swap3A_140], %add3A_138 {strides = array<i32>} : memref<256x16xi32, #tpu.memory_space<vmem>>, vector<256x16xi32>,
    } else {
    }
    %not3A_96 = arith.constant true
    %not3A_97 = arith.xori %le3A_89, %not3A_96 : i1
    %convert_element_type3A_98 = arith.extui %not3A_97 : i1 to i32
    %cond3A_99 = arith.constant 0 : i32
    %cond3A_100 = arith.cmpi ne, %convert_element_type3A_98, %cond3A_99 : i32
    scf.if %cond3A_100 {
      %get3A_101 = arith.constant 0 : index
      %get3A_102 = arith.constant 0 : index
      %get3A_103 = vector.load %arg2[%get3A_101, %get3A_102] : memref<8192x64xf32, #tpu.memory_space<vmem>>, vector<8192x64xf32>
      %convert_element_type3A_104 = arith.truncf %get3A_1 : vector<256x64xf32> to vector<256x64xbf16>
      %convert_element_type3A_105 = arith.truncf %get3A_103 : vector<8192x64xf32> to vector<8192x64xbf16>
      %dot_general3A = arith.constant dense<0.000000e+00> : vector<256x8192xf32>
      %dot_general3A_106 = tpu.matmul %convert_element_type3A_104, %convert_element_type3A_105, %dot_general3A {dimension_numbers = #tpu.dot_dimension_numbers<[1], [1], [0], [0], [0, 0, 1, 0], [], []>, transpose_lhs_hint = false} : vector<256x64xbf16>, vector<8192x64xbf16>, vector<256x8192xf32> -> vector<256x8192xf32>
      %get3A_107 = arith.constant 0 : index
      %get3A_108 = arith.constant 0 : index
      %get3A_109 = vector.load %arg3[%get3A_107, %get3A_108] : memref<1x8192xf32, #tpu.memory_space<vmem>>, vector<1x8192xf32>
      %add3A_110 = vector.broadcast %broadcast_in_dim3A : vector<256x1xf32> to vector<256x8192xf32>
      %add3A_111 = vector.broadcast %get3A_109 : vector<1x8192xf32> to vector<256x8192xf32>
      %add3A_112 = arith.addf %add3A_110, %add3A_111 : vector<256x8192xf32>
      %mul3A_113 = arith.constant 2.000000e+00 : f32
      %mul3A_114 = vector.broadcast %mul3A_113 : f32 to vector<256x8192xf32>
      %mul3A_115 = arith.mulf %mul3A_114, %dot_general3A_106 : vector<256x8192xf32>
      %sub3A_116 = arith.subf %add3A_112, %mul3A_115 : vector<256x8192xf32>
      %ne3A_117 = vector.broadcast %get3A_5 : vector<256x1xi32> to vector<256x8192xi32>
      %ne3A_118 = vector.broadcast %get3A_8 : vector<1x8192xi32> to vector<256x8192xi32>
      %ne3A_119 = arith.cmpi ne, %ne3A_117, %ne3A_118 : vector<256x8192xi32>
      %jit3A_120 = arith.constant 0x7F800000 : f32
      %broadcast_in_dim3A_121 = vector.broadcast %jit3A_120 : f32 to vector<256x8192xf32>
      %select_n3A_122 = arith.select %ne3A_119, %broadcast_in_dim3A_121, %sub3A_116 : vector<256x8192xi1>, vector<256x8192xf32>
      %swap3A = arith.constant 0 : index
      %swap3A_123 = arith.constant 0 : index
      %swap3A_124 = vector.load %arg7[%swap3A, %swap3A_123] : memref<256x8192xf32, #tpu.memory_space<vmem>>, vector<256x8192xf32>
      tpu.vector_store %arg7[%swap3A, %swap3A_123], %select_n3A_122 {strides = array<i32>} : memref<256x8192xf32, #tpu.memory_space<vmem>>, vector<256x8192xf32>,
      %iota3A_125 = tpu.iota {dimensions = array<i32: 1>} : vector<256x8192xi32>
      %iota3A_126 = tpu.iota {dimensions = array<i32: 1>} : vector<256x16xi32>
      %broadcast_in_dim3A_127 = arith.constant 0 : i32
      %broadcast_in_dim3A_128 = vector.broadcast %broadcast_in_dim3A_127 : i32 to vector<256x16xi32>
      %scan3A = arith.constant 0 : i32
      %scan3A_129 = arith.constant 16 : i32
      %scan3A_130 = arith.addi %scan3A, %scan3A_129 : i32
      %scan3A_131 = arith.constant 1 : i32
      %scan3A_132 = scf.for %scan3A_140 = %scan3A to %scan3A_130 step %scan3A_131 iter_args(%scan3A_141 = %broadcast_in_dim3A_128) -> (vector<256x16xi32>)  : i32 {
        %get3A_142 = arith.constant 0 : index
        %get3A_143 = arith.constant 0 : index
        %get3A_144 = vector.load %arg7[%get3A_142, %get3A_143] : memref<256x8192xf32, #tpu.memory_space<vmem>>, vector<256x8192xf32>
        %reduce_min3A_145 = arith.constant dense<0x7F800000> : vector<256xf32>
        %reduce_min3A_146 = vector.multi_reduction <minimumf>, %get3A_144, %reduce_min3A_145 [1] : vector<256x8192xf32> to vector<256xf32>
        %broadcast_in_dim3A_147 = vector.shape_cast %reduce_min3A_146 : vector<256xf32> to vector<256x1xf32>
        %le3A_148 = vector.broadcast %broadcast_in_dim3A_147 : vector<256x1xf32> to vector<256x8192xf32>
        %le3A_149 = arith.cmpf ole, %get3A_144, %le3A_148 : vector<256x8192xf32>
        %jit3A_150 = arith.constant 8192 : i32
        %broadcast_in_dim3A_151 = vector.broadcast %jit3A_150 : i32 to vector<256x8192xi32>
        %select_n3A_152 = arith.select %le3A_149, %iota3A_125, %broadcast_in_dim3A_151 : vector<256x8192xi1>, vector<256x8192xi32>
        %reduce_min3A_153 = arith.constant dense<2147483647> : vector<256xi32>
        %reduce_min3A_154 = vector.multi_reduction <minsi>, %select_n3A_152, %reduce_min3A_153 [1] : vector<256x8192xi32> to vector<256xi32>
        %broadcast_in_dim3A_155 = vector.shape_cast %reduce_min3A_154 : vector<256xi32> to vector<256x1xi32>
        %eq3A_156 = vector.broadcast %broadcast_in_dim3A_155 : vector<256x1xi32> to vector<256x8192xi32>
        %eq3A_157 = arith.cmpi eq, %iota3A_125, %eq3A_156 : vector<256x8192xi32>
        %jit3A_158 = arith.constant 0x7F800000 : f32
        %broadcast_in_dim3A_159 = vector.broadcast %jit3A_158 : f32 to vector<256x8192xf32>
        %select_n3A_160 = arith.select %eq3A_157, %broadcast_in_dim3A_159, %get3A_144 : vector<256x8192xi1>, vector<256x8192xf32>
        %swap3A_161 = arith.constant 0 : index
        %swap3A_162 = arith.constant 0 : index
        %swap3A_163 = vector.load %arg7[%swap3A_161, %swap3A_162] : memref<256x8192xf32, #tpu.memory_space<vmem>>, vector<256x8192xf32>
        tpu.vector_store %arg7[%swap3A_161, %swap3A_162], %select_n3A_160 {strides = array<i32>} : memref<256x8192xf32, #tpu.memory_space<vmem>>, vector<256x8192xf32>,
        %eq3A_164 = vector.broadcast %scan3A_140 : i32 to vector<256x16xi32>
        %eq3A_165 = arith.cmpi eq, %iota3A_126, %eq3A_164 : vector<256x16xi32>
        %broadcast_in_dim3A_166 = vector.shape_cast %broadcast_in_dim3A_155 : vector<256x1xi32> to vector<256x1xi32>
        %broadcast_in_dim3A_167 = vector.broadcast %broadcast_in_dim3A_166 : vector<256x1xi32> to vector<256x16xi32>
        %select_n3A_168 = arith.select %eq3A_165, %broadcast_in_dim3A_167, %scan3A_141 : vector<256x16xi1>, vector<256x16xi32>
        scf.yield %select_n3A_168 : vector<256x16xi32>
      }
      %scan3A_133 = arith.constant 16 : i32
      %add3A_134 = arith.constant 0 : i32
      %add3A_135 = vector.broadcast %add3A_134 : i32 to vector<256x16xi32>
      %add3A_136 = arith.addi %scan3A_132, %add3A_135 : vector<256x16xi32>
      %swap3A_137 = arith.constant 0 : index
      %swap3A_138 = arith.constant 0 : index
      %swap3A_139 = vector.load %arg6[%swap3A_137, %swap3A_138] : memref<256x16xi32, #tpu.memory_space<vmem>>, vector<256x16xi32>
      tpu.vector_store %arg6[%swap3A_137, %swap3A_138], %add3A_136 {strides = array<i32>} : memref<256x16xi32, #tpu.memory_space<vmem>>, vector<256x16xi32>,
    } else {
    }
    return
  }
  func.func @transform_0(%arg0: i32) -> (i32, i32) {
    %c0_i32 = arith.constant 0 : i32
    %c0_i32_0 = arith.constant 0 : i32
    return %arg0, %c0_i32 : i32, i32
  }
  func.func @transform_1(%arg0: i32) -> (i32, i32) {
    %c0_i32 = arith.constant 0 : i32
    %c0_i32_0 = arith.constant 0 : i32
    %c0_i32_1 = arith.constant 0 : i32
    return %c0_i32, %c0_i32_0 : i32, i32
  }
  func.func @transform_2(%arg0: i32) -> (i32, i32) {
    %c0_i32 = arith.constant 0 : i32
    %c0_i32_0 = arith.constant 0 : i32
    %c0_i32_1 = arith.constant 0 : i32
    return %c0_i32, %c0_i32_0 : i32, i32
  }
  func.func @transform_3(%arg0: i32) -> (i32, i32) {
    %c0_i32 = arith.constant 0 : i32
    %c0_i32_0 = arith.constant 0 : i32
    return %arg0, %c0_i32 : i32, i32
  }
  func.func @transform_4(%arg0: i32) -> (i32, i32) {
    %c0_i32 = arith.constant 0 : i32
    %c0_i32_0 = arith.constant 0 : i32
    %c0_i32_1 = arith.constant 0 : i32
    return %c0_i32, %c0_i32_0 : i32, i32
  }
  func.func @transform_5(%arg0: i32) -> (i32, i32) {
    %c0_i32 = arith.constant 0 : i32
    %c0_i32_0 = arith.constant 0 : i32
    return %arg0, %c0_i32 : i32, i32
  }
}

module attributes {stable_mosaic.version = 14 : i64} {
  func.func @_edge_seg_body(%arg0: i32, %arg1: memref<256x64xf32, #tpu.memory_space<vmem>>, %arg2: memref<4096x64xf32, #tpu.memory_space<vmem>>, %arg3: memref<128x128xf32, #tpu.memory_space<vmem>>, %arg4: memref<1x128xf32, #tpu.memory_space<vmem>>, %arg5: memref<128x256xf32, #tpu.memory_space<vmem>>, %arg6: memref<1x256xf32, #tpu.memory_space<vmem>>, %arg7: memref<256x1xi32, #tpu.memory_space<vmem>>, %arg8: memref<256x256xf32, #tpu.memory_space<vmem>>, %arg9: memref<8x256xf32, #tpu.memory_space<vmem>>) attributes {dimension_semantics = [#tpu.dimension_semantics<arbitrary>], iteration_bounds = array<i64: 32>, scalar_prefetch = 0 : i64, scratch_operands = 0 : i64, tpu.core_type = #tpu.core_type<tc>, window_params = [{transform_indices = @transform_0, window_bounds = array<i64: 256, 64>}, {transform_indices = @transform_1, window_bounds = array<i64: 4096, 64>}, {pipeline_mode = #tpu.pipeline_mode<synchronous>, transform_indices = @transform_2, window_bounds = array<i64: 128, 128>}, {pipeline_mode = #tpu.pipeline_mode<synchronous>, transform_indices = @transform_3, window_bounds = array<i64: 1, 128>}, {pipeline_mode = #tpu.pipeline_mode<synchronous>, transform_indices = @transform_4, window_bounds = array<i64: 128, 256>}, {pipeline_mode = #tpu.pipeline_mode<synchronous>, transform_indices = @transform_5, window_bounds = array<i64: 1, 256>}, {transform_indices = @transform_6, window_bounds = array<i64: 256, 1>}, {transform_indices = @transform_7, window_bounds = array<i64: 256, 256>}, {pipeline_mode = #tpu.pipeline_mode<synchronous>, transform_indices = @transform_8, window_bounds = array<i64: 8, 256>}]} {
    %get3A = arith.constant 0 : index
    %get3A_0 = arith.constant 0 : index
    %get3A_1 = vector.load %arg1[%get3A, %get3A_0] : memref<256x64xf32, #tpu.memory_space<vmem>>, vector<256x64xf32>
    %get3A_2 = arith.constant 0 : index
    %get3A_3 = arith.constant 0 : index
    %get3A_4 = vector.load %arg2[%get3A_2, %get3A_3] : memref<4096x64xf32, #tpu.memory_space<vmem>>, vector<4096x64xf32>
    %reshape3A = vector.shape_cast %get3A_4 : vector<4096x64xf32> to vector<256x16x64xf32>
    %broadcast_in_dim3A = vector.shape_cast %get3A_1 : vector<256x64xf32> to vector<256x1x64xf32>
    %broadcast_in_dim3A_5 = vector.shape_cast %broadcast_in_dim3A : vector<256x1x64xf32> to vector<256x1x64xf32>
    %broadcast_in_dim3A_6 = vector.broadcast %broadcast_in_dim3A_5 : vector<256x1x64xf32> to vector<256x16x64xf32>
    %sub3A = arith.subf %reshape3A, %broadcast_in_dim3A_6 : vector<256x16x64xf32>
    %concatenate3A = tpu.concatenate %broadcast_in_dim3A_6, %sub3A in 2 : vector<256x16x64xf32>, vector<256x16x64xf32> -> vector<256x16x128xf32>
    %reshape3A_7 = vector.shape_cast %concatenate3A : vector<256x16x128xf32> to vector<4096x128xf32>
    %get3A_8 = arith.constant 0 : index
    %get3A_9 = arith.constant 0 : index
    %get3A_10 = vector.load %arg3[%get3A_8, %get3A_9] : memref<128x128xf32, #tpu.memory_space<vmem>>, vector<128x128xf32>
    %convert_element_type3A = arith.truncf %reshape3A_7 : vector<4096x128xf32> to vector<4096x128xbf16>
    %convert_element_type3A_11 = arith.truncf %get3A_10 : vector<128x128xf32> to vector<128x128xbf16>
    %dot_general3A = arith.constant dense<0.000000e+00> : vector<4096x128xf32>
    %dot_general3A_12 = tpu.matmul %convert_element_type3A, %convert_element_type3A_11, %dot_general3A {dimension_numbers = #tpu.dot_dimension_numbers<[1], [0], [0], [1], [0, 0, 1, 1], [], []>, transpose_lhs_hint = false} : vector<4096x128xbf16>, vector<128x128xbf16>, vector<4096x128xf32> -> vector<4096x128xf32>
    %get3A_13 = arith.constant 0 : index
    %get3A_14 = arith.constant 0 : index
    %get3A_15 = vector.load %arg4[%get3A_13, %get3A_14] : memref<1x128xf32, #tpu.memory_space<vmem>>, vector<1x128xf32>
    %add3A = vector.broadcast %get3A_15 : vector<1x128xf32> to vector<4096x128xf32>
    %add3A_16 = arith.addf %dot_general3A_12, %add3A : vector<4096x128xf32>
    %max3A = arith.constant 0.000000e+00 : f32
    %max3A_17 = vector.broadcast %max3A : f32 to vector<4096x128xf32>
    %max3A_18 = arith.maximumf %add3A_16, %max3A_17 : vector<4096x128xf32>
    %get3A_19 = arith.constant 0 : index
    %get3A_20 = arith.constant 0 : index
    %get3A_21 = vector.load %arg5[%get3A_19, %get3A_20] : memref<128x256xf32, #tpu.memory_space<vmem>>, vector<128x256xf32>
    %convert_element_type3A_22 = arith.truncf %max3A_18 : vector<4096x128xf32> to vector<4096x128xbf16>
    %convert_element_type3A_23 = arith.truncf %get3A_21 : vector<128x256xf32> to vector<128x256xbf16>
    %dot_general3A_24 = arith.constant dense<0.000000e+00> : vector<4096x256xf32>
    %dot_general3A_25 = tpu.matmul %convert_element_type3A_22, %convert_element_type3A_23, %dot_general3A_24 {dimension_numbers = #tpu.dot_dimension_numbers<[1], [0], [0], [1], [0, 0, 1, 1], [], []>, transpose_lhs_hint = false} : vector<4096x128xbf16>, vector<128x256xbf16>, vector<4096x256xf32> -> vector<4096x256xf32>
    %get3A_26 = arith.constant 0 : index
    %get3A_27 = arith.constant 0 : index
    %get3A_28 = vector.load %arg6[%get3A_26, %get3A_27] : memref<1x256xf32, #tpu.memory_space<vmem>>, vector<1x256xf32>
    %add3A_29 = vector.broadcast %get3A_28 : vector<1x256xf32> to vector<4096x256xf32>
    %add3A_30 = arith.addf %dot_general3A_25, %add3A_29 : vector<4096x256xf32>
    %max3A_31 = arith.constant 0.000000e+00 : f32
    %max3A_32 = vector.broadcast %max3A_31 : f32 to vector<4096x256xf32>
    %max3A_33 = arith.maximumf %add3A_30, %max3A_32 : vector<4096x256xf32>
    %reshape3A_34 = vector.shape_cast %max3A_33 : vector<4096x256xf32> to vector<256x16x256xf32>
    %reduce_max3A = arith.constant dense<0xFF800000> : vector<256x256xf32>
    %reduce_max3A_35 = vector.multi_reduction <maximumf>, %reshape3A_34, %reduce_max3A [1] : vector<256x16x256xf32> to vector<256x256xf32>
    %max3A_36 = arith.constant 0.000000e+00 : f32
    %max3A_37 = vector.broadcast %max3A_36 : f32 to vector<256x256xf32>
    %max3A_38 = arith.maximumf %reduce_max3A_35, %max3A_37 : vector<256x256xf32>
    %swap3A = arith.constant 0 : index
    %swap3A_39 = arith.constant 0 : index
    %swap3A_40 = vector.load %arg8[%swap3A, %swap3A_39] : memref<256x256xf32, #tpu.memory_space<vmem>>, vector<256x256xf32>
    tpu.vector_store %arg8[%swap3A, %swap3A_39], %max3A_38 {strides = array<i32>} : memref<256x256xf32, #tpu.memory_space<vmem>>, vector<256x256xf32>,
    %eq3A = arith.constant 0 : i32
    %eq3A_41 = arith.cmpi eq, %arg0, %eq3A : i32
    %convert_element_type3A_42 = arith.extui %eq3A_41 : i1 to i32
    %cond3A = arith.constant 0 : i32
    %cond3A_43 = arith.cmpi ne, %convert_element_type3A_42, %cond3A : i32
    scf.if %cond3A_43 {
      %broadcast_in_dim3A_192 = arith.constant 0xFF800000 : f32
      %broadcast_in_dim3A_193 = vector.broadcast %broadcast_in_dim3A_192 : f32 to vector<8x256xf32>
      %swap3A_194 = arith.constant 0 : index
      %swap3A_195 = arith.constant 0 : index
      %swap3A_196 = vector.load %arg9[%swap3A_194, %swap3A_195] : memref<8x256xf32, #tpu.memory_space<vmem>>, vector<8x256xf32>
      tpu.vector_store %arg9[%swap3A_194, %swap3A_195], %broadcast_in_dim3A_193 {strides = array<i32>} : memref<8x256xf32, #tpu.memory_space<vmem>>, vector<8x256xf32>,
    } else {
    }
    %get3A_44 = arith.constant 0 : index
    %get3A_45 = arith.constant 0 : index
    %get3A_46 = vector.load %arg8[%get3A_44, %get3A_45] : memref<256x256xf32, #tpu.memory_space<vmem>>, vector<256x256xf32>
    %get3A_47 = arith.constant 0 : index
    %get3A_48 = arith.constant 0 : index
    %get3A_49 = vector.load %arg7[%get3A_47, %get3A_48] : memref<256x1xi32, #tpu.memory_space<vmem>>, vector<256x1xi32>
    %eq3A_50 = arith.constant 0 : i32
    %eq3A_51 = vector.broadcast %eq3A_50 : i32 to vector<256x1xi32>
    %eq3A_52 = arith.cmpi eq, %get3A_49, %eq3A_51 : vector<256x1xi32>
    %jit3A = arith.constant 0xFF800000 : f32
    %broadcast_in_dim3A_53 = vector.shape_cast %eq3A_52 : vector<256x1xi1> to vector<256x1xi1>
    %broadcast_in_dim3A_54 = vector.broadcast %broadcast_in_dim3A_53 : vector<256x1xi1> to vector<256x256xi1>
    %broadcast_in_dim3A_55 = vector.broadcast %jit3A : f32 to vector<256x256xf32>
    %select_n3A = arith.select %broadcast_in_dim3A_54, %get3A_46, %broadcast_in_dim3A_55 : vector<256x256xi1>, vector<256x256xf32>
    %reduce_max3A_56 = arith.constant dense<0xFF800000> : vector<256xf32>
    %reduce_max3A_57 = vector.multi_reduction <maximumf>, %select_n3A, %reduce_max3A_56 [0] : vector<256x256xf32> to vector<256xf32>
    %broadcast_in_dim3A_58 = vector.shape_cast %reduce_max3A_57 : vector<256xf32> to vector<1x256xf32>
    %get3A_59 = arith.constant 0 : index
    %get3A_60 = arith.constant 0 : index
    %get3A_61 = vector.load %arg9[%get3A_59, %get3A_60] : memref<8x256xf32, #tpu.memory_space<vmem>>, vector<1x256xf32>
    %max3A_62 = arith.maximumf %get3A_61, %broadcast_in_dim3A_58 : vector<1x256xf32>
    %swap3A_63 = arith.constant 0 : index
    %swap3A_64 = arith.constant 0 : index
    %swap3A_65 = vector.load %arg9[%swap3A_63, %swap3A_64] : memref<8x256xf32, #tpu.memory_space<vmem>>, vector<1x256xf32>
    tpu.vector_store %arg9[%swap3A_63, %swap3A_64], %max3A_62 {strides = array<i32>} : memref<8x256xf32, #tpu.memory_space<vmem>>, vector<1x256xf32>,
    %eq3A_66 = arith.constant 1 : i32
    %eq3A_67 = vector.broadcast %eq3A_66 : i32 to vector<256x1xi32>
    %eq3A_68 = arith.cmpi eq, %get3A_49, %eq3A_67 : vector<256x1xi32>
    %jit3A_69 = arith.constant 0xFF800000 : f32
    %broadcast_in_dim3A_70 = vector.shape_cast %eq3A_68 : vector<256x1xi1> to vector<256x1xi1>
    %broadcast_in_dim3A_71 = vector.broadcast %broadcast_in_dim3A_70 : vector<256x1xi1> to vector<256x256xi1>
    %broadcast_in_dim3A_72 = vector.broadcast %jit3A_69 : f32 to vector<256x256xf32>
    %select_n3A_73 = arith.select %broadcast_in_dim3A_71, %get3A_46, %broadcast_in_dim3A_72 : vector<256x256xi1>, vector<256x256xf32>
    %reduce_max3A_74 = arith.constant dense<0xFF800000> : vector<256xf32>
    %reduce_max3A_75 = vector.multi_reduction <maximumf>, %select_n3A_73, %reduce_max3A_74 [0] : vector<256x256xf32> to vector<256xf32>
    %broadcast_in_dim3A_76 = vector.shape_cast %reduce_max3A_75 : vector<256xf32> to vector<1x256xf32>
    %get3A_77 = arith.constant 1 : index
    %get3A_78 = arith.constant 0 : index
    %get3A_79 = vector.load %arg9[%get3A_77, %get3A_78] : memref<8x256xf32, #tpu.memory_space<vmem>>, vector<1x256xf32>
    %max3A_80 = arith.maximumf %get3A_79, %broadcast_in_dim3A_76 : vector<1x256xf32>
    %swap3A_81 = arith.constant 1 : index
    %swap3A_82 = arith.constant 0 : index
    %swap3A_83 = vector.load %arg9[%swap3A_81, %swap3A_82] : memref<8x256xf32, #tpu.memory_space<vmem>>, vector<1x256xf32>
    tpu.vector_store %arg9[%swap3A_81, %swap3A_82], %max3A_80 {strides = array<i32>} : memref<8x256xf32, #tpu.memory_space<vmem>>, vector<1x256xf32>,
    %eq3A_84 = arith.constant 2 : i32
    %eq3A_85 = vector.broadcast %eq3A_84 : i32 to vector<256x1xi32>
    %eq3A_86 = arith.cmpi eq, %get3A_49, %eq3A_85 : vector<256x1xi32>
    %jit3A_87 = arith.constant 0xFF800000 : f32
    %broadcast_in_dim3A_88 = vector.shape_cast %eq3A_86 : vector<256x1xi1> to vector<256x1xi1>
    %broadcast_in_dim3A_89 = vector.broadcast %broadcast_in_dim3A_88 : vector<256x1xi1> to vector<256x256xi1>
    %broadcast_in_dim3A_90 = vector.broadcast %jit3A_87 : f32 to vector<256x256xf32>
    %select_n3A_91 = arith.select %broadcast_in_dim3A_89, %get3A_46, %broadcast_in_dim3A_90 : vector<256x256xi1>, vector<256x256xf32>
    %reduce_max3A_92 = arith.constant dense<0xFF800000> : vector<256xf32>
    %reduce_max3A_93 = vector.multi_reduction <maximumf>, %select_n3A_91, %reduce_max3A_92 [0] : vector<256x256xf32> to vector<256xf32>
    %broadcast_in_dim3A_94 = vector.shape_cast %reduce_max3A_93 : vector<256xf32> to vector<1x256xf32>
    %get3A_95 = arith.constant 2 : index
    %get3A_96 = arith.constant 0 : index
    %get3A_97 = vector.load %arg9[%get3A_95, %get3A_96] : memref<8x256xf32, #tpu.memory_space<vmem>>, vector<1x256xf32>
    %max3A_98 = arith.maximumf %get3A_97, %broadcast_in_dim3A_94 : vector<1x256xf32>
    %swap3A_99 = arith.constant 2 : index
    %swap3A_100 = arith.constant 0 : index
    %swap3A_101 = vector.load %arg9[%swap3A_99, %swap3A_100] : memref<8x256xf32, #tpu.memory_space<vmem>>, vector<1x256xf32>
    tpu.vector_store %arg9[%swap3A_99, %swap3A_100], %max3A_98 {strides = array<i32>} : memref<8x256xf32, #tpu.memory_space<vmem>>, vector<1x256xf32>,
    %eq3A_102 = arith.constant 3 : i32
    %eq3A_103 = vector.broadcast %eq3A_102 : i32 to vector<256x1xi32>
    %eq3A_104 = arith.cmpi eq, %get3A_49, %eq3A_103 : vector<256x1xi32>
    %jit3A_105 = arith.constant 0xFF800000 : f32
    %broadcast_in_dim3A_106 = vector.shape_cast %eq3A_104 : vector<256x1xi1> to vector<256x1xi1>
    %broadcast_in_dim3A_107 = vector.broadcast %broadcast_in_dim3A_106 : vector<256x1xi1> to vector<256x256xi1>
    %broadcast_in_dim3A_108 = vector.broadcast %jit3A_105 : f32 to vector<256x256xf32>
    %select_n3A_109 = arith.select %broadcast_in_dim3A_107, %get3A_46, %broadcast_in_dim3A_108 : vector<256x256xi1>, vector<256x256xf32>
    %reduce_max3A_110 = arith.constant dense<0xFF800000> : vector<256xf32>
    %reduce_max3A_111 = vector.multi_reduction <maximumf>, %select_n3A_109, %reduce_max3A_110 [0] : vector<256x256xf32> to vector<256xf32>
    %broadcast_in_dim3A_112 = vector.shape_cast %reduce_max3A_111 : vector<256xf32> to vector<1x256xf32>
    %get3A_113 = arith.constant 3 : index
    %get3A_114 = arith.constant 0 : index
    %get3A_115 = vector.load %arg9[%get3A_113, %get3A_114] : memref<8x256xf32, #tpu.memory_space<vmem>>, vector<1x256xf32>
    %max3A_116 = arith.maximumf %get3A_115, %broadcast_in_dim3A_112 : vector<1x256xf32>
    %swap3A_117 = arith.constant 3 : index
    %swap3A_118 = arith.constant 0 : index
    %swap3A_119 = vector.load %arg9[%swap3A_117, %swap3A_118] : memref<8x256xf32, #tpu.memory_space<vmem>>, vector<1x256xf32>
    tpu.vector_store %arg9[%swap3A_117, %swap3A_118], %max3A_116 {strides = array<i32>} : memref<8x256xf32, #tpu.memory_space<vmem>>, vector<1x256xf32>,
    %eq3A_120 = arith.constant 4 : i32
    %eq3A_121 = vector.broadcast %eq3A_120 : i32 to vector<256x1xi32>
    %eq3A_122 = arith.cmpi eq, %get3A_49, %eq3A_121 : vector<256x1xi32>
    %jit3A_123 = arith.constant 0xFF800000 : f32
    %broadcast_in_dim3A_124 = vector.shape_cast %eq3A_122 : vector<256x1xi1> to vector<256x1xi1>
    %broadcast_in_dim3A_125 = vector.broadcast %broadcast_in_dim3A_124 : vector<256x1xi1> to vector<256x256xi1>
    %broadcast_in_dim3A_126 = vector.broadcast %jit3A_123 : f32 to vector<256x256xf32>
    %select_n3A_127 = arith.select %broadcast_in_dim3A_125, %get3A_46, %broadcast_in_dim3A_126 : vector<256x256xi1>, vector<256x256xf32>
    %reduce_max3A_128 = arith.constant dense<0xFF800000> : vector<256xf32>
    %reduce_max3A_129 = vector.multi_reduction <maximumf>, %select_n3A_127, %reduce_max3A_128 [0] : vector<256x256xf32> to vector<256xf32>
    %broadcast_in_dim3A_130 = vector.shape_cast %reduce_max3A_129 : vector<256xf32> to vector<1x256xf32>
    %get3A_131 = arith.constant 4 : index
    %get3A_132 = arith.constant 0 : index
    %get3A_133 = vector.load %arg9[%get3A_131, %get3A_132] : memref<8x256xf32, #tpu.memory_space<vmem>>, vector<1x256xf32>
    %max3A_134 = arith.maximumf %get3A_133, %broadcast_in_dim3A_130 : vector<1x256xf32>
    %swap3A_135 = arith.constant 4 : index
    %swap3A_136 = arith.constant 0 : index
    %swap3A_137 = vector.load %arg9[%swap3A_135, %swap3A_136] : memref<8x256xf32, #tpu.memory_space<vmem>>, vector<1x256xf32>
    tpu.vector_store %arg9[%swap3A_135, %swap3A_136], %max3A_134 {strides = array<i32>} : memref<8x256xf32, #tpu.memory_space<vmem>>, vector<1x256xf32>,
    %eq3A_138 = arith.constant 5 : i32
    %eq3A_139 = vector.broadcast %eq3A_138 : i32 to vector<256x1xi32>
    %eq3A_140 = arith.cmpi eq, %get3A_49, %eq3A_139 : vector<256x1xi32>
    %jit3A_141 = arith.constant 0xFF800000 : f32
    %broadcast_in_dim3A_142 = vector.shape_cast %eq3A_140 : vector<256x1xi1> to vector<256x1xi1>
    %broadcast_in_dim3A_143 = vector.broadcast %broadcast_in_dim3A_142 : vector<256x1xi1> to vector<256x256xi1>
    %broadcast_in_dim3A_144 = vector.broadcast %jit3A_141 : f32 to vector<256x256xf32>
    %select_n3A_145 = arith.select %broadcast_in_dim3A_143, %get3A_46, %broadcast_in_dim3A_144 : vector<256x256xi1>, vector<256x256xf32>
    %reduce_max3A_146 = arith.constant dense<0xFF800000> : vector<256xf32>
    %reduce_max3A_147 = vector.multi_reduction <maximumf>, %select_n3A_145, %reduce_max3A_146 [0] : vector<256x256xf32> to vector<256xf32>
    %broadcast_in_dim3A_148 = vector.shape_cast %reduce_max3A_147 : vector<256xf32> to vector<1x256xf32>
    %get3A_149 = arith.constant 5 : index
    %get3A_150 = arith.constant 0 : index
    %get3A_151 = vector.load %arg9[%get3A_149, %get3A_150] : memref<8x256xf32, #tpu.memory_space<vmem>>, vector<1x256xf32>
    %max3A_152 = arith.maximumf %get3A_151, %broadcast_in_dim3A_148 : vector<1x256xf32>
    %swap3A_153 = arith.constant 5 : index
    %swap3A_154 = arith.constant 0 : index
    %swap3A_155 = vector.load %arg9[%swap3A_153, %swap3A_154] : memref<8x256xf32, #tpu.memory_space<vmem>>, vector<1x256xf32>
    tpu.vector_store %arg9[%swap3A_153, %swap3A_154], %max3A_152 {strides = array<i32>} : memref<8x256xf32, #tpu.memory_space<vmem>>, vector<1x256xf32>,
    %eq3A_156 = arith.constant 6 : i32
    %eq3A_157 = vector.broadcast %eq3A_156 : i32 to vector<256x1xi32>
    %eq3A_158 = arith.cmpi eq, %get3A_49, %eq3A_157 : vector<256x1xi32>
    %jit3A_159 = arith.constant 0xFF800000 : f32
    %broadcast_in_dim3A_160 = vector.shape_cast %eq3A_158 : vector<256x1xi1> to vector<256x1xi1>
    %broadcast_in_dim3A_161 = vector.broadcast %broadcast_in_dim3A_160 : vector<256x1xi1> to vector<256x256xi1>
    %broadcast_in_dim3A_162 = vector.broadcast %jit3A_159 : f32 to vector<256x256xf32>
    %select_n3A_163 = arith.select %broadcast_in_dim3A_161, %get3A_46, %broadcast_in_dim3A_162 : vector<256x256xi1>, vector<256x256xf32>
    %reduce_max3A_164 = arith.constant dense<0xFF800000> : vector<256xf32>
    %reduce_max3A_165 = vector.multi_reduction <maximumf>, %select_n3A_163, %reduce_max3A_164 [0] : vector<256x256xf32> to vector<256xf32>
    %broadcast_in_dim3A_166 = vector.shape_cast %reduce_max3A_165 : vector<256xf32> to vector<1x256xf32>
    %get3A_167 = arith.constant 6 : index
    %get3A_168 = arith.constant 0 : index
    %get3A_169 = vector.load %arg9[%get3A_167, %get3A_168] : memref<8x256xf32, #tpu.memory_space<vmem>>, vector<1x256xf32>
    %max3A_170 = arith.maximumf %get3A_169, %broadcast_in_dim3A_166 : vector<1x256xf32>
    %swap3A_171 = arith.constant 6 : index
    %swap3A_172 = arith.constant 0 : index
    %swap3A_173 = vector.load %arg9[%swap3A_171, %swap3A_172] : memref<8x256xf32, #tpu.memory_space<vmem>>, vector<1x256xf32>
    tpu.vector_store %arg9[%swap3A_171, %swap3A_172], %max3A_170 {strides = array<i32>} : memref<8x256xf32, #tpu.memory_space<vmem>>, vector<1x256xf32>,
    %eq3A_174 = arith.constant 7 : i32
    %eq3A_175 = vector.broadcast %eq3A_174 : i32 to vector<256x1xi32>
    %eq3A_176 = arith.cmpi eq, %get3A_49, %eq3A_175 : vector<256x1xi32>
    %jit3A_177 = arith.constant 0xFF800000 : f32
    %broadcast_in_dim3A_178 = vector.shape_cast %eq3A_176 : vector<256x1xi1> to vector<256x1xi1>
    %broadcast_in_dim3A_179 = vector.broadcast %broadcast_in_dim3A_178 : vector<256x1xi1> to vector<256x256xi1>
    %broadcast_in_dim3A_180 = vector.broadcast %jit3A_177 : f32 to vector<256x256xf32>
    %select_n3A_181 = arith.select %broadcast_in_dim3A_179, %get3A_46, %broadcast_in_dim3A_180 : vector<256x256xi1>, vector<256x256xf32>
    %reduce_max3A_182 = arith.constant dense<0xFF800000> : vector<256xf32>
    %reduce_max3A_183 = vector.multi_reduction <maximumf>, %select_n3A_181, %reduce_max3A_182 [0] : vector<256x256xf32> to vector<256xf32>
    %broadcast_in_dim3A_184 = vector.shape_cast %reduce_max3A_183 : vector<256xf32> to vector<1x256xf32>
    %get3A_185 = arith.constant 7 : index
    %get3A_186 = arith.constant 0 : index
    %get3A_187 = vector.load %arg9[%get3A_185, %get3A_186] : memref<8x256xf32, #tpu.memory_space<vmem>>, vector<1x256xf32>
    %max3A_188 = arith.maximumf %get3A_187, %broadcast_in_dim3A_184 : vector<1x256xf32>
    %swap3A_189 = arith.constant 7 : index
    %swap3A_190 = arith.constant 0 : index
    %swap3A_191 = vector.load %arg9[%swap3A_189, %swap3A_190] : memref<8x256xf32, #tpu.memory_space<vmem>>, vector<1x256xf32>
    tpu.vector_store %arg9[%swap3A_189, %swap3A_190], %max3A_188 {strides = array<i32>} : memref<8x256xf32, #tpu.memory_space<vmem>>, vector<1x256xf32>,
    return
  }
  func.func @transform_0(%arg0: i32) -> (i32, i32) {
    %c0_i32 = arith.constant 0 : i32
    %c0_i32_0 = arith.constant 0 : i32
    return %arg0, %c0_i32 : i32, i32
  }
  func.func @transform_1(%arg0: i32) -> (i32, i32) {
    %c0_i32 = arith.constant 0 : i32
    %c0_i32_0 = arith.constant 0 : i32
    return %arg0, %c0_i32 : i32, i32
  }
  func.func @transform_2(%arg0: i32) -> (i32, i32) {
    %c0_i32 = arith.constant 0 : i32
    %c0_i32_0 = arith.constant 0 : i32
    %c0_i32_1 = arith.constant 0 : i32
    return %c0_i32, %c0_i32_0 : i32, i32
  }
  func.func @transform_3(%arg0: i32) -> (i32, i32) {
    %c0_i32 = arith.constant 0 : i32
    %c0_i32_0 = arith.constant 0 : i32
    %c0_i32_1 = arith.constant 0 : i32
    return %c0_i32, %c0_i32_0 : i32, i32
  }
  func.func @transform_4(%arg0: i32) -> (i32, i32) {
    %c0_i32 = arith.constant 0 : i32
    %c0_i32_0 = arith.constant 0 : i32
    %c0_i32_1 = arith.constant 0 : i32
    return %c0_i32, %c0_i32_0 : i32, i32
  }
  func.func @transform_5(%arg0: i32) -> (i32, i32) {
    %c0_i32 = arith.constant 0 : i32
    %c0_i32_0 = arith.constant 0 : i32
    %c0_i32_1 = arith.constant 0 : i32
    return %c0_i32, %c0_i32_0 : i32, i32
  }
  func.func @transform_6(%arg0: i32) -> (i32, i32) {
    %c0_i32 = arith.constant 0 : i32
    %c0_i32_0 = arith.constant 0 : i32
    return %arg0, %c0_i32 : i32, i32
  }
  func.func @transform_7(%arg0: i32) -> (i32, i32) {
    %c0_i32 = arith.constant 0 : i32
    %c0_i32_0 = arith.constant 0 : i32
    return %arg0, %c0_i32 : i32, i32
  }
  func.func @transform_8(%arg0: i32) -> (i32, i32) {
    %c0_i32 = arith.constant 0 : i32
    %c0_i32_0 = arith.constant 0 : i32
    %c0_i32_1 = arith.constant 0 : i32
    return %c0_i32, %c0_i32_0 : i32, i32
  }
}

module attributes {stable_mosaic.version = 14 : i64} {
  func.func @_head_body(%arg0: i32, %arg1: memref<512x64xf32, #tpu.memory_space<vmem>>, %arg2: memref<512x256xf32, #tpu.memory_space<vmem>>, %arg3: memref<1x1x256xf32, #tpu.memory_space<vmem>>, %arg4: memref<576x256xf32, #tpu.memory_space<vmem>>, %arg5: memref<1x256xf32, #tpu.memory_space<vmem>>, %arg6: memref<256x64xf32, #tpu.memory_space<vmem>>, %arg7: memref<1x64xf32, #tpu.memory_space<vmem>>, %arg8: memref<64x1xf32, #tpu.memory_space<vmem>>, %arg9: memref<1x1xf32, #tpu.memory_space<vmem>>, %arg10: memref<512x576xf32, #tpu.memory_space<vmem>>, %arg11: memref<512x1xf32, #tpu.memory_space<vmem>>) attributes {dimension_semantics = [#tpu.dimension_semantics<arbitrary>], iteration_bounds = array<i64: 16>, scalar_prefetch = 0 : i64, scratch_operands = 0 : i64, tpu.core_type = #tpu.core_type<tc>, window_params = [{transform_indices = @transform_0, window_bounds = array<i64: 512, 64>}, {transform_indices = @transform_1, window_bounds = array<i64: 512, 256>}, {transform_indices = @transform_2, window_bounds = array<i64: 1, 1, 256>}, {pipeline_mode = #tpu.pipeline_mode<synchronous>, transform_indices = @transform_3, window_bounds = array<i64: 576, 256>}, {pipeline_mode = #tpu.pipeline_mode<synchronous>, transform_indices = @transform_4, window_bounds = array<i64: 1, 256>}, {pipeline_mode = #tpu.pipeline_mode<synchronous>, transform_indices = @transform_5, window_bounds = array<i64: 256, 64>}, {pipeline_mode = #tpu.pipeline_mode<synchronous>, transform_indices = @transform_6, window_bounds = array<i64: 1, 64>}, {pipeline_mode = #tpu.pipeline_mode<synchronous>, transform_indices = @transform_7, window_bounds = array<i64: 64, 1>}, {pipeline_mode = #tpu.pipeline_mode<synchronous>, transform_indices = @transform_8, window_bounds = array<i64: 1, 1>}, {transform_indices = @transform_9, window_bounds = array<i64: 512, 576>}, {transform_indices = @transform_10, window_bounds = array<i64: 512, 1>}]} {
    %get3A = arith.constant 0 : index
    %get3A_0 = arith.constant 0 : index
    %get3A_1 = arith.constant 0 : index
    %get3A_2 = vector.load %arg3[%get3A, %get3A_0, %get3A_1] : memref<1x1x256xf32, #tpu.memory_space<vmem>>, vector<1x1x256xf32>
    %get3A_3 = vector.shape_cast %get3A_2 : vector<1x1x256xf32> to vector<1x256xf32>
    %broadcast_in_dim3A = vector.shape_cast %get3A_3 : vector<1x256xf32> to vector<1x256xf32>
    %broadcast_in_dim3A_4 = vector.broadcast %broadcast_in_dim3A : vector<1x256xf32> to vector<512x256xf32>
    %get3A_5 = arith.constant 0 : index
    %get3A_6 = arith.constant 0 : index
    %get3A_7 = vector.load %arg1[%get3A_5, %get3A_6] : memref<512x64xf32, #tpu.memory_space<vmem>>, vector<512x64xf32>
    %get3A_8 = arith.constant 0 : index
    %get3A_9 = arith.constant 0 : index
    %get3A_10 = vector.load %arg2[%get3A_8, %get3A_9] : memref<512x256xf32, #tpu.memory_space<vmem>>, vector<512x256xf32>
    %concatenate3A = tpu.concatenate %get3A_7, %get3A_10, %broadcast_in_dim3A_4 in 1 : vector<512x64xf32>, vector<512x256xf32>, vector<512x256xf32> -> vector<512x576xf32>
    %swap3A = arith.constant 0 : index
    %swap3A_11 = arith.constant 0 : index
    %swap3A_12 = vector.load %arg10[%swap3A, %swap3A_11] : memref<512x576xf32, #tpu.memory_space<vmem>>, vector<512x576xf32>
    tpu.vector_store %arg10[%swap3A, %swap3A_11], %concatenate3A {strides = array<i32>} : memref<512x576xf32, #tpu.memory_space<vmem>>, vector<512x576xf32>,
    %get3A_13 = arith.constant 0 : index
    %get3A_14 = arith.constant 0 : index
    %get3A_15 = vector.load %arg4[%get3A_13, %get3A_14] : memref<576x256xf32, #tpu.memory_space<vmem>>, vector<576x256xf32>
    %convert_element_type3A = arith.truncf %concatenate3A : vector<512x576xf32> to vector<512x576xbf16>
    %convert_element_type3A_16 = arith.truncf %get3A_15 : vector<576x256xf32> to vector<576x256xbf16>
    %dot_general3A = arith.constant dense<0.000000e+00> : vector<512x256xf32>
    %dot_general3A_17 = tpu.matmul %convert_element_type3A, %convert_element_type3A_16, %dot_general3A {dimension_numbers = #tpu.dot_dimension_numbers<[1], [0], [0], [1], [0, 0, 1, 1], [], []>, transpose_lhs_hint = false} : vector<512x576xbf16>, vector<576x256xbf16>, vector<512x256xf32> -> vector<512x256xf32>
    %get3A_18 = arith.constant 0 : index
    %get3A_19 = arith.constant 0 : index
    %get3A_20 = vector.load %arg5[%get3A_18, %get3A_19] : memref<1x256xf32, #tpu.memory_space<vmem>>, vector<1x256xf32>
    %add3A = vector.broadcast %get3A_20 : vector<1x256xf32> to vector<512x256xf32>
    %add3A_21 = arith.addf %dot_general3A_17, %add3A : vector<512x256xf32>
    %max3A = arith.constant 0.000000e+00 : f32
    %max3A_22 = vector.broadcast %max3A : f32 to vector<512x256xf32>
    %max3A_23 = arith.maximumf %add3A_21, %max3A_22 : vector<512x256xf32>
    %get3A_24 = arith.constant 0 : index
    %get3A_25 = arith.constant 0 : index
    %get3A_26 = vector.load %arg6[%get3A_24, %get3A_25] : memref<256x64xf32, #tpu.memory_space<vmem>>, vector<256x64xf32>
    %convert_element_type3A_27 = arith.truncf %max3A_23 : vector<512x256xf32> to vector<512x256xbf16>
    %convert_element_type3A_28 = arith.truncf %get3A_26 : vector<256x64xf32> to vector<256x64xbf16>
    %dot_general3A_29 = arith.constant dense<0.000000e+00> : vector<512x64xf32>
    %dot_general3A_30 = tpu.matmul %convert_element_type3A_27, %convert_element_type3A_28, %dot_general3A_29 {dimension_numbers = #tpu.dot_dimension_numbers<[1], [0], [0], [1], [0, 0, 1, 1], [], []>, transpose_lhs_hint = false} : vector<512x256xbf16>, vector<256x64xbf16>, vector<512x64xf32> -> vector<512x64xf32>
    %get3A_31 = arith.constant 0 : index
    %get3A_32 = arith.constant 0 : index
    %get3A_33 = vector.load %arg7[%get3A_31, %get3A_32] : memref<1x64xf32, #tpu.memory_space<vmem>>, vector<1x64xf32>
    %add3A_34 = vector.broadcast %get3A_33 : vector<1x64xf32> to vector<512x64xf32>
    %add3A_35 = arith.addf %dot_general3A_30, %add3A_34 : vector<512x64xf32>
    %get3A_36 = arith.constant 0 : index
    %get3A_37 = arith.constant 0 : index
    %get3A_38 = vector.load %arg8[%get3A_36, %get3A_37] : memref<64x1xf32, #tpu.memory_space<vmem>>, vector<64x1xf32>
    %convert_element_type3A_39 = arith.truncf %add3A_35 : vector<512x64xf32> to vector<512x64xbf16>
    %convert_element_type3A_40 = arith.truncf %get3A_38 : vector<64x1xf32> to vector<64x1xbf16>
    %dot_general3A_41 = arith.constant dense<0.000000e+00> : vector<512x1xf32>
    %dot_general3A_42 = tpu.matmul %convert_element_type3A_39, %convert_element_type3A_40, %dot_general3A_41 {dimension_numbers = #tpu.dot_dimension_numbers<[1], [0], [0], [1], [0, 0, 1, 1], [], []>, transpose_lhs_hint = false} : vector<512x64xbf16>, vector<64x1xbf16>, vector<512x1xf32> -> vector<512x1xf32>
    %get3A_43 = arith.constant 0 : index
    %get3A_44 = arith.constant 0 : index
    %get3A_45 = vector.load %arg9[%get3A_43, %get3A_44] : memref<1x1xf32, #tpu.memory_space<vmem>>, vector<1x1xf32>
    %add3A_46 = vector.broadcast %get3A_45 : vector<1x1xf32> to vector<512x1xf32>
    %add3A_47 = arith.addf %dot_general3A_42, %add3A_46 : vector<512x1xf32>
    %logistic3A = arith.negf %add3A_47 : vector<512x1xf32>
    %logistic3A_48 = math.exp %logistic3A : vector<512x1xf32>
    %logistic3A_49 = arith.constant 1.000000e+00 : f32
    %logistic3A_50 = vector.broadcast %logistic3A_49 : f32 to vector<512x1xf32>
    %logistic3A_51 = arith.addf %logistic3A_50, %logistic3A_48 : vector<512x1xf32>
    %logistic3A_52 = arith.divf %logistic3A_50, %logistic3A_51 : vector<512x1xf32>
    %swap3A_53 = arith.constant 0 : index
    %swap3A_54 = arith.constant 0 : index
    %swap3A_55 = vector.load %arg11[%swap3A_53, %swap3A_54] : memref<512x1xf32, #tpu.memory_space<vmem>>, vector<512x1xf32>
    tpu.vector_store %arg11[%swap3A_53, %swap3A_54], %logistic3A_52 {strides = array<i32>} : memref<512x1xf32, #tpu.memory_space<vmem>>, vector<512x1xf32>,
    return
  }
  func.func @transform_0(%arg0: i32) -> (i32, i32) {
    %c0_i32 = arith.constant 0 : i32
    %c0_i32_0 = arith.constant 0 : i32
    return %arg0, %c0_i32 : i32, i32
  }
  func.func @transform_1(%arg0: i32) -> (i32, i32) {
    %c0_i32 = arith.constant 0 : i32
    %c0_i32_0 = arith.constant 0 : i32
    return %arg0, %c0_i32 : i32, i32
  }
  func.func @transform_2(%arg0: i32) -> (i32, i32, i32) {
    %mul3A = arith.constant 512 : i32
    %mul3A_0 = arith.muli %arg0, %mul3A : i32
    %jit3A = arith.constant 1024 : i32
    %div3A = arith.divsi %mul3A_0, %jit3A : i32
    %sign3A = arith.constant 0 : i32
    %sign3A_1 = arith.cmpi sgt, %mul3A_0, %sign3A : i32
    %sign3A_2 = arith.extui %sign3A_1 : i1 to i32
    %sign3A_3 = arith.constant 0 : i32
    %sign3A_4 = arith.cmpi slt, %mul3A_0, %sign3A_3 : i32
    %sign3A_5 = arith.extui %sign3A_4 : i1 to i32
    %sign3A_6 = arith.subi %sign3A_2, %sign3A_5 : i32
    %sign3A_7 = arith.constant 0 : i32
    %sign3A_8 = arith.cmpi sgt, %jit3A, %sign3A_7 : i32
    %sign3A_9 = arith.extui %sign3A_8 : i1 to i32
    %sign3A_10 = arith.constant 0 : i32
    %sign3A_11 = arith.cmpi slt, %jit3A, %sign3A_10 : i32
    %sign3A_12 = arith.extui %sign3A_11 : i1 to i32
    %sign3A_13 = arith.subi %sign3A_9, %sign3A_12 : i32
    %ne3A = arith.cmpi ne, %sign3A_6, %sign3A_13 : i32
    %rem3A = arith.remsi %mul3A_0, %jit3A : i32
    %ne3A_14 = arith.constant 0 : i32
    %ne3A_15 = arith.cmpi ne, %rem3A, %ne3A_14 : i32
    %and3A = arith.andi %ne3A, %ne3A_15 : i1
    %sub3A = arith.constant 1 : i32
    %sub3A_16 = arith.subi %div3A, %sub3A : i32
    %select_n3A = arith.select %and3A, %sub3A_16, %div3A : i32
    %c0_i32 = arith.constant 0 : i32
    %c0_i32_17 = arith.constant 0 : i32
    %c0_i32_18 = arith.constant 0 : i32
    return %select_n3A, %c0_i32, %c0_i32_17 : i32, i32, i32
  }
  func.func @transform_3(%arg0: i32) -> (i32, i32) {
    %c0_i32 = arith.constant 0 : i32
    %c0_i32_0 = arith.constant 0 : i32
    %c0_i32_1 = arith.constant 0 : i32
    return %c0_i32, %c0_i32_0 : i32, i32
  }
  func.func @transform_4(%arg0: i32) -> (i32, i32) {
    %c0_i32 = arith.constant 0 : i32
    %c0_i32_0 = arith.constant 0 : i32
    %c0_i32_1 = arith.constant 0 : i32
    return %c0_i32, %c0_i32_0 : i32, i32
  }
  func.func @transform_5(%arg0: i32) -> (i32, i32) {
    %c0_i32 = arith.constant 0 : i32
    %c0_i32_0 = arith.constant 0 : i32
    %c0_i32_1 = arith.constant 0 : i32
    return %c0_i32, %c0_i32_0 : i32, i32
  }
  func.func @transform_6(%arg0: i32) -> (i32, i32) {
    %c0_i32 = arith.constant 0 : i32
    %c0_i32_0 = arith.constant 0 : i32
    %c0_i32_1 = arith.constant 0 : i32
    return %c0_i32, %c0_i32_0 : i32, i32
  }
  func.func @transform_7(%arg0: i32) -> (i32, i32) {
    %c0_i32 = arith.constant 0 : i32
    %c0_i32_0 = arith.constant 0 : i32
    %c0_i32_1 = arith.constant 0 : i32
    return %c0_i32, %c0_i32_0 : i32, i32
  }
  func.func @transform_8(%arg0: i32) -> (i32, i32) {
    %c0_i32 = arith.constant 0 : i32
    %c0_i32_0 = arith.constant 0 : i32
    %c0_i32_1 = arith.constant 0 : i32
    return %c0_i32, %c0_i32_0 : i32, i32
  }
  func.func @transform_9(%arg0: i32) -> (i32, i32) {
    %c0_i32 = arith.constant 0 : i32
    %c0_i32_0 = arith.constant 0 : i32
    return %arg0, %c0_i32 : i32, i32
  }
  func.func @transform_10(%arg0: i32) -> (i32, i32) {
    %c0_i32 = arith.constant 0 : i32
    %c0_i32_0 = arith.constant 0 : i32
    return %arg0, %c0_i32 : i32, i32
  }
}

</mosaic_0001>

<sc_bundles>
// kernel: kernel.12.cloned.1.call-start
scs
__scs_entry_jumppad:
0x0: {  	(pc) =	sbr.rel $0x88, $3  }
0x1: {  	(tag) =	ssettag $0x0;
	lr =	simm.s32 $0x1  }
0x2: {  	[smem:$0x3F91] =	sst lr;
	_ =	strace $0xD0000000  }
0x3: {  	_ = 	snop  }
0x4: {  	_ = 	snop  }
0x5: {  	_ = 	snop  }
0x6: {  	_ = 	snop  }
0x7: {  	_ = 	snop  }
__scs_overlays_trampoline_lowered:
0x8: {  	[smem:$0x3FA0] =	sst s0  }
0x9: {  	[smem:$0x3FA1] =	sst s1  }
0xa: {  	[smem:$0x3FA2] =	sst s2  }
0xb: {  	[smem:$0x3FA3] =	sst s3  }
0xc: {  	[smem:$0x3FA4] =	sst s4  }
0xd: {  	[smem:$0x3FA5] =	sst s5  }
0xe: {  	[smem:$0x3FA6] =	sst s6  }
0xf: {  	[smem:$0x3FA7] =	sst s7  }
0x10: {  	[smem:$0x3FA8] =	sst s8  }
0x11: {  	[smem:$0x3FA9] =	sst s9;
	s0 =	simm.s32 @!p0 $0x0  }
0x12: {  	s1 =	sld [smem:$0x3F8F];
	s0 =	simm.s32 @p0 $0x1  }
0x13: {  	[smem:$0x3FAA] =	sst s0;
	s0 =	simm.s32 @!p1 $0x0  }
0x14: {  	s2 =	sld [smem:$0x3F8E];
	s0 =	simm.s32 @p1 $0x1  }
0x15: {  	[smem:$0x3FAB] =	sst s0;
	s0 =	simm.s32 @!p2 $0x0  }
0x16: {  	s3 =	sld [smem:$0x3FDB];
	s0 =	simm.s32 @p2 $0x1  }
0x17: {  	s4 =	simm.s32 $0x1BF5;
	[smem:$0x3FAD] =	sst s0  }
0x18: {  	s0 =	sld [smem:$0x3F90];
	_ =	swait.ge [sflag:s4], $0x0  }
0x19: {  	s7 =	sld [smem:$0x3F91]  }
0x1a: {  	s8 =	sadd.s32 $0xFFFFE003, lr  }
0x1b: {  	s9 =	sadd.s32 $0xFFFFFEF7, lr;
	s5 =	simm.s32 $0xFFFFFFFF;
	p2 =	slt.u32 s8, $0xFFFFF086  }
0x1c: {  	p1 =	slt.u32 s9, $0xF7A;
	s5 =	simm.s32 @!p2 $0x0  }
0x1d: {  	s5 =	simm.s32 @p1 $0x1;
	p0 =	seq.s32 s7, s2  }
0x1e: {  	s7 =	smul.u32 @!p0 $0xF7A, s2;
	p2 =	seq.s32 @!p0 s5, $0x0  }
0x1f: {  	s9 =	smul.u32 $0xF7A, s1;
	s8 =	simm.s32 @!p0 $0x1BF5;
	p2 =	por !p2, p0  }
0x20: {  	[sflag:s8] =	ssyncset.s32 @!p0 $0xFFFFF086;
	s6 =	sadd.s32 @!p0 s3, s7;
	s7 =	simm.s32 @!p0 $0x108  }
0x21: {  	s3 =	sadd.s32 s3, s9;
	s6 =	sadd.s32 @!p0 $0x88, s6;
	s7 =	simm.s32 @p2 $0x1082  }
0x22: {  	[simem:s7], [sflag:s8] =	dma.local @!p0 [hbm:s6], $0xF7A  }
0x23: {  	s9 =	sor.u32 $0xD0000000, s2;
	s6 =	simm.s32 $0x108;
	_ =	swait.ge @!p0 [sflag:s8], $0x0  }
0x24: {  	s3 =	sadd.s32 $0x88, s3;
	s6 =	simm.s32 @!p1 $0x1082;
	[sflag:s4] =	ssyncset.s32 $0xFFFFF086  }
0x25: {  	[simem:s6], [sflag:s4] =	dma.local [hbm:s3], $0xF7A  }
0x26: {  	[smem:$0x3F91] =	sst s1;
	(tag) =	ssettag s2;
	_ =	strace s9  }
0x27: {  	s1 =	sld [smem:$0x3FA1]  }
0x28: {  	s2 =	sld [smem:$0x3FA2]  }
0x29: {  	s4 =	sld [smem:$0x3FA4]  }
0x2a: {  	p0 =	seq.s32 s5, $0x0;
	s5 =	sld [smem:$0x3FA5]  }
0x2b: {  	s6 =	sld [smem:$0x3FA6]  }
0x2c: {  	s7 =	sld [smem:$0x3FA7]  }
0x2d: {  	s3 =	simm.s32 $0x108;
	s8 =	sld [smem:$0x3FA8]  }
0x2e: {  	s3 =	simm.s32 @!p0 $0x1082;
	s9 =	sld [smem:$0x3FA9]  }
0x2f: {  	lr =	sadd.s32 s0, s3;
	s0 =	sld [smem:$0x3FA0]  }
0x30: {  	s3 =	sld [smem:$0x3FA3]  }
0x31: {  	[smem:$0x3FAC] =	sst s10  }
0x32: {  	s10 =	sld [smem:$0x3FAA];
	_ =	sdelay $0x3  }
0x33: {  	p0 =	seq.s32 s10, $0x1;
	s10 =	sld [smem:$0x3FAC];
	_ =	sdelay $0x3  }
0x34: {  	[smem:$0x3FAC] =	sst s10  }
0x35: {  	s10 =	sld [smem:$0x3FAB];
	_ =	sdelay $0x3  }
0x36: {  	p1 =	seq.s32 s10, $0x1;
	s10 =	sld [smem:$0x3FAC];
	_ =	sdelay $0x3  }
0x37: {  	[smem:$0x3FAC] =	sst s10  }
0x38: {  	s10 =	sld [smem:$0x3FAD]  }
0x39: {  	_ = 	snop;
	(pc) =	sbr.ind lr, $3  }
0x3a: {  	_ = 	snop  }
0x3b: {  	_ = 	snop  }
0x3c: {  	p2 =	seq.s32 s10, $0x1;
	s10 =	sld [smem:$0x3FAC]  }
0x3d: {  	_ =	shalt  }
0x3e: {  	_ =	shalt  }
0x3f: {  	_ =	shalt  }
0x40: {  	_ =	shalt  }
0x41: {  	_ =	shalt  }
0x42: {  	_ =	shalt  }
0x43: {  	_ =	shalt  }
0x44: {  	_ =	shalt  }
0x45: {  	_ =	shalt  }
0x46: {  	_ =	shalt  }
0x47: {  	_ =	shalt  }
0x48: {  	_ =	shalt  }
0x49: {  	_ =	shalt  }
0x4a: {  	_ =	shalt  }
0x4b: {  	_ =	shalt  }
0x4c: {  	_ =	shalt  }
0x4d: {  	_ =	shalt  }
0x4e: {  	_ =	shalt  }
0x4f: {  	_ =	shalt  }
0x50: {  	_ =	shalt  }
0x51: {  	_ =	shalt  }
0x52: {  	_ =	shalt  }
0x53: {  	_ =	shalt  }
0x54: {  	_ =	shalt  }
0x55: {  	_ =	shalt  }
0x56: {  	_ =	shalt  }
0x57: {  	_ =	shalt  }
0x58: {  	_ =	shalt  }
0x59: {  	_ =	shalt  }
0x5a: {  	_ =	shalt  }
0x5b: {  	_ =	shalt  }
0x5c: {  	_ =	shalt  }
0x5d: {  	_ =	shalt  }
0x5e: {  	_ =	shalt  }
0x5f: {  	_ =	shalt  }
0x60: {  	_ =	shalt  }
0x61: {  	_ =	shalt  }
0x62: {  	_ =	shalt  }
0x63: {  	_ =	shalt  }
0x64: {  	_ =	shalt  }
0x65: {  	_ =	shalt  }
0x66: {  	_ =	shalt  }
0x67: {  	_ =	shalt  }
0x68: {  	_ =	shalt  }
0x69: {  	_ =	shalt  }
0x6a: {  	_ =	shalt  }
0x6b: {  	_ =	shalt  }
0x6c: {  	_ =	shalt  }
0x6d: {  	_ =	shalt  }
0x6e: {  	_ =	shalt  }
0x6f: {  	_ =	shalt  }
0x70: {  	_ =	shalt  }
0x71: {  	_ =	shalt  }
0x72: {  	_ =	shalt  }
0x73: {  	_ =	shalt  }
0x74: {  	_ =	shalt  }
0x75: {  	_ =	shalt  }
0x76: {  	_ =	shalt  }
0x77: {  	_ =	shalt  }
0x78: {  	_ =	shalt  }
0x79: {  	_ =	shalt  }
0x7a: {  	_ =	shalt  }
0x7b: {  	_ =	shalt  }
0x7c: {  	_ =	shalt  }
0x7d: {  	_ =	shalt  }
0x7e: {  	_ =	shalt  }
0x7f: {  	_ =	shalt  }
0x80: {  	_ =	shalt  }
0x81: {  	_ =	shalt  }
0x82: {  	_ =	shalt  }
0x83: {  	_ =	shalt  }
0x84: {  	_ =	shalt  }
0x85: {  	_ =	shalt  }
0x86: {  	_ =	shalt  }
0x87: {  	_ =	shalt  }
.Lfunc_end0:
.L_simem_size_0:
called_computation.1_lowered:
.L_overlay_start_0:
0x88: {  	s2 =	sld [smem:$0x3FD9]  }
0x89: {  	s3 =	sld [smem:$0x3FFE];
	_ =	sdelay $0x1  }
0x8a: {  	s1 =	srdreg.scid  }
0x8b: {  	s0 =	sand.u32 $0x1, s1  }
0x8c: {  	s14 =	sshll.u32 s0, $0xA;
	s2 =	sadd.s32 s3, s2  }
0x8d: {  	s2 =	sadd.s32 s2, s14  }
0x8e: {  	[smem:$0x3FB8] =	sst s2  }
0x8f: {  	_ = 	snop  }
0x90: {  	s2 =	sld [smem:$0x3FD0];
	_ =	sdelay $0x2  }
0x91: {  	s15 =	simm.s32 $0xA;
	s4 =	simm.s32 $0x10  }
0x92: {  	[smem:s4], [sflag:s15] =	dma.local [hbm:s2], $0x1  }
0x93: {  	_ =	swait.eq [sflag:s15], $0x1  }
0x94: {  	[sflag:s15] =	ssyncset.done $0x0  }
0x95: {  	[sflag:s15] =	ssyncadd.s32 $0xFFFFFFFF  }
0x96: {  	s16 =	sld [smem:$0x10];
	(tm) =	ssettm $0x1  }
0x97: {  	s17 =	sld [smem:$0x3FFB];
	_ =	sdelay $0x3  }
0x98: {  	_ =	strace s17  }
0x99: {  	s3 =	sld [smem:$0x3FFC];
	_ =	sdelay $0x3  }
0x9a: {  	_ =	strace s3  }
0x9b: {  	s3 =	sld [smem:$0x3FFD];
	_ =	sdelay $0x3  }
0x9c: {  	_ =	strace s3  }
0x9d: {  	_ =	strace $0x8FFFFFFF  }
0x9e: {  	s18 =	sld [smem:$0x3FDB];
	_ =	sdelay $0x1  }
0x9f: {  	s19 =	simm.s32 $_scs_section_size  }
0xa0: {  	s5 =	simm.s32 $_size__tile_overlayer_lowered;
	s6 =	simm.s32 $_tile_overlayer_lowered  }
0xa1: {  	s22 =	simm.s32 $0x1BFF;
	s21 =	sshll.u32 s6, $0x1;
	s3 =	sadd.s32 s19, s18  }
0xa2: {  	s7 =	simm.s32 $0x0;
	s20 =	sshll.u32 s5, $0x1;
	s5 =	sadd.s32 s21, s3  }
0xa3: {  	[timem:s7], [sflag:s22] =	dma.local [hbm:s5], s20  }
0xa4: {  	_ =	swait.ge [sflag:s22], s20  }
0xa5: {  	s4 =	ssub.s32 $0x0, s20;
	[sflag:s22] =	ssyncset.done $0x0  }
0xa6: {  	[sflag:s22] =	ssyncadd.s32 s4;
	_ =	sdelay $0x1  }
0xa7: {  	s23 =	simm.s32 $0x1B8B  }
0xa8: {  	_ =	swait.ge [sflag:s23], $0x1  }
0xa9: {  	[sflag:s23] =	ssyncset.done $0x0  }
0xaa: {  	s25 =	simm.s32 $0x1B8E;
	s24 =	sld [smem:$0x3FFE];
	[sflag:s23] =	ssyncadd.s32 $0xFFFFFFFF  }
0xab: {  	s26 =	simm.s32 $execute0_lowered;
	[smem:$0x3FD2] =	sst s25  }
0xac: {  	s5 =	sshll.u32 s26, $0x1;
	_ =	strace $0x80000050;
	[dreg:$0x1] =	wrdreg $0xFFFFFFFF  }
0xad: {  	s28 =	simm.s32 $_size_execute0_lowered;
	s3 =	sadd.s32 s3, s5;
	[dreg:$0x0] =	wrdreg $0x0  }
0xae: {  	s5 =	sshll.u32 s28, $0x1;
	[dreg:$0x2] =	wrdreg s3  }
0xaf: {  	[dreg:$0x3] =	wrdreg s5  }
0xb0: {  	[dreg:$0x4] =	wrdreg $0xC0  }
0xb1: {  	_ =	task [dreg:s7], $0x5FFFF  }
0xb2: {  	[dreg:$0x1] =	wrdreg $0xFFFFFFFF  }
0xb3: {  	[dreg:$0x0] =	wrdreg $0x60  }
0xb4: {  	[dreg:$0x2] =	wrdreg s16  }
0xb5: {  	[dreg:$0x3] =	wrdreg s24  }
0xb6: {  	[dreg:$0x4] =	wrdreg $0x9  }
0xb7: {  	_ =	task.clear_ibuf [dreg:s7], $0x5FFFF;
	_ =	strace $0x90000050  }
0xb8: {  	s29 =	simm.s32 $0x9;
	_ =	strace $0x80000059  }
0xb9: {  	_ =	swait.ge [sflag:s29], $0x1  }
0xba: {  	[sflag:s29] =	ssyncadd.s32 $0xFFFFFFFF  }
0xbb: {  	_ =	strace $0x90000059  }
0xbc: {  	_ =	sfence  }
0xbd: {  	s30 =	sld [smem:$0x0];
	_ =	sdelay $0x2  }
0xbe: {  	s31 =	sshll.u32 s1, $0xD;
	s1 =	sshrl.u32 s1, $0x2  }
0xbf: {  	s3 =	sand.u32 $0x4000, s31;
	s1 =	sadd.s32 s1, s30  }
0xc0: {  	s0 =	sor.u32 s3, s0;
	s1 =	sshll.u32 s1, $0x11  }
0xc1: {  	s0 =	sor.u32 s1, s0  }
0xc2: {  	s0 =	sadd.s32 $0x8F2B, s0  }
0xc3: {  	[sflag:s0] =	ssyncadd.remote.s32 $0x1  }
0xc4: {  	_ =	sfence.sel $0xFFFF  }
0xc5: {  	[dreg:$0x0] =	wrdreg $0xFFFFFFFF;
	(pc) =	sbr.abs _section_cstart, $3  }
0xc6: {  	[dreg:$0x1] =	wrdreg $0xFFFFFFFF  }
0xc7: {  	_ =	task.clear_ibuf [dreg:s7], $0x2FFFF;
	_ =	strace $0x9FFFFFFF  }
0xc8: {  	(tm) =	ssettm $0x7FFFFFFF  }
0xc9: {  	_ =	shalt  }
tec
execute0_lowered:
.L_overlay_start_1:
0x0: {  	(tag) =	ssettag $0x1  }
0x1: {  	s0 =	rddreg [dreg:$0x0]  }
0x2: {  	s4 =	rddreg [dreg:$0x1]  }
0x3: {  	s1 =	simm.s32 $0x0;
	[dreg:$0x3] =	wrdreg s0  }
0x4: {  	s2 =	srdreg.scid;
	s8 =	simm.s32 $0x100;
	s0 =	rddreg [dreg:$0x2]  }
0x5: {  	s9 =	simm.s32 $0x4;
	s10 =	simm.s32 $0x0;
	[smem:$0x7FF] =	sst s1  }
0x6: {  	s3 =	sadd.s32 $0x2800, s4;
	s5 =	sand.u32 $0x1, s2;
	s4 =	sadd.s32 $0x6800, s4  }
0x7: {  	s2 =	stileid.u32;
	_ =	strace $0x80000051;
	[dreg:$0x5] =	wrdreg s4  }
0x8: {  	s6 =	ssub.s32 $0x2, s5;
	s5 =	sshll.u32 s5, $0x4;
	[dreg:$0x4] =	wrdreg s8  }
0x9: {  	s8 =	simm.s32 $0x5;
	s7 =	sshrl.u32 s6, $0x1;
	s5 =	sor.u32 s2, s5  }
0xa: {  	s6 =	ssub.s32 s6, s7;
	s31 =	sshll.u32 s5, $0x9;
	s4 =	sshll.u32 s5, $0x4  }
0xb: {  	s7 =	simm.s32 $0x1;
	s5 =	sadd.s32 s3, s31;
	s6 =	smax.u32 s6, $0x1  }
.LBB2_1:
0xc: {  	_ =	strace $0x80000052;
	s11 =	simm.s32 $0x1;
	p0 =	por $0x0, $0x0  }
0xd: {  	[tilespmem:s1], [sflag:$0x1] =	stream.linear.gather [hbm4b:s5+s1], $0x100, $0x200038;
	[tilespmem:$0x8200] =	vst v63  }
0xe: {  	s11 =	simm.s32 @p0 $0x0  }
0xf: {  	p4 =	por $0x1, $0x1;
	s20 =	sand.u32 $0x1, s1;
	p1 =	sne.s32 s11, $0x0  }
0x10: {  	p2 =	por $0x1, $0x1;
	s18 =	simm.s32 $0xE;
	p0 =	por !p4, !p1  }
0x11: {  	s16 =	simm.s32 $0x0;
	p5 =	por $0x0, $0x0;
	p0 =	por !p0, !p0  }
0x12: {  	s23 =	sadd.s32 $0x0, s4;
	s30 =	sadd.s32 $0x1, s20;
	s12 =	sadd.s32 @p0 s4, s11  }
0x13: {  	_ =	strace $0x90000052;
	s13 =	sand.u32 @p0 $0x1, s7;
	s12 =	sshll.u32 @p0 s12, $0x5  }
0x14: {  	_ =	strace @p0 $0x80000053;
	s15 =	simm.s32 @p0 $0x0;
	s12 =	sand.u32 @p0 $0x1FFFFFE0, s12  }
0x15: {  	s14 =	sshll.u32 @p0 s13, $0x8;
	s13 =	sadd.s32 @p0 $0x1, s13;
	s12 =	sadd.s32 @p0 s3, s12  }
0x16: {  	[tilespmem:s14], [sflag:s13] =	stream.linear.gather @p0 [hbm4b:s12+s15], $0x100, $0x200038;
	[tilespmem:$0x8200] =	vst v63  }
0x17: {  	p3 =	por p2, p2;
	s21 =	sshll.u32 s20, $0xE;
	_ =	strace @p0 $0x90000053  }
0x18: {  	s16 =	sand.u32 $0x100, s16;
	p2 =	por p5, p5;
	_ =	strace $0x80000054  }
0x19: {  	s17 =	sadd.s32 $0x1, s11;
	s22 =	sor.u32 $0x200, s21;
	_ =	swait.ge [sflag:s30], $0x100  }
0x1a: {  	s21 =	simm.s32 $0x1;
	p6 =	por p1, p1;
	[sflag:s30] =	ssyncset.done $0x0  }
0x1b: {  	p1 =	por p3, p3;
	p4 =	por $0x1, $0x1;
	[sflag:s30] =	ssyncadd.s32 $0xFFFFFF00  }
0x1c: {  	s12 =	simm.s32 $0xF;
	s15 =	sand.u32 @!p3 $0x1, s1;
	_ =	strace $0x90000054  }
0x1d: {  	s13 =	simm.s32 $0x1;
	p3 =	seq.s32 s17, $0x10;
	_ =	strace $0x80000055  }
0x1e: {  	s13 =	simm.s32 @!p0 $0x0;
	s17 =	simm.s32 @p3 $0x0;
	s19 =	rddreg [dreg:$0x4]  }
0x1f: {  	p0 =	por $0x0, $0x0;
	s14 =	sadd.s32 $0x1, s13;
	s31 =	rddreg [dreg:$0x3]  }
0x20: {  	[tilespmem:s22], [sflag:$0x5] =	stream.indirect.gather [hbm4b:s31+s19], $0x40, s16, s19, $0x2000b8;
	[tilespmem:$0x8200] =	vst v63  }
0x21: {  	p3 =	sne.s32 s11, s17;
	s21 =	simm.s32 @!p0 $0x0;
	_ =	swait.ge [sflag:s8], $0x4000  }
0x22: {  	p5 =	por !p4, !p3;
	p4 =	por $0x0, $0x0;
	[sflag:s8] =	ssyncset.done $0x0  }
0x23: {  	s13 =	simm.s32 $0x0;
	p6 =	por p4, p6;
	[sflag:s8] =	ssyncadd.s32 $0xFFFFC000  }
0x24: {  	s16 =	simm.s32 $0x0;
	s19 =	simm.s32 $0x0;
	_ =	strace $0x90000055  }
.LBB2_2:
0x25: {  	_ =	strace @p6 $0x80000056;
	s13 =	sadd.s32 s21, s13;
	s21 =	smov.u32 s12  }
0x26: {  	s12 =	smov.u32 s18;
	s18 =	sadd.s32 $0xFFFFFFFF, s18;
	p0 =	por p3, p3  }
0x27: {  	s28 =	sshll.u32 @p6 s23, $0xB;
	s20 =	sadd.s32 @p6 $0x3, s20;
	s24 =	simm.s32 @!p0 $0x0  }
0x28: {  	s25 =	rddreg [dreg:$0x5];
	s28 =	sand.u32 @p6 $0x1FFFF800, s28;
	s24 =	simm.s32 @p0 $0x1  }
0x29: {  	s25 =	sadd.s32 @p6 s25, s28;
	s28 =	simm.s32 @p6 $0x0;
	p0 =	sne.s32 s18, $0x0  }
0x2a: {  	[hbm4b:s25+s28] =	stream.linear.scatter @p6 [tilespmem:s22], [sflag:s20], $0x4000, $0x200038;
	[tilespmem:$0x8200] =	vst v63  }
0x2b: {  	s20 =	sadd.s32 @!p1 $0x3, s15;
	s15 =	simm.s32 @!p0 $0x0  }
0x2c: {  	s26 =	simm.s32 $0x1;
	[smem:$0x7FC] =	sst s24;
	s15 =	simm.s32 @p0 $0x1  }
0x2d: {  	s26 =	simm.s32 @!p6 $0x0;
	_ =	strace @p6 $0x90000056;
	[smem:$0x7FD] =	sst s15  }
0x2e: {  	p5 =	por !p5, !p5;
	s19 =	sadd.s32 s26, s19;
	_ =	strace @!p1 $0x80000057  }
0x2f: {  	s24 =	sand.u32 @!p2 $0x1, s13;
	s22 =	sand.u32 @p5 $0x1, s14;
	_ =	swait.ge @!p1 [sflag:s20], $0x4000  }
0x30: {  	s15 =	smov.u32 s24;
	s24 =	sadd.s32 @p5 s4, s17;
	[sflag:s20] =	ssyncset.done @!p1 $0x0  }
0x31: {  	s25 =	sshll.u32 @p5 s22, $0x8;
	s24 =	sshll.u32 @p5 s24, $0x5;
	[sflag:s20] =	ssyncadd.s32 @!p1 $0xFFFFC000  }
0x32: {  	s20 =	sadd.s32 @p5 $0x1, s22;
	s22 =	sand.u32 @p5 $0x1FFFFFE0, s24;
	_ =	strace @!p1 $0x90000057  }
0x33: {  	s24 =	simm.s32 @p5 $0x0;
	s22 =	sadd.s32 @p5 s3, s22;
	_ =	strace @p5 $0x80000053  }
0x34: {  	[tilespmem:s25], [sflag:s20] =	stream.linear.gather @p5 [hbm4b:s22+s24], $0x100, $0x200038;
	[tilespmem:$0x8200] =	vst v63  }
0x35: {  	s16 =	sadd.s32 s26, s16;
	s26 =	sand.u32 $0x1, s19;
	_ =	strace @p5 $0x90000053  }
0x36: {  	s24 =	sadd.s32 $0x1, s26;
	_ =	strace $0x80000054  }
0x37: {  	_ =	swait.ge [sflag:s24], $0x100  }
0x38: {  	[sflag:s24] =	ssyncset.done $0x0  }
0x39: {  	s20 =	simm.s32 $0x1;
	[sflag:s24] =	ssyncadd.s32 $0xFFFFFF00  }
0x3a: {  	s20 =	simm.s32 @!p5 $0x0;
	_ =	strace $0x90000054  }
0x3b: {  	s14 =	sadd.s32 s20, s14;
	s20 =	sand.u32 $0x1, s16;
	_ =	strace $0x80000055  }
0x3c: {  	s29 =	sshll.u32 s19, $0x8;
	s25 =	sshll.u32 s20, $0xE;
	s26 =	rddreg [dreg:$0x4]  }
0x3d: {  	s29 =	sand.u32 $0x100, s29;
	s22 =	sor.u32 $0x200, s25;
	s30 =	rddreg [dreg:$0x3]  }
0x3e: {  	[tilespmem:s22], [sflag:$0x5] =	stream.indirect.gather [hbm4b:s30+s26], $0x40, s29, s26, $0x2000b8;
	[tilespmem:$0x8200] =	vst v63  }
0x3f: {  	_ =	swait.ge [sflag:s8], $0x4000  }
0x40: {  	s31 =	sadd.s32 $0x1, s17;
	[sflag:s8] =	ssyncset.done $0x0  }
0x41: {  	s23 =	sadd.s32 s4, s11;
	s11 =	smov.u32 s17;
	[sflag:s8] =	ssyncadd.s32 $0xFFFFC000  }
0x42: {  	p3 =	seq.s32 s31, $0x10;
	s17 =	smov.u32 s31;
	_ =	strace $0x90000055  }
0x43: {  	s17 =	simm.s32 @p3 $0x0;
	s31 =	sld [smem:$0x7FD]  }
0x44: {  	p6 =	sne.s32 s12, $0x1;
	p0 =	sne.s32 s21, $0x10;
	p3 =	sne.s32 s11, s17  }
0x45: {  	p5 =	por !p6, !p3;
	p6 =	seq.s32 s21, $0x1;
	s21 =	simm.s32 $0x1  }
0x46: {  	s21 =	simm.s32 @!p0 $0x0;
	p0 =	seq.s32 s31, $0x1  }
.Ltmp0:
0x47: {  	s30 =	sld [smem:$0x7FC];
	(pc) =	sbr.rel @p0 .LBB2_2-.Ltmp0, $4  }
0x48: {  	_ = 	snop  }
0x49: {  	p4 =	seq.s32 s12, $0x10  }
0x4a: {  	p1 =	por p2, p2;
	p2 =	por p4, p4;
	p4 =	seq.s32 s30, $0x1  }
0x4b: {  	p6 =	por p6, p4  }
0x4c: {  	_ =	strace @p6 $0x80000056;
	s23 =	sshll.u32 @p6 s23, $0xB  }
0x4d: {  	s18 =	rddreg [dreg:$0x5];
	s23 =	sand.u32 @p6 $0x1FFFF800, s23  }
0x4e: {  	s20 =	sadd.s32 @p6 $0x3, s20;
	s18 =	sadd.s32 @p6 s18, s23;
	s23 =	simm.s32 @p6 $0x0  }
0x4f: {  	[hbm4b:s18+s23] =	stream.linear.scatter @p6 [tilespmem:s22], [sflag:s20], $0x4000, $0x200038;
	[tilespmem:$0x8200] =	vst v63  }
0x50: {  	p0 =	por !p5, !p5;
	_ =	strace @p6 $0x90000056  }
0x51: {  	s15 =	sadd.s32 @!p1 $0x3, s15;
	s17 =	sadd.s32 @p0 s4, s17;
	_ =	strace @!p1 $0x80000057  }
0x52: {  	s14 =	sand.u32 @p0 $0x1, s14;
	s17 =	sshll.u32 @p0 s17, $0x5;
	_ =	swait.ge @!p1 [sflag:s15], $0x4000  }
0x53: {  	s18 =	simm.s32 $0x1;
	s20 =	sshll.u32 @p0 s14, $0x8;
	[sflag:s15] =	ssyncset.done @!p1 $0x0  }
0x54: {  	s14 =	sadd.s32 @p0 $0x1, s14;
	s18 =	simm.s32 @!p6 $0x0;
	[sflag:s15] =	ssyncadd.s32 @!p1 $0xFFFFC000  }
0x55: {  	s19 =	sadd.s32 s18, s19;
	s15 =	sand.u32 @p0 $0x1FFFFFE0, s17;
	_ =	strace @!p1 $0x90000057  }
0x56: {  	s17 =	simm.s32 @p0 $0x0;
	s15 =	sadd.s32 @p0 s3, s15;
	_ =	strace @p0 $0x80000053  }
0x57: {  	[tilespmem:s20], [sflag:s14] =	stream.linear.gather @p0 [hbm4b:s15+s17], $0x100, $0x200038;
	[tilespmem:$0x8200] =	vst v63  }
0x58: {  	s25 =	sand.u32 $0x1, s19;
	_ =	strace @p0 $0x90000053  }
0x59: {  	s14 =	sadd.s32 $0x1, s25;
	_ =	strace $0x80000054  }
0x5a: {  	_ =	swait.ge [sflag:s14], $0x100  }
0x5b: {  	[sflag:s14] =	ssyncset.done $0x0  }
0x5c: {  	[sflag:s14] =	ssyncadd.s32 $0xFFFFFF00  }
0x5d: {  	s26 =	sadd.s32 s18, s16;
	_ =	strace $0x90000054  }
0x5e: {  	s14 =	sand.u32 $0x1, s26;
	_ =	strace $0x80000055  }
0x5f: {  	s30 =	sshll.u32 s19, $0x8;
	s31 =	sshll.u32 s14, $0xE;
	s28 =	rddreg [dreg:$0x4]  }
0x60: {  	s17 =	sand.u32 $0x100, s30;
	s18 =	sor.u32 $0x200, s31;
	s29 =	rddreg [dreg:$0x3]  }
0x61: {  	[tilespmem:s18], [sflag:$0x5] =	stream.indirect.gather [hbm4b:s29+s28], $0x40, s17, s28, $0x2000b8;
	[tilespmem:$0x8200] =	vst v63  }
0x62: {  	_ =	swait.ge [sflag:s8], $0x4000  }
0x63: {  	[sflag:s8] =	ssyncset.done $0x0  }
0x64: {  	p5 =	por p3, p3;
	p6 =	seq.s32 s12, $0x1;
	[sflag:s8] =	ssyncadd.s32 $0xFFFFC000  }
0x65: {  	s11 =	sadd.s32 s4, s11;
	p0 =	por p6, p5;
	_ =	strace $0x90000055  }
0x66: {  	s11 =	sshll.u32 @p0 s11, $0xB;
	_ =	strace @p0 $0x80000056  }
0x67: {  	s13 =	sadd.s32 s21, s13;
	s11 =	sand.u32 @p0 $0x1FFFF800, s11;
	s12 =	rddreg [dreg:$0x5]  }
0x68: {  	s14 =	sadd.s32 @p0 $0x3, s14;
	s11 =	sadd.s32 @p0 s12, s11;
	s12 =	simm.s32 @p0 $0x0  }
0x69: {  	[hbm4b:s11+s12] =	stream.linear.scatter @p0 [tilespmem:s18], [sflag:s14], $0x4000, $0x200038;
	[tilespmem:$0x8200] =	vst v63  }
0x6a: {  	p1 =	por p2, p2;
	s11 =	sand.u32 @!p2 $0x1, s13;
	_ =	strace @p0 $0x90000056  }
0x6b: {  	s11 =	sadd.s32 @!p1 $0x3, s11;
	_ =	strace @!p1 $0x80000057  }
0x6c: {  	_ =	swait.ge @!p1 [sflag:s11], $0x4000  }
0x6d: {  	[sflag:s11] =	ssyncset.done @!p1 $0x0  }
0x6e: {  	s10 =	sadd.s32 $0x1, s10;
	[sflag:s11] =	ssyncadd.s32 @!p1 $0xFFFFC000  }
0x6f: {  	p0 =	sne.s32 s10, s6;
	_ =	strace @!p1 $0x90000057  }
.Ltmp1:
0x70: {  	_ =	strace $0x80000058;
	(pc) =	sbr.rel @p0 .LBB2_1-.Ltmp1, $4  }
0x71: {  	_ =	swait.ge [sflag:s9], $0x4000  }
0x72: {  	[sflag:s9] =	ssyncset.done $0x0  }
0x73: {  	[sflag:s9] =	ssyncadd.s32 $0xFFFFC000  }
0x74: {  	_ =	strace $0x90000058  }
0x75: {  	_ =	sfence.sel $0x180000  }
0x76: {  	[bflag:$0x0] =	sbarrier.arrive $0xFFFF  }
0x77: {  	p0 =	sne.s32 s2, $0x0;
	_ =	strace $0x90000051  }
0x78: {  	s0 =	sadd.s32 @!p0 $0x100000, s0;
	[bflag:$0x2] =	sbarrier.arrive $0xFFFF  }
0x79: {  	[sflag:s0] =	ssyncadd.tile.s32 @!p0 $0x1;
	_ =	shalt  }
.Lfunc_end2:
_tile_overlayer_lowered:
.L_overlay_start_2:
0x7a: {  	(tag) =	ssettag $0x2  }
0x7b: {  	s0 =	rddreg [dreg:$0x0];
	s2 =	stileid.u32  }
0x7c: {  	s1 =	rddreg [dreg:$0x1];
	p0 =	sne.s32 s2, $0x0  }
0x7d: {  	s3 =	rddreg [dreg:$0x2];
	[bflag:$0x3] =	sbarrier.arrive $0xFFFF;
	s2 =	simm.s32 @!p0 $0x1C01  }
0x7e: {  	[timem:s3], [sflag:s2] =	dma.local @!p0 [hbm:s0], s1  }
0x7f: {  	s0 =	simm.s32 @!p0 $0x1  }
0x80: {  	_ =	swait.ge @!p0 [sflag:s0], s1  }
0x81: {  	s1 =	ssub.s32 @!p0 $0x0, s1;
	[sflag:s0] =	ssyncset.done @!p0 $0x0  }
0x82: {  	[sflag:s0] =	ssyncadd.s32 @!p0 s1  }
0x83: {  	[bflag:$0x3] =	sbarrier.arrive $0xFFFF  }
0x84: {  	_ =	shalt  }

// kernel: kernel.9.cloned.1.call-start
scs
__scs_entry_jumppad:
0x0: {  	(pc) =	sbr.rel $0x88, $3  }
0x1: {  	(tag) =	ssettag $0x0;
	lr =	simm.s32 $0x1  }
0x2: {  	[smem:$0x3F91] =	sst lr;
	_ =	strace $0xD0000000  }
0x3: {  	_ = 	snop  }
0x4: {  	_ = 	snop  }
0x5: {  	_ = 	snop  }
0x6: {  	_ = 	snop  }
0x7: {  	_ = 	snop  }
__scs_overlays_trampoline_lowered:
0x8: {  	[smem:$0x3FA0] =	sst s0  }
0x9: {  	[smem:$0x3FA1] =	sst s1  }
0xa: {  	[smem:$0x3FA2] =	sst s2  }
0xb: {  	[smem:$0x3FA3] =	sst s3  }
0xc: {  	[smem:$0x3FA4] =	sst s4  }
0xd: {  	[smem:$0x3FA5] =	sst s5  }
0xe: {  	[smem:$0x3FA6] =	sst s6  }
0xf: {  	[smem:$0x3FA7] =	sst s7  }
0x10: {  	[smem:$0x3FA8] =	sst s8  }
0x11: {  	[smem:$0x3FA9] =	sst s9;
	s0 =	simm.s32 @!p0 $0x0  }
0x12: {  	s1 =	sld [smem:$0x3F8F];
	s0 =	simm.s32 @p0 $0x1  }
0x13: {  	[smem:$0x3FAA] =	sst s0;
	s0 =	simm.s32 @!p1 $0x0  }
0x14: {  	s2 =	sld [smem:$0x3F8E];
	s0 =	simm.s32 @p1 $0x1  }
0x15: {  	[smem:$0x3FAB] =	sst s0;
	s0 =	simm.s32 @!p2 $0x0  }
0x16: {  	s3 =	sld [smem:$0x3FDB];
	s0 =	simm.s32 @p2 $0x1  }
0x17: {  	s4 =	simm.s32 $0x1BF5;
	[smem:$0x3FAD] =	sst s0  }
0x18: {  	s0 =	sld [smem:$0x3F90];
	_ =	swait.ge [sflag:s4], $0x0  }
0x19: {  	s7 =	sld [smem:$0x3F91]  }
0x1a: {  	s8 =	sadd.s32 $0xFFFFE003, lr  }
0x1b: {  	s9 =	sadd.s32 $0xFFFFFEF7, lr;
	s5 =	simm.s32 $0xFFFFFFFF;
	p2 =	slt.u32 s8, $0xFFFFF086  }
0x1c: {  	p1 =	slt.u32 s9, $0xF7A;
	s5 =	simm.s32 @!p2 $0x0  }
0x1d: {  	s5 =	simm.s32 @p1 $0x1;
	p0 =	seq.s32 s7, s2  }
0x1e: {  	s7 =	smul.u32 @!p0 $0xF7A, s2;
	p2 =	seq.s32 @!p0 s5, $0x0  }
0x1f: {  	s9 =	smul.u32 $0xF7A, s1;
	s8 =	simm.s32 @!p0 $0x1BF5;
	p2 =	por !p2, p0  }
0x20: {  	[sflag:s8] =	ssyncset.s32 @!p0 $0xFFFFF086;
	s6 =	sadd.s32 @!p0 s3, s7;
	s7 =	simm.s32 @!p0 $0x108  }
0x21: {  	s3 =	sadd.s32 s3, s9;
	s6 =	sadd.s32 @!p0 $0x88, s6;
	s7 =	simm.s32 @p2 $0x1082  }
0x22: {  	[simem:s7], [sflag:s8] =	dma.local @!p0 [hbm:s6], $0xF7A  }
0x23: {  	s9 =	sor.u32 $0xD0000000, s2;
	s6 =	simm.s32 $0x108;
	_ =	swait.ge @!p0 [sflag:s8], $0x0  }
0x24: {  	s3 =	sadd.s32 $0x88, s3;
	s6 =	simm.s32 @!p1 $0x1082;
	[sflag:s4] =	ssyncset.s32 $0xFFFFF086  }
0x25: {  	[simem:s6], [sflag:s4] =	dma.local [hbm:s3], $0xF7A  }
0x26: {  	[smem:$0x3F91] =	sst s1;
	(tag) =	ssettag s2;
	_ =	strace s9  }
0x27: {  	s1 =	sld [smem:$0x3FA1]  }
0x28: {  	s2 =	sld [smem:$0x3FA2]  }
0x29: {  	s4 =	sld [smem:$0x3FA4]  }
0x2a: {  	p0 =	seq.s32 s5, $0x0;
	s5 =	sld [smem:$0x3FA5]  }
0x2b: {  	s6 =	sld [smem:$0x3FA6]  }
0x2c: {  	s7 =	sld [smem:$0x3FA7]  }
0x2d: {  	s3 =	simm.s32 $0x108;
	s8 =	sld [smem:$0x3FA8]  }
0x2e: {  	s3 =	simm.s32 @!p0 $0x1082;
	s9 =	sld [smem:$0x3FA9]  }
0x2f: {  	lr =	sadd.s32 s0, s3;
	s0 =	sld [smem:$0x3FA0]  }
0x30: {  	s3 =	sld [smem:$0x3FA3]  }
0x31: {  	[smem:$0x3FAC] =	sst s10  }
0x32: {  	s10 =	sld [smem:$0x3FAA];
	_ =	sdelay $0x3  }
0x33: {  	p0 =	seq.s32 s10, $0x1;
	s10 =	sld [smem:$0x3FAC];
	_ =	sdelay $0x3  }
0x34: {  	[smem:$0x3FAC] =	sst s10  }
0x35: {  	s10 =	sld [smem:$0x3FAB];
	_ =	sdelay $0x3  }
0x36: {  	p1 =	seq.s32 s10, $0x1;
	s10 =	sld [smem:$0x3FAC];
	_ =	sdelay $0x3  }
0x37: {  	[smem:$0x3FAC] =	sst s10  }
0x38: {  	s10 =	sld [smem:$0x3FAD]  }
0x39: {  	_ = 	snop;
	(pc) =	sbr.ind lr, $3  }
0x3a: {  	_ = 	snop  }
0x3b: {  	_ = 	snop  }
0x3c: {  	p2 =	seq.s32 s10, $0x1;
	s10 =	sld [smem:$0x3FAC]  }
0x3d: {  	_ =	shalt  }
0x3e: {  	_ =	shalt  }
0x3f: {  	_ =	shalt  }
0x40: {  	_ =	shalt  }
0x41: {  	_ =	shalt  }
0x42: {  	_ =	shalt  }
0x43: {  	_ =	shalt  }
0x44: {  	_ =	shalt  }
0x45: {  	_ =	shalt  }
0x46: {  	_ =	shalt  }
0x47: {  	_ =	shalt  }
0x48: {  	_ =	shalt  }
0x49: {  	_ =	shalt  }
0x4a: {  	_ =	shalt  }
0x4b: {  	_ =	shalt  }
0x4c: {  	_ =	shalt  }
0x4d: {  	_ =	shalt  }
0x4e: {  	_ =	shalt  }
0x4f: {  	_ =	shalt  }
0x50: {  	_ =	shalt  }
0x51: {  	_ =	shalt  }
0x52: {  	_ =	shalt  }
0x53: {  	_ =	shalt  }
0x54: {  	_ =	shalt  }
0x55: {  	_ =	shalt  }
0x56: {  	_ =	shalt  }
0x57: {  	_ =	shalt  }
0x58: {  	_ =	shalt  }
0x59: {  	_ =	shalt  }
0x5a: {  	_ =	shalt  }
0x5b: {  	_ =	shalt  }
0x5c: {  	_ =	shalt  }
0x5d: {  	_ =	shalt  }
0x5e: {  	_ =	shalt  }
0x5f: {  	_ =	shalt  }
0x60: {  	_ =	shalt  }
0x61: {  	_ =	shalt  }
0x62: {  	_ =	shalt  }
0x63: {  	_ =	shalt  }
0x64: {  	_ =	shalt  }
0x65: {  	_ =	shalt  }
0x66: {  	_ =	shalt  }
0x67: {  	_ =	shalt  }
0x68: {  	_ =	shalt  }
0x69: {  	_ =	shalt  }
0x6a: {  	_ =	shalt  }
0x6b: {  	_ =	shalt  }
0x6c: {  	_ =	shalt  }
0x6d: {  	_ =	shalt  }
0x6e: {  	_ =	shalt  }
0x6f: {  	_ =	shalt  }
0x70: {  	_ =	shalt  }
0x71: {  	_ =	shalt  }
0x72: {  	_ =	shalt  }
0x73: {  	_ =	shalt  }
0x74: {  	_ =	shalt  }
0x75: {  	_ =	shalt  }
0x76: {  	_ =	shalt  }
0x77: {  	_ =	shalt  }
0x78: {  	_ =	shalt  }
0x79: {  	_ =	shalt  }
0x7a: {  	_ =	shalt  }
0x7b: {  	_ =	shalt  }
0x7c: {  	_ =	shalt  }
0x7d: {  	_ =	shalt  }
0x7e: {  	_ =	shalt  }
0x7f: {  	_ =	shalt  }
0x80: {  	_ =	shalt  }
0x81: {  	_ =	shalt  }
0x82: {  	_ =	shalt  }
0x83: {  	_ =	shalt  }
0x84: {  	_ =	shalt  }
0x85: {  	_ =	shalt  }
0x86: {  	_ =	shalt  }
0x87: {  	_ =	shalt  }
.Lfunc_end0:
.L_simem_size_0:
called_computation_lowered:
.L_overlay_start_0:
0x88: {  	s2 =	sld [smem:$0x3FD9]  }
0x89: {  	s3 =	sld [smem:$0x3FFE];
	_ =	sdelay $0x1  }
0x8a: {  	s1 =	srdreg.scid  }
0x8b: {  	s0 =	sand.u32 $0x1, s1  }
0x8c: {  	s14 =	sshll.u32 s0, $0xA;
	s2 =	sadd.s32 s3, s2  }
0x8d: {  	s2 =	sadd.s32 s2, s14  }
0x8e: {  	[smem:$0x3FB8] =	sst s2  }
0x8f: {  	_ = 	snop  }
0x90: {  	s2 =	sld [smem:$0x3FD0];
	_ =	sdelay $0x2  }
0x91: {  	s15 =	simm.s32 $0xA;
	s4 =	simm.s32 $0x10  }
0x92: {  	[smem:s4], [sflag:s15] =	dma.local [hbm:s2], $0x1  }
0x93: {  	_ =	swait.eq [sflag:s15], $0x1  }
0x94: {  	[sflag:s15] =	ssyncset.done $0x0  }
0x95: {  	[sflag:s15] =	ssyncadd.s32 $0xFFFFFFFF  }
0x96: {  	s16 =	sld [smem:$0x10];
	(tm) =	ssettm $0x1  }
0x97: {  	s17 =	sld [smem:$0x3FFB];
	_ =	sdelay $0x3  }
0x98: {  	_ =	strace s17  }
0x99: {  	s3 =	sld [smem:$0x3FFC];
	_ =	sdelay $0x3  }
0x9a: {  	_ =	strace s3  }
0x9b: {  	s3 =	sld [smem:$0x3FFD];
	_ =	sdelay $0x3  }
0x9c: {  	_ =	strace s3  }
0x9d: {  	_ =	strace $0x8FFFFFFF  }
0x9e: {  	s18 =	sld [smem:$0x3FDB];
	_ =	sdelay $0x1  }
0x9f: {  	s19 =	simm.s32 $_scs_section_size  }
0xa0: {  	s5 =	simm.s32 $_size__tile_overlayer_lowered;
	s6 =	simm.s32 $_tile_overlayer_lowered  }
0xa1: {  	s22 =	simm.s32 $0x1BFF;
	s21 =	sshll.u32 s6, $0x1;
	s3 =	sadd.s32 s19, s18  }
0xa2: {  	s7 =	simm.s32 $0x0;
	s20 =	sshll.u32 s5, $0x1;
	s5 =	sadd.s32 s21, s3  }
0xa3: {  	[timem:s7], [sflag:s22] =	dma.local [hbm:s5], s20  }
0xa4: {  	_ =	swait.ge [sflag:s22], s20  }
0xa5: {  	s4 =	ssub.s32 $0x0, s20;
	[sflag:s22] =	ssyncset.done $0x0  }
0xa6: {  	[sflag:s22] =	ssyncadd.s32 s4;
	_ =	sdelay $0x1  }
0xa7: {  	s23 =	simm.s32 $0x1B8B  }
0xa8: {  	_ =	swait.ge [sflag:s23], $0x1  }
0xa9: {  	[sflag:s23] =	ssyncset.done $0x0  }
0xaa: {  	s25 =	simm.s32 $0x1B8E;
	s24 =	sld [smem:$0x3FFE];
	[sflag:s23] =	ssyncadd.s32 $0xFFFFFFFF  }
0xab: {  	s26 =	simm.s32 $execute0_lowered;
	[smem:$0x3FD2] =	sst s25  }
0xac: {  	s5 =	sshll.u32 s26, $0x1;
	_ =	strace $0x80000046;
	[dreg:$0x1] =	wrdreg $0xFFFFFFFF  }
0xad: {  	s28 =	simm.s32 $_size_execute0_lowered;
	s3 =	sadd.s32 s3, s5;
	[dreg:$0x0] =	wrdreg $0x0  }
0xae: {  	s5 =	sshll.u32 s28, $0x1;
	[dreg:$0x2] =	wrdreg s3  }
0xaf: {  	[dreg:$0x3] =	wrdreg s5  }
0xb0: {  	[dreg:$0x4] =	wrdreg $0xC0  }
0xb1: {  	_ =	task [dreg:s7], $0x5FFFF  }
0xb2: {  	[dreg:$0x1] =	wrdreg $0xFFFFFFFF  }
0xb3: {  	[dreg:$0x0] =	wrdreg $0x60  }
0xb4: {  	[dreg:$0x2] =	wrdreg s24  }
0xb5: {  	[dreg:$0x3] =	wrdreg s16  }
0xb6: {  	[dreg:$0x4] =	wrdreg $0x9  }
0xb7: {  	_ =	task.clear_ibuf [dreg:s7], $0x5FFFF;
	_ =	strace $0x90000046  }
0xb8: {  	s29 =	simm.s32 $0x9;
	_ =	strace $0x8000004F  }
0xb9: {  	_ =	swait.ge [sflag:s29], $0x1  }
0xba: {  	[sflag:s29] =	ssyncadd.s32 $0xFFFFFFFF  }
0xbb: {  	_ =	strace $0x9000004F  }
0xbc: {  	_ =	sfence  }
0xbd: {  	s30 =	sld [smem:$0x0];
	_ =	sdelay $0x2  }
0xbe: {  	s31 =	sshll.u32 s1, $0xD;
	s1 =	sshrl.u32 s1, $0x2  }
0xbf: {  	s3 =	sand.u32 $0x4000, s31;
	s1 =	sadd.s32 s1, s30  }
0xc0: {  	s0 =	sor.u32 s3, s0;
	s1 =	sshll.u32 s1, $0x11  }
0xc1: {  	s0 =	sor.u32 s1, s0  }
0xc2: {  	s0 =	sadd.s32 $0x8F2B, s0  }
0xc3: {  	[sflag:s0] =	ssyncadd.remote.s32 $0x1  }
0xc4: {  	_ =	sfence.sel $0xFFFF  }
0xc5: {  	[dreg:$0x0] =	wrdreg $0xFFFFFFFF;
	(pc) =	sbr.abs _section_cstart, $3  }
0xc6: {  	[dreg:$0x1] =	wrdreg $0xFFFFFFFF  }
0xc7: {  	_ =	task.clear_ibuf [dreg:s7], $0x2FFFF;
	_ =	strace $0x9FFFFFFF  }
0xc8: {  	(tm) =	ssettm $0x7FFFFFFF  }
0xc9: {  	_ =	shalt  }
tec
execute0_lowered:
.L_overlay_start_1:
0x0: {  	(tag) =	ssettag $0x1  }
0x1: {  	s3 =	rddreg [dreg:$0x0]  }
0x2: {  	s0 =	rddreg [dreg:$0x1]  }
0x3: {  	s1 =	simm.s32 $0x0;
	[dreg:$0x5] =	wrdreg s0  }
0x4: {  	s2 =	srdreg.scid;
	s8 =	simm.s32 $0x80;
	s0 =	rddreg [dreg:$0x2]  }
0x5: {  	s9 =	simm.s32 $0x4;
	s10 =	simm.s32 $0x0;
	[smem:$0x7FF] =	sst s1  }
0x6: {  	s4 =	sadd.s32 $0x6800, s3;
	s5 =	sand.u32 $0x1, s2;
	s2 =	stileid.u32  }
0x7: {  	s3 =	sadd.s32 $0x2800, s3;
	_ =	strace $0x80000047;
	[dreg:$0x3] =	wrdreg s4  }
0x8: {  	s6 =	ssub.s32 $0x2, s5;
	s5 =	sshll.u32 s5, $0x4;
	[dreg:$0x4] =	wrdreg s8  }
0x9: {  	s8 =	simm.s32 $0x5;
	s31 =	sshrl.u32 s6, $0x1;
	s5 =	sor.u32 s2, s5  }
0xa: {  	s6 =	ssub.s32 s6, s31;
	s7 =	sshll.u32 s5, $0x9;
	s4 =	sshll.u32 s5, $0x5  }
0xb: {  	s5 =	sadd.s32 s3, s7;
	s6 =	smax.u32 s6, $0x1;
	s7 =	simm.s32 $0x1  }
.LBB2_1:
0xc: {  	_ =	strace $0x80000048;
	s11 =	simm.s32 $0x1;
	p0 =	por $0x0, $0x0  }
0xd: {  	[tilespmem:s1], [sflag:$0x1] =	stream.linear.gather [hbm4b:s5+s1], $0x80, $0x200038;
	[tilespmem:$0x1100] =	vst v63  }
0xe: {  	s11 =	simm.s32 @p0 $0x0  }
0xf: {  	p4 =	por $0x1, $0x1;
	s20 =	sand.u32 $0x1, s1;
	p1 =	sne.s32 s11, $0x0  }
0x10: {  	p2 =	por $0x1, $0x1;
	s18 =	simm.s32 $0x1E;
	p0 =	por !p4, !p1  }
0x11: {  	s16 =	simm.s32 $0x0;
	p5 =	por $0x0, $0x0;
	p0 =	por !p0, !p0  }
0x12: {  	s23 =	sadd.s32 $0x0, s4;
	s30 =	sadd.s32 $0x1, s20;
	s12 =	sadd.s32 @p0 s4, s11  }
0x13: {  	_ =	strace $0x90000048;
	s13 =	sand.u32 @p0 $0x1, s7;
	s12 =	sshll.u32 @p0 s12, $0x4  }
0x14: {  	_ =	strace @p0 $0x80000049;
	s15 =	simm.s32 @p0 $0x0;
	s12 =	sand.u32 @p0 $0x1FFFFFF0, s12  }
0x15: {  	s14 =	sshll.u32 @p0 s13, $0x7;
	s13 =	sadd.s32 @p0 $0x1, s13;
	s12 =	sadd.s32 @p0 s3, s12  }
0x16: {  	[tilespmem:s14], [sflag:s13] =	stream.linear.gather @p0 [hbm4b:s12+s15], $0x80, $0x200038;
	[tilespmem:$0x1100] =	vst v63  }
0x17: {  	p3 =	por p2, p2;
	s21 =	sshll.u32 s20, $0xB;
	_ =	strace @p0 $0x90000049  }
0x18: {  	s16 =	sand.u32 $0x80, s16;
	p2 =	por p5, p5;
	_ =	strace $0x8000004A  }
0x19: {  	s17 =	sadd.s32 $0x1, s11;
	s22 =	sor.u32 $0x100, s21;
	_ =	swait.ge [sflag:s30], $0x80  }
0x1a: {  	s21 =	simm.s32 $0x1;
	p6 =	por p1, p1;
	[sflag:s30] =	ssyncset.done $0x0  }
0x1b: {  	p1 =	por p3, p3;
	p4 =	por $0x1, $0x1;
	[sflag:s30] =	ssyncadd.s32 $0xFFFFFF80  }
0x1c: {  	s12 =	simm.s32 $0x1F;
	s15 =	sand.u32 @!p3 $0x1, s1;
	_ =	strace $0x9000004A  }
0x1d: {  	s13 =	simm.s32 $0x1;
	p3 =	seq.s32 s17, $0x20;
	_ =	strace $0x8000004B  }
0x1e: {  	s13 =	simm.s32 @!p0 $0x0;
	s17 =	simm.s32 @p3 $0x0;
	s19 =	rddreg [dreg:$0x4]  }
0x1f: {  	p0 =	por $0x0, $0x0;
	s14 =	sadd.s32 $0x1, s13;
	s31 =	rddreg [dreg:$0x3]  }
0x20: {  	[tilespmem:s22], [sflag:$0x5] =	stream.indirect.gather [hbm4b:s31+s19], $0x10, s16, s19, $0x2000b8;
	[tilespmem:$0x1100] =	vst v63  }
0x21: {  	p3 =	sne.s32 s11, s17;
	s21 =	simm.s32 @!p0 $0x0;
	_ =	swait.ge [sflag:s8], $0x800  }
0x22: {  	p5 =	por !p4, !p3;
	p4 =	por $0x0, $0x0;
	[sflag:s8] =	ssyncset.done $0x0  }
0x23: {  	s13 =	simm.s32 $0x0;
	p6 =	por p4, p6;
	[sflag:s8] =	ssyncadd.s32 $0xFFFFF800  }
0x24: {  	s16 =	simm.s32 $0x0;
	s19 =	simm.s32 $0x0;
	_ =	strace $0x9000004B  }
.LBB2_2:
0x25: {  	_ =	strace @p6 $0x8000004C;
	s13 =	sadd.s32 s21, s13;
	s21 =	smov.u32 s12  }
0x26: {  	s12 =	smov.u32 s18;
	s18 =	sadd.s32 $0xFFFFFFFF, s18;
	p0 =	por p3, p3  }
0x27: {  	s28 =	sshll.u32 @p6 s23, $0x8;
	s20 =	sadd.s32 @p6 $0x3, s20;
	s24 =	simm.s32 @!p0 $0x0  }
0x28: {  	s25 =	rddreg [dreg:$0x5];
	s28 =	sand.u32 @p6 $0x1FFFFF00, s28;
	s24 =	simm.s32 @p0 $0x1  }
0x29: {  	s25 =	sadd.s32 @p6 s25, s28;
	s28 =	simm.s32 @p6 $0x0;
	p0 =	sne.s32 s18, $0x0  }
0x2a: {  	[hbm4b:s25+s28] =	stream.linear.scatter @p6 [tilespmem:s22], [sflag:s20], $0x800, $0x200038;
	[tilespmem:$0x1100] =	vst v63  }
0x2b: {  	s20 =	sadd.s32 @!p1 $0x3, s15;
	s15 =	simm.s32 @!p0 $0x0  }
0x2c: {  	s26 =	simm.s32 $0x1;
	[smem:$0x7FC] =	sst s24;
	s15 =	simm.s32 @p0 $0x1  }
0x2d: {  	s26 =	simm.s32 @!p6 $0x0;
	_ =	strace @p6 $0x9000004C;
	[smem:$0x7FD] =	sst s15  }
0x2e: {  	p5 =	por !p5, !p5;
	s19 =	sadd.s32 s26, s19;
	_ =	strace @!p1 $0x8000004D  }
0x2f: {  	s24 =	sand.u32 @!p2 $0x1, s13;
	s22 =	sand.u32 @p5 $0x1, s14;
	_ =	swait.ge @!p1 [sflag:s20], $0x800  }
0x30: {  	s15 =	smov.u32 s24;
	s24 =	sadd.s32 @p5 s4, s17;
	[sflag:s20] =	ssyncset.done @!p1 $0x0  }
0x31: {  	s25 =	sshll.u32 @p5 s22, $0x7;
	s24 =	sshll.u32 @p5 s24, $0x4;
	[sflag:s20] =	ssyncadd.s32 @!p1 $0xFFFFF800  }
0x32: {  	s20 =	sadd.s32 @p5 $0x1, s22;
	s22 =	sand.u32 @p5 $0x1FFFFFF0, s24;
	_ =	strace @!p1 $0x9000004D  }
0x33: {  	s24 =	simm.s32 @p5 $0x0;
	s22 =	sadd.s32 @p5 s3, s22;
	_ =	strace @p5 $0x80000049  }
0x34: {  	[tilespmem:s25], [sflag:s20] =	stream.linear.gather @p5 [hbm4b:s22+s24], $0x80, $0x200038;
	[tilespmem:$0x1100] =	vst v63  }
0x35: {  	s16 =	sadd.s32 s26, s16;
	s26 =	sand.u32 $0x1, s19;
	_ =	strace @p5 $0x90000049  }
0x36: {  	s24 =	sadd.s32 $0x1, s26;
	_ =	strace $0x8000004A  }
0x37: {  	_ =	swait.ge [sflag:s24], $0x80  }
0x38: {  	[sflag:s24] =	ssyncset.done $0x0  }
0x39: {  	s20 =	simm.s32 $0x1;
	[sflag:s24] =	ssyncadd.s32 $0xFFFFFF80  }
0x3a: {  	s20 =	simm.s32 @!p5 $0x0;
	_ =	strace $0x9000004A  }
0x3b: {  	s14 =	sadd.s32 s20, s14;
	s20 =	sand.u32 $0x1, s16;
	_ =	strace $0x8000004B  }
0x3c: {  	s29 =	sshll.u32 s19, $0x7;
	s25 =	sshll.u32 s20, $0xB;
	s26 =	rddreg [dreg:$0x4]  }
0x3d: {  	s29 =	sand.u32 $0x80, s29;
	s22 =	sor.u32 $0x100, s25;
	s30 =	rddreg [dreg:$0x3]  }
0x3e: {  	[tilespmem:s22], [sflag:$0x5] =	stream.indirect.gather [hbm4b:s30+s26], $0x10, s29, s26, $0x2000b8;
	[tilespmem:$0x1100] =	vst v63  }
0x3f: {  	_ =	swait.ge [sflag:s8], $0x800  }
0x40: {  	s31 =	sadd.s32 $0x1, s17;
	[sflag:s8] =	ssyncset.done $0x0  }
0x41: {  	s23 =	sadd.s32 s4, s11;
	s11 =	smov.u32 s17;
	[sflag:s8] =	ssyncadd.s32 $0xFFFFF800  }
0x42: {  	p3 =	seq.s32 s31, $0x20;
	s17 =	smov.u32 s31;
	_ =	strace $0x9000004B  }
0x43: {  	s17 =	simm.s32 @p3 $0x0;
	s31 =	sld [smem:$0x7FD]  }
0x44: {  	p6 =	sne.s32 s12, $0x1;
	p0 =	sne.s32 s21, $0x20;
	p3 =	sne.s32 s11, s17  }
0x45: {  	p5 =	por !p6, !p3;
	p6 =	seq.s32 s21, $0x1;
	s21 =	simm.s32 $0x1  }
0x46: {  	s21 =	simm.s32 @!p0 $0x0;
	p0 =	seq.s32 s31, $0x1  }
.Ltmp0:
0x47: {  	s30 =	sld [smem:$0x7FC];
	(pc) =	sbr.rel @p0 .LBB2_2-.Ltmp0, $4  }
0x48: {  	_ = 	snop  }
0x49: {  	p4 =	seq.s32 s12, $0x20  }
0x4a: {  	p1 =	por p2, p2;
	p2 =	por p4, p4;
	p4 =	seq.s32 s30, $0x1  }
0x4b: {  	p6 =	por p6, p4  }
0x4c: {  	_ =	strace @p6 $0x8000004C;
	s23 =	sshll.u32 @p6 s23, $0x8  }
0x4d: {  	s18 =	rddreg [dreg:$0x5];
	s23 =	sand.u32 @p6 $0x1FFFFF00, s23  }
0x4e: {  	s20 =	sadd.s32 @p6 $0x3, s20;
	s18 =	sadd.s32 @p6 s18, s23;
	s23 =	simm.s32 @p6 $0x0  }
0x4f: {  	[hbm4b:s18+s23] =	stream.linear.scatter @p6 [tilespmem:s22], [sflag:s20], $0x800, $0x200038;
	[tilespmem:$0x1100] =	vst v63  }
0x50: {  	p0 =	por !p5, !p5;
	_ =	strace @p6 $0x9000004C  }
0x51: {  	s15 =	sadd.s32 @!p1 $0x3, s15;
	s17 =	sadd.s32 @p0 s4, s17;
	_ =	strace @!p1 $0x8000004D  }
0x52: {  	s14 =	sand.u32 @p0 $0x1, s14;
	s17 =	sshll.u32 @p0 s17, $0x4;
	_ =	swait.ge @!p1 [sflag:s15], $0x800  }
0x53: {  	s18 =	simm.s32 $0x1;
	s20 =	sshll.u32 @p0 s14, $0x7;
	[sflag:s15] =	ssyncset.done @!p1 $0x0  }
0x54: {  	s14 =	sadd.s32 @p0 $0x1, s14;
	s18 =	simm.s32 @!p6 $0x0;
	[sflag:s15] =	ssyncadd.s32 @!p1 $0xFFFFF800  }
0x55: {  	s19 =	sadd.s32 s18, s19;
	s15 =	sand.u32 @p0 $0x1FFFFFF0, s17;
	_ =	strace @!p1 $0x9000004D  }
0x56: {  	s17 =	simm.s32 @p0 $0x0;
	s15 =	sadd.s32 @p0 s3, s15;
	_ =	strace @p0 $0x80000049  }
0x57: {  	[tilespmem:s20], [sflag:s14] =	stream.linear.gather @p0 [hbm4b:s15+s17], $0x80, $0x200038;
	[tilespmem:$0x1100] =	vst v63  }
0x58: {  	s25 =	sand.u32 $0x1, s19;
	_ =	strace @p0 $0x90000049  }
0x59: {  	s14 =	sadd.s32 $0x1, s25;
	_ =	strace $0x8000004A  }
0x5a: {  	_ =	swait.ge [sflag:s14], $0x80  }
0x5b: {  	[sflag:s14] =	ssyncset.done $0x0  }
0x5c: {  	[sflag:s14] =	ssyncadd.s32 $0xFFFFFF80  }
0x5d: {  	s26 =	sadd.s32 s18, s16;
	_ =	strace $0x9000004A  }
0x5e: {  	s14 =	sand.u32 $0x1, s26;
	_ =	strace $0x8000004B  }
0x5f: {  	s30 =	sshll.u32 s19, $0x7;
	s31 =	sshll.u32 s14, $0xB;
	s28 =	rddreg [dreg:$0x4]  }
0x60: {  	s17 =	sand.u32 $0x80, s30;
	s18 =	sor.u32 $0x100, s31;
	s29 =	rddreg [dreg:$0x3]  }
0x61: {  	[tilespmem:s18], [sflag:$0x5] =	stream.indirect.gather [hbm4b:s29+s28], $0x10, s17, s28, $0x2000b8;
	[tilespmem:$0x1100] =	vst v63  }
0x62: {  	_ =	swait.ge [sflag:s8], $0x800  }
0x63: {  	[sflag:s8] =	ssyncset.done $0x0  }
0x64: {  	p5 =	por p3, p3;
	p6 =	seq.s32 s12, $0x1;
	[sflag:s8] =	ssyncadd.s32 $0xFFFFF800  }
0x65: {  	s11 =	sadd.s32 s4, s11;
	p0 =	por p6, p5;
	_ =	strace $0x9000004B  }
0x66: {  	s11 =	sshll.u32 @p0 s11, $0x8;
	_ =	strace @p0 $0x8000004C  }
0x67: {  	s13 =	sadd.s32 s21, s13;
	s11 =	sand.u32 @p0 $0x1FFFFF00, s11;
	s12 =	rddreg [dreg:$0x5]  }
0x68: {  	s14 =	sadd.s32 @p0 $0x3, s14;
	s11 =	sadd.s32 @p0 s12, s11;
	s12 =	simm.s32 @p0 $0x0  }
0x69: {  	[hbm4b:s11+s12] =	stream.linear.scatter @p0 [tilespmem:s18], [sflag:s14], $0x800, $0x200038;
	[tilespmem:$0x1100] =	vst v63  }
0x6a: {  	p1 =	por p2, p2;
	s11 =	sand.u32 @!p2 $0x1, s13;
	_ =	strace @p0 $0x9000004C  }
0x6b: {  	s11 =	sadd.s32 @!p1 $0x3, s11;
	_ =	strace @!p1 $0x8000004D  }
0x6c: {  	_ =	swait.ge @!p1 [sflag:s11], $0x800  }
0x6d: {  	[sflag:s11] =	ssyncset.done @!p1 $0x0  }
0x6e: {  	s10 =	sadd.s32 $0x1, s10;
	[sflag:s11] =	ssyncadd.s32 @!p1 $0xFFFFF800  }
0x6f: {  	p0 =	sne.s32 s10, s6;
	_ =	strace @!p1 $0x9000004D  }
.Ltmp1:
0x70: {  	_ =	strace $0x8000004E;
	(pc) =	sbr.rel @p0 .LBB2_1-.Ltmp1, $4  }
0x71: {  	_ =	swait.ge [sflag:s9], $0x800  }
0x72: {  	[sflag:s9] =	ssyncset.done $0x0  }
0x73: {  	[sflag:s9] =	ssyncadd.s32 $0xFFFFF800  }
0x74: {  	_ =	strace $0x9000004E  }
0x75: {  	_ =	sfence.sel $0x180000  }
0x76: {  	[bflag:$0x0] =	sbarrier.arrive $0xFFFF  }
0x77: {  	p0 =	sne.s32 s2, $0x0;
	_ =	strace $0x90000047  }
0x78: {  	s0 =	sadd.s32 @!p0 $0x100000, s0;
	[bflag:$0x2] =	sbarrier.arrive $0xFFFF  }
0x79: {  	[sflag:s0] =	ssyncadd.tile.s32 @!p0 $0x1;
	_ =	shalt  }
.Lfunc_end2:
_tile_overlayer_lowered:
.L_overlay_start_2:
0x7a: {  	(tag) =	ssettag $0x2  }
0x7b: {  	s0 =	rddreg [dreg:$0x0];
	s2 =	stileid.u32  }
0x7c: {  	s1 =	rddreg [dreg:$0x1];
	p0 =	sne.s32 s2, $0x0  }
0x7d: {  	s3 =	rddreg [dreg:$0x2];
	[bflag:$0x3] =	sbarrier.arrive $0xFFFF;
	s2 =	simm.s32 @!p0 $0x1C01  }
0x7e: {  	[timem:s3], [sflag:s2] =	dma.local @!p0 [hbm:s0], s1  }
0x7f: {  	s0 =	simm.s32 @!p0 $0x1  }
0x80: {  	_ =	swait.ge @!p0 [sflag:s0], s1  }
0x81: {  	s1 =	ssub.s32 @!p0 $0x0, s1;
	[sflag:s0] =	ssyncset.done @!p0 $0x0  }
0x82: {  	[sflag:s0] =	ssyncadd.s32 @!p0 s1  }
0x83: {  	[bflag:$0x3] =	sbarrier.arrive $0xFFFF  }
0x84: {  	_ =	shalt  }

</sc_bundles>
